<compile_context>
chip_gen: v7x
topology: tpu7x:2x2x1
jax: 0.10.2.dev20260603
libtpu: 0.0.44.dev20260713+nightly
codegen_flags: <defaults>
</compile_context>

<pallas_src>
import jax
import jax.numpy as jnp
from jax import lax
from jax.experimental import pallas as pl
from jax.experimental.pallas import tpu as pltpu
from jax.experimental.pallas import tpu_sc as plsc

NC = 2
NS = 16
L = 16


def _lut_kernel(n_rows, w, n_b, n_c, rows_per_w, row_chunk):
    n_chunks = rows_per_w // row_chunk
    cols = w // L
    hp_rows = 256
    hp_per_w = rows_per_w // hp_rows
    chunks_per_hp = hp_rows // row_chunk
    mesh = plsc.VectorSubcoreMesh(
        core_axis_name="c", subcore_axis_name="s",
        num_cores=NC, num_subcores=NS)

    def body(im_hbm, it_hbm, out_hbm, lut_v,
             in0, in1, ou0, ou1, sin0, sin1, sou0, sou1):
        cid = lax.axis_index("c")
        sid = lax.axis_index("s")
        wid = sid * NC + cid
        base = wid * rows_per_w
        ins, ous = (in0, in1), (ou0, ou1)
        sins, sous = (sin0, sin1), (sou0, sou1)

        def in_slice(c):
            return im_hbm.at[pl.ds(base + c * row_chunk, row_chunk)]

        def out_slice(c):
            return out_hbm.at[pl.ds(base + c * row_chunk, row_chunk)]

        pltpu.async_copy(in_slice(0), in0, sin0)
        pltpu.async_copy(in_slice(1), in1, sin1)

        @pl.loop(0, n_chunks, step=2)
        def _c2(c0):
            for par in range(2):
                c = c0 + par
                inb, oub, sin, sou = ins[par], ous[par], sins[par], sous[par]

                @pl.when(c % chunks_per_hp == 0)
                def _():
                    hp = wid * hp_per_w + c // chunks_per_hp
                    p = hp // 2
                    pltpu.sync_copy(
                        it_hbm.at[(p % n_c) * n_b + p // n_c], lut_v)

                pltpu.make_async_copy(in_slice(c), inb, sin).wait()
                @pl.when(c0 >= 2)
                def _():
                    pltpu.make_async_copy(oub, out_slice(c), sou).wait()

                @plsc.parallel_loop(0, row_chunk)
                def _row(r):
                    for t in range(cols):
                        s = t * L
                        x = inb[r, pl.ds(s, L)]
                        t23 = x * 255.0 + 8388608.0
                        idx = plsc.bitcast(t23, jnp.int32) & 255
                        oub[r, pl.ds(s, L)] = plsc.load_gather(lut_v, [idx])

                pltpu.async_copy(oub, out_slice(c), sou)

                @pl.when(c0 + 2 < n_chunks)
                def _():
                    pltpu.async_copy(in_slice(c + 2), inb, sin)

        pltpu.make_async_copy(ou0, out_slice(n_chunks - 2), sou0).wait()
        pltpu.make_async_copy(ou1, out_slice(n_chunks - 1), sou1).wait()

    return pl.kernel(
        body,
        out_type=jax.ShapeDtypeStruct((n_rows, w), jnp.float32),
        mesh=mesh,
        scratch_types=[
            pltpu.VMEM((256,), jnp.float32),
            pltpu.VMEM((row_chunk, w), jnp.float32),
            pltpu.VMEM((row_chunk, w), jnp.float32),
            pltpu.VMEM((row_chunk, w), jnp.float32),
            pltpu.VMEM((row_chunk, w), jnp.float32),
            pltpu.SemaphoreType.DMA,
            pltpu.SemaphoreType.DMA,
            pltpu.SemaphoreType.DMA,
            pltpu.SemaphoreType.DMA,
        ],
        compiler_params=pltpu.CompilerParams(needs_layout_passes=False),
    )


def kernel(im, it):
    B, H, W, C = im.shape
    n_rows = B * C * H
    nw = NC * NS
    rows_per_w = n_rows // nw
    row_chunk = 32
    assert rows_per_w % row_chunk == 0
    im2 = im.transpose(0, 3, 1, 2).reshape(n_rows, W)
    it2 = it.transpose(2, 0, 1).reshape(C * B, it.shape[1])
    k = _lut_kernel(n_rows, W, B, C, rows_per_w, row_chunk)
    out = k(im2, it2)
    return out.reshape(B, C, H, W).transpose(0, 2, 3, 1)

# --- scband reference (transcript-rebuilt; emitter-appended) ---
"""Pipeline reference for scband-intensitiy-transform-3616362463510 (READ-ONLY COPY).

The authoritative reference and input builder live on the scoring server;
editing this copy changes nothing except your own understanding.
"""

import jax, jax.numpy as jnp
import numpy as np

CHANNELS = 3
INTENSITIES = 256


def setup_inputs(seed: int = 0) -> dict:
    key = jax.random.key(seed)
    k1, k2 = jax.random.split(key)
    im = jax.random.uniform(k1, (16, 512, 512, CHANNELS), dtype=jnp.float32)
    it = jax.random.uniform(k2, (16, INTENSITIES, CHANNELS), dtype=jnp.float32)
    return {"im": im, "it": it}


def reference(im, it):
    # Faithful translation of IntensitiyTransform.call:
    # per-batch, per-channel lookup-table transform.
    # out[b,h,w,c] = it[b, round((INTENSITIES-1)*im[b,h,w,c]), c]
    scale = INTENSITIES - 1
    idx = jnp.round(scale * im).astype(jnp.int32)  # [B,H,W,C]
    B, H, W, C = idx.shape
    idx_flat = idx.reshape(B, H * W, C)
    # gather along the intensity axis, per batch and per channel
    gathered = jnp.take_along_axis(it, idx_flat, axis=1)  # [B, H*W, C]
    return gathered.reshape(B, H, W, C)

if __name__ == "__main__":
    import jax
    _d = setup_inputs()
    print(jax.jit(kernel)(*tuple(_d.values())))

</pallas_src>

<mosaic_0001>
#map = affine_map<(d0, d1) -> (0, 0)>
module attributes {stable_mosaic.version = 14 : i64} {
  func.func @body(%arg0: i32, %arg1: i32, %arg2: memref<24576x512xf32, #tpu.memory_space<hbm>>, %arg3: memref<48x256xf32, #tpu.memory_space<hbm>>, %arg4: memref<24576x512xf32, #tpu.memory_space<hbm>>, %arg5: memref<256xf32, #tpu.memory_space<vmem>>, %arg6: memref<32x512xf32, #tpu.memory_space<vmem>>, %arg7: memref<32x512xf32, #tpu.memory_space<vmem>>, %arg8: memref<32x512xf32, #tpu.memory_space<vmem>>, %arg9: memref<32x512xf32, #tpu.memory_space<vmem>>, %arg10: memref<!tpu.dma_semaphore, #tpu.memory_space<semaphore_mem>>, %arg11: memref<!tpu.dma_semaphore, #tpu.memory_space<semaphore_mem>>, %arg12: memref<!tpu.dma_semaphore, #tpu.memory_space<semaphore_mem>>, %arg13: memref<!tpu.dma_semaphore, #tpu.memory_space<semaphore_mem>>) attributes {dimension_semantics = [#tpu.dimension_semantics<core_parallel>, #tpu.dimension_semantics<subcore_parallel>], iteration_bounds = array<i64: 2, 16>, scalar_prefetch = 0 : i64, scratch_operands = 9 : i64, tpu.core_type = #tpu.core_type<sc_vector_subcore>, window_params = [{transform_indices = #map}, {transform_indices = #map}, {transform_indices = #map}]} {
    %mul3A = arith.constant 2 : i32
    %mul3A_0 = arith.muli %arg1, %mul3A : i32
    %add3A = arith.addi %mul3A_0, %arg0 : i32
    %mul3A_1 = arith.constant 768 : i32
    %mul3A_2 = arith.muli %add3A, %mul3A_1 : i32
    %add3A_3 = arith.constant 0 : i32
    %add3A_4 = arith.addi %mul3A_2, %add3A_3 : i32
    %dma_start3A = arith.constant 0 : i32
    %dma_start3A_5 = tpu.memref_slice %arg2[%add3A_4, %dma_start3A] : memref<24576x512xf32, #tpu.memory_space<hbm>> -> memref<32x512xf32, #tpu.memory_space<hbm>>
    %dma_start3A_6 = arith.constant 0 : i32
    %dma_start3A_7 = tpu.memref_slice %arg2[%add3A_4, %dma_start3A_6] : memref<24576x512xf32, #tpu.memory_space<hbm>> -> memref<32x512xf32, #tpu.memory_space<hbm>>
    tpu.enqueue_dma source(%dma_start3A_7 : memref<32x512xf32, #tpu.memory_space<hbm>>) target(%arg6 : memref<32x512xf32, #tpu.memory_space<vmem>>) target_semaphore(%arg10 : memref<!tpu.dma_semaphore, #tpu.memory_space<semaphore_mem>>)
    %add3A_8 = arith.constant 32 : i32
    %add3A_9 = arith.addi %mul3A_2, %add3A_8 : i32
    %dma_start3A_10 = arith.constant 0 : i32
    %dma_start3A_11 = tpu.memref_slice %arg2[%add3A_9, %dma_start3A_10] : memref<24576x512xf32, #tpu.memory_space<hbm>> -> memref<32x512xf32, #tpu.memory_space<hbm>>
    %dma_start3A_12 = arith.constant 0 : i32
    %dma_start3A_13 = tpu.memref_slice %arg2[%add3A_9, %dma_start3A_12] : memref<24576x512xf32, #tpu.memory_space<hbm>> -> memref<32x512xf32, #tpu.memory_space<hbm>>
    tpu.enqueue_dma source(%dma_start3A_13 : memref<32x512xf32, #tpu.memory_space<hbm>>) target(%arg7 : memref<32x512xf32, #tpu.memory_space<vmem>>) target_semaphore(%arg11 : memref<!tpu.dma_semaphore, #tpu.memory_space<semaphore_mem>>)
    %scan3A = arith.constant 0 : i32
    %scan3A_14 = arith.constant 12 : i32
    %scan3A_15 = arith.addi %scan3A, %scan3A_14 : i32
    %scan3A_16 = arith.constant 1 : i32
    scf.for %scan3A_29 = %scan3A to %scan3A_15 step %scan3A_16  : i32 {
      %mul3A_30 = arith.constant 2 : i32
      %mul3A_31 = arith.muli %scan3A_29, %mul3A_30 : i32
      %add3A_32 = arith.constant 0 : i32
      %add3A_33 = arith.addi %add3A_32, %mul3A_31 : i32
      %add3A_34 = arith.constant 0 : i32
      %add3A_35 = arith.addi %add3A_33, %add3A_34 : i32
      %jit3A = arith.constant 8 : i32
      %eq3A = arith.constant 0 : i32
      %eq3A_36 = arith.cmpi eq, %jit3A, %eq3A : i32
      %jit3A_37 = arith.constant 1 : i32
      %select_n3A = arith.select %eq3A_36, %jit3A_37, %jit3A : i32
      %rem3A = arith.remsi %add3A_35, %select_n3A : i32
      %ne3A = arith.constant 0 : i32
      %ne3A_38 = arith.cmpi ne, %rem3A, %ne3A : i32
      %lt3A = arith.constant 0 : i32
      %lt3A_39 = arith.cmpi slt, %rem3A, %lt3A : i32
      %lt3A_40 = arith.constant 0 : i32
      %lt3A_41 = arith.cmpi slt, %select_n3A, %lt3A_40 : i32
      %ne3A_42 = arith.xori %lt3A_39, %lt3A_41 : i1
      %and3A = arith.andi %ne3A_42, %ne3A_38 : i1
      %add3A_43 = arith.addi %rem3A, %select_n3A : i32
      %select_n3A_44 = arith.select %and3A, %add3A_43, %rem3A : i32
      %eq3A_45 = arith.constant 0 : i32
      %eq3A_46 = arith.cmpi eq, %select_n3A_44, %eq3A_45 : i32
      %convert_element_type3A = arith.extui %eq3A_46 : i1 to i32
      %cond3A = arith.constant 0 : i32
      %cond3A_47 = arith.cmpi ne, %convert_element_type3A, %cond3A : i32
      scf.if %cond3A_47 {
        %mul3A_127 = arith.constant 3 : i32
        %mul3A_128 = arith.muli %add3A, %mul3A_127 : i32
        %jit3A_129 = arith.constant 8 : i32
        %div3A = arith.divsi %add3A_35, %jit3A_129 : i32
        %sign3A = arith.constant 0 : i32
        %sign3A_130 = arith.cmpi sgt, %add3A_35, %sign3A : i32
        %sign3A_131 = arith.extui %sign3A_130 : i1 to i32
        %sign3A_132 = arith.constant 0 : i32
        %sign3A_133 = arith.cmpi slt, %add3A_35, %sign3A_132 : i32
        %sign3A_134 = arith.extui %sign3A_133 : i1 to i32
        %sign3A_135 = arith.subi %sign3A_131, %sign3A_134 : i32
        %sign3A_136 = arith.constant 0 : i32
        %sign3A_137 = arith.cmpi sgt, %jit3A_129, %sign3A_136 : i32
        %sign3A_138 = arith.extui %sign3A_137 : i1 to i32
        %sign3A_139 = arith.constant 0 : i32
        %sign3A_140 = arith.cmpi slt, %jit3A_129, %sign3A_139 : i32
        %sign3A_141 = arith.extui %sign3A_140 : i1 to i32
        %sign3A_142 = arith.subi %sign3A_138, %sign3A_141 : i32
        %ne3A_143 = arith.cmpi ne, %sign3A_135, %sign3A_142 : i32
        %rem3A_144 = arith.remsi %add3A_35, %jit3A_129 : i32
        %ne3A_145 = arith.constant 0 : i32
        %ne3A_146 = arith.cmpi ne, %rem3A_144, %ne3A_145 : i32
        %and3A_147 = arith.andi %ne3A_143, %ne3A_146 : i1
        %sub3A = arith.constant 1 : i32
        %sub3A_148 = arith.subi %div3A, %sub3A : i32
        %select_n3A_149 = arith.select %and3A_147, %sub3A_148, %div3A : i32
        %add3A_150 = arith.addi %mul3A_128, %select_n3A_149 : i32
        %jit3A_151 = arith.constant 2 : i32
        %div3A_152 = arith.divsi %add3A_150, %jit3A_151 : i32
        %sign3A_153 = arith.constant 0 : i32
        %sign3A_154 = arith.cmpi sgt, %add3A_150, %sign3A_153 : i32
        %sign3A_155 = arith.extui %sign3A_154 : i1 to i32
        %sign3A_156 = arith.constant 0 : i32
        %sign3A_157 = arith.cmpi slt, %add3A_150, %sign3A_156 : i32
        %sign3A_158 = arith.extui %sign3A_157 : i1 to i32
        %sign3A_159 = arith.subi %sign3A_155, %sign3A_158 : i32
        %sign3A_160 = arith.constant 0 : i32
        %sign3A_161 = arith.cmpi sgt, %jit3A_151, %sign3A_160 : i32
        %sign3A_162 = arith.extui %sign3A_161 : i1 to i32
        %sign3A_163 = arith.constant 0 : i32
        %sign3A_164 = arith.cmpi slt, %jit3A_151, %sign3A_163 : i32
        %sign3A_165 = arith.extui %sign3A_164 : i1 to i32
        %sign3A_166 = arith.subi %sign3A_162, %sign3A_165 : i32
        %ne3A_167 = arith.cmpi ne, %sign3A_159, %sign3A_166 : i32
        %rem3A_168 = arith.remsi %add3A_150, %jit3A_151 : i32
        %ne3A_169 = arith.constant 0 : i32
        %ne3A_170 = arith.cmpi ne, %rem3A_168, %ne3A_169 : i32
        %and3A_171 = arith.andi %ne3A_167, %ne3A_170 : i1
        %sub3A_172 = arith.constant 1 : i32
        %sub3A_173 = arith.subi %div3A_152, %sub3A_172 : i32
        %select_n3A_174 = arith.select %and3A_171, %sub3A_173, %div3A_152 : i32
        %jit3A_175 = arith.constant 3 : i32
        %eq3A_176 = arith.constant 0 : i32
        %eq3A_177 = arith.cmpi eq, %jit3A_175, %eq3A_176 : i32
        %jit3A_178 = arith.constant 1 : i32
        %select_n3A_179 = arith.select %eq3A_177, %jit3A_178, %jit3A_175 : i32
        %rem3A_180 = arith.remsi %select_n3A_174, %select_n3A_179 : i32
        %ne3A_181 = arith.constant 0 : i32
        %ne3A_182 = arith.cmpi ne, %rem3A_180, %ne3A_181 : i32
        %lt3A_183 = arith.constant 0 : i32
        %lt3A_184 = arith.cmpi slt, %rem3A_180, %lt3A_183 : i32
        %lt3A_185 = arith.constant 0 : i32
        %lt3A_186 = arith.cmpi slt, %select_n3A_179, %lt3A_185 : i32
        %ne3A_187 = arith.xori %lt3A_184, %lt3A_186 : i1
        %and3A_188 = arith.andi %ne3A_187, %ne3A_182 : i1
        %add3A_189 = arith.addi %rem3A_180, %select_n3A_179 : i32
        %select_n3A_190 = arith.select %and3A_188, %add3A_189, %rem3A_180 : i32
        %mul3A_191 = arith.constant 16 : i32
        %mul3A_192 = arith.muli %select_n3A_190, %mul3A_191 : i32
        %jit3A_193 = arith.constant 3 : i32
        %div3A_194 = arith.divsi %select_n3A_174, %jit3A_193 : i32
        %sign3A_195 = arith.constant 0 : i32
        %sign3A_196 = arith.cmpi sgt, %select_n3A_174, %sign3A_195 : i32
        %sign3A_197 = arith.extui %sign3A_196 : i1 to i32
        %sign3A_198 = arith.constant 0 : i32
        %sign3A_199 = arith.cmpi slt, %select_n3A_174, %sign3A_198 : i32
        %sign3A_200 = arith.extui %sign3A_199 : i1 to i32
        %sign3A_201 = arith.subi %sign3A_197, %sign3A_200 : i32
        %sign3A_202 = arith.constant 0 : i32
        %sign3A_203 = arith.cmpi sgt, %jit3A_193, %sign3A_202 : i32
        %sign3A_204 = arith.extui %sign3A_203 : i1 to i32
        %sign3A_205 = arith.constant 0 : i32
        %sign3A_206 = arith.cmpi slt, %jit3A_193, %sign3A_205 : i32
        %sign3A_207 = arith.extui %sign3A_206 : i1 to i32
        %sign3A_208 = arith.subi %sign3A_204, %sign3A_207 : i32
        %ne3A_209 = arith.cmpi ne, %sign3A_201, %sign3A_208 : i32
        %rem3A_210 = arith.remsi %select_n3A_174, %jit3A_193 : i32
        %ne3A_211 = arith.constant 0 : i32
        %ne3A_212 = arith.cmpi ne, %rem3A_210, %ne3A_211 : i32
        %and3A_213 = arith.andi %ne3A_209, %ne3A_212 : i1
        %sub3A_214 = arith.constant 1 : i32
        %sub3A_215 = arith.subi %div3A_194, %sub3A_214 : i32
        %select_n3A_216 = arith.select %and3A_213, %sub3A_215, %div3A_194 : i32
        %add3A_217 = arith.addi %mul3A_192, %select_n3A_216 : i32
        "tpu.region"() ({
          %run_scoped3A = tpu.sem_alloc : memref<!tpu.dma_semaphore, #tpu.memory_space<semaphore_mem>>
          %dma_start3A_218 = arith.constant 0 : i32
          %dma_start3A_219 = tpu.memref_slice %arg3[%add3A_217, %dma_start3A_218] : memref<48x256xf32, #tpu.memory_space<hbm>> -> memref<1x256xf32, #tpu.memory_space<hbm>>
          %dma_start3A_220 = tpu.memref_squeeze %dma_start3A_219 : memref<1x256xf32, #tpu.memory_space<hbm>> -> memref<256xf32, #tpu.memory_space<hbm>>
          %dma_start3A_221 = arith.constant 0 : i32
          %dma_start3A_222 = tpu.memref_slice %arg3[%add3A_217, %dma_start3A_221] : memref<48x256xf32, #tpu.memory_space<hbm>> -> memref<1x256xf32, #tpu.memory_space<hbm>>
          %dma_start3A_223 = tpu.memref_squeeze %dma_start3A_222 : memref<1x256xf32, #tpu.memory_space<hbm>> -> memref<256xf32, #tpu.memory_space<hbm>>
          tpu.enqueue_dma source(%dma_start3A_223 : memref<256xf32, #tpu.memory_space<hbm>>) target(%arg5 : memref<256xf32, #tpu.memory_space<vmem>>) target_semaphore(%run_scoped3A : memref<!tpu.dma_semaphore, #tpu.memory_space<semaphore_mem>>)
          %dma_wait3A_224 = arith.constant 0 : i32
          %dma_wait3A_225 = tpu.memref_slice %arg3[%add3A_217, %dma_wait3A_224] : memref<48x256xf32, #tpu.memory_space<hbm>> -> memref<1x256xf32, #tpu.memory_space<hbm>>
          %dma_wait3A_226 = tpu.memref_squeeze %dma_wait3A_225 : memref<1x256xf32, #tpu.memory_space<hbm>> -> memref<256xf32, #tpu.memory_space<hbm>>
          %dma_wait3A_227 = arith.constant 0 : i32
          %dma_wait3A_228 = tpu.memref_slice %arg3[%add3A_217, %dma_wait3A_227] : memref<48x256xf32, #tpu.memory_space<hbm>> -> memref<1x256xf32, #tpu.memory_space<hbm>>
          %dma_wait3A_229 = tpu.memref_squeeze %dma_wait3A_228 : memref<1x256xf32, #tpu.memory_space<hbm>> -> memref<256xf32, #tpu.memory_space<hbm>>
          tpu.wait_dma2 semaphore(%run_scoped3A : memref<!tpu.dma_semaphore, #tpu.memory_space<semaphore_mem>>) src(%dma_wait3A_229 : memref<256xf32, #tpu.memory_space<hbm>>) dst(%arg5 : memref<256xf32, #tpu.memory_space<vmem>>)
          tpu.yield
        }) : () -> ()
      } else {
      }
      %mul3A_48 = arith.constant 32 : i32
      %mul3A_49 = arith.muli %add3A_35, %mul3A_48 : i32
      %add3A_50 = arith.addi %mul3A_2, %mul3A_49 : i32
      %dma_wait3A_51 = arith.constant 0 : i32
      %dma_wait3A_52 = tpu.memref_slice %arg2[%add3A_50, %dma_wait3A_51] : memref<24576x512xf32, #tpu.memory_space<hbm>> -> memref<32x512xf32, #tpu.memory_space<hbm>>
      %dma_wait3A_53 = arith.constant 0 : i32
      %dma_wait3A_54 = tpu.memref_slice %arg2[%add3A_50, %dma_wait3A_53] : memref<24576x512xf32, #tpu.memory_space<hbm>> -> memref<32x512xf32, #tpu.memory_space<hbm>>
      tpu.wait_dma2 semaphore(%arg10 : memref<!tpu.dma_semaphore, #tpu.memory_space<semaphore_mem>>) src(%dma_wait3A_54 : memref<32x512xf32, #tpu.memory_space<hbm>>) dst(%arg6 : memref<32x512xf32, #tpu.memory_space<vmem>>)
      %ge3A = arith.constant 2 : i32
      %ge3A_55 = arith.cmpi sge, %add3A_33, %ge3A : i32
      %convert_element_type3A_56 = arith.extui %ge3A_55 : i1 to i32
      %cond3A_57 = arith.constant 0 : i32
      %cond3A_58 = arith.cmpi ne, %convert_element_type3A_56, %cond3A_57 : i32
      scf.if %cond3A_58 {
        %mul3A_127 = arith.constant 32 : i32
        %mul3A_128 = arith.muli %add3A_35, %mul3A_127 : i32
        %add3A_129 = arith.addi %mul3A_2, %mul3A_128 : i32
        %dma_wait3A_130 = arith.constant 0 : i32
        %dma_wait3A_131 = tpu.memref_slice %arg4[%add3A_129, %dma_wait3A_130] : memref<24576x512xf32, #tpu.memory_space<hbm>> -> memref<32x512xf32, #tpu.memory_space<hbm>>
        %dma_wait3A_132 = arith.constant 0 : i32
        %dma_wait3A_133 = tpu.memref_slice %arg4[%add3A_129, %dma_wait3A_132] : memref<24576x512xf32, #tpu.memory_space<hbm>> -> memref<32x512xf32, #tpu.memory_space<hbm>>
        tpu.wait_dma2 semaphore(%arg12 : memref<!tpu.dma_semaphore, #tpu.memory_space<semaphore_mem>>) src(%arg8 : memref<32x512xf32, #tpu.memory_space<vmem>>) dst(%dma_wait3A_133 : memref<32x512xf32, #tpu.memory_space<hbm>>)
      } else {
      }
      %parallel_loop3A = arith.constant 0 : i32
      %parallel_loop3A_59 = arith.constant 32 : i32
      %parallel_loop3A_60 = arith.constant 1 : i32
      scf.for %parallel_loop3A_127 = %parallel_loop3A to %parallel_loop3A_59 step %parallel_loop3A_60  : i32 {
        %parallel_loop3A_128 = arith.index_cast %parallel_loop3A_127 : i32 to index
        %parallel_loop3A_129 = arith.constant 0 : index
        %parallel_loop3A_130 = tpu.vector_load %arg6[%parallel_loop3A_128, %parallel_loop3A_129] {strides = array<i32>} : memref<32x512xf32, #tpu.memory_space<vmem>>, vector<16xf32>,
        %parallel_loop3A_131 = arith.constant 2.550000e+02 : f32
        %parallel_loop3A_132 = vector.broadcast %parallel_loop3A_131 : f32 to vector<16xf32>
        %parallel_loop3A_133 = arith.mulf %parallel_loop3A_130, %parallel_loop3A_132 : vector<16xf32>
        %parallel_loop3A_134 = arith.constant 0x4B000000 : f32
        %parallel_loop3A_135 = vector.broadcast %parallel_loop3A_134 : f32 to vector<16xf32>
        %parallel_loop3A_136 = arith.addf %parallel_loop3A_133, %parallel_loop3A_135 : vector<16xf32>
        %parallel_loop3A_137 = vector.bitcast %parallel_loop3A_136 : vector<16xf32> to vector<16xi32>
        %parallel_loop3A_138 = arith.constant 255 : i32
        %parallel_loop3A_139 = vector.broadcast %parallel_loop3A_138 : i32 to vector<16xi32>
        %parallel_loop3A_140 = arith.andi %parallel_loop3A_137, %parallel_loop3A_139 : vector<16xi32>
        %parallel_loop3A_141 = tpu.vector_load_idx %arg5[%parallel_loop3A_140] : memref<256xf32, #tpu.memory_space<vmem>>[vector<16xi32>], vector<16xf32>,
        %parallel_loop3A_142 = arith.index_cast %parallel_loop3A_127 : i32 to index
        %parallel_loop3A_143 = arith.constant 0 : index
        %parallel_loop3A_144 = tpu.vector_load %arg8[%parallel_loop3A_142, %parallel_loop3A_143] {strides = array<i32>} : memref<32x512xf32, #tpu.memory_space<vmem>>, vector<16xf32>,
        tpu.vector_store %arg8[%parallel_loop3A_142, %parallel_loop3A_143], %parallel_loop3A_141 {strides = array<i32>} : memref<32x512xf32, #tpu.memory_space<vmem>>, vector<16xf32>,
        %parallel_loop3A_145 = arith.index_cast %parallel_loop3A_127 : i32 to index
        %parallel_loop3A_146 = arith.constant 16 : index
        %parallel_loop3A_147 = tpu.vector_load %arg6[%parallel_loop3A_145, %parallel_loop3A_146] {strides = array<i32>} : memref<32x512xf32, #tpu.memory_space<vmem>>, vector<16xf32>,
        %parallel_loop3A_148 = arith.constant 2.550000e+02 : f32
        %parallel_loop3A_149 = vector.broadcast %parallel_loop3A_148 : f32 to vector<16xf32>
        %parallel_loop3A_150 = arith.mulf %parallel_loop3A_147, %parallel_loop3A_149 : vector<16xf32>
        %parallel_loop3A_151 = arith.constant 0x4B000000 : f32
        %parallel_loop3A_152 = vector.broadcast %parallel_loop3A_151 : f32 to vector<16xf32>
        %parallel_loop3A_153 = arith.addf %parallel_loop3A_150, %parallel_loop3A_152 : vector<16xf32>
        %parallel_loop3A_154 = vector.bitcast %parallel_loop3A_153 : vector<16xf32> to vector<16xi32>
        %parallel_loop3A_155 = arith.constant 255 : i32
        %parallel_loop3A_156 = vector.broadcast %parallel_loop3A_155 : i32 to vector<16xi32>
        %parallel_loop3A_157 = arith.andi %parallel_loop3A_154, %parallel_loop3A_156 : vector<16xi32>
        %parallel_loop3A_158 = tpu.vector_load_idx %arg5[%parallel_loop3A_157] : memref<256xf32, #tpu.memory_space<vmem>>[vector<16xi32>], vector<16xf32>,
        %parallel_loop3A_159 = arith.index_cast %parallel_loop3A_127 : i32 to index
        %parallel_loop3A_160 = arith.constant 16 : index
        %parallel_loop3A_161 = tpu.vector_load %arg8[%parallel_loop3A_159, %parallel_loop3A_160] {strides = array<i32>} : memref<32x512xf32, #tpu.memory_space<vmem>>, vector<16xf32>,
        tpu.vector_store %arg8[%parallel_loop3A_159, %parallel_loop3A_160], %parallel_loop3A_158 {strides = array<i32>} : memref<32x512xf32, #tpu.memory_space<vmem>>, vector<16xf32>,
        %parallel_loop3A_162 = arith.index_cast %parallel_loop3A_127 : i32 to index
        %parallel_loop3A_163 = arith.constant 32 : index
        %parallel_loop3A_164 = tpu.vector_load %arg6[%parallel_loop3A_162, %parallel_loop3A_163] {strides = array<i32>} : memref<32x512xf32, #tpu.memory_space<vmem>>, vector<16xf32>,
        %parallel_loop3A_165 = arith.constant 2.550000e+02 : f32
        %parallel_loop3A_166 = vector.broadcast %parallel_loop3A_165 : f32 to vector<16xf32>
        %parallel_loop3A_167 = arith.mulf %parallel_loop3A_164, %parallel_loop3A_166 : vector<16xf32>
        %parallel_loop3A_168 = arith.constant 0x4B000000 : f32
        %parallel_loop3A_169 = vector.broadcast %parallel_loop3A_168 : f32 to vector<16xf32>
        %parallel_loop3A_170 = arith.addf %parallel_loop3A_167, %parallel_loop3A_169 : vector<16xf32>
        %parallel_loop3A_171 = vector.bitcast %parallel_loop3A_170 : vector<16xf32> to vector<16xi32>
        %parallel_loop3A_172 = arith.constant 255 : i32
        %parallel_loop3A_173 = vector.broadcast %parallel_loop3A_172 : i32 to vector<16xi32>
        %parallel_loop3A_174 = arith.andi %parallel_loop3A_171, %parallel_loop3A_173 : vector<16xi32>
        %parallel_loop3A_175 = tpu.vector_load_idx %arg5[%parallel_loop3A_174] : memref<256xf32, #tpu.memory_space<vmem>>[vector<16xi32>], vector<16xf32>,
        %parallel_loop3A_176 = arith.index_cast %parallel_loop3A_127 : i32 to index
        %parallel_loop3A_177 = arith.constant 32 : index
        %parallel_loop3A_178 = tpu.vector_load %arg8[%parallel_loop3A_176, %parallel_loop3A_177] {strides = array<i32>} : memref<32x512xf32, #tpu.memory_space<vmem>>, vector<16xf32>,
        tpu.vector_store %arg8[%parallel_loop3A_176, %parallel_loop3A_177], %parallel_loop3A_175 {strides = array<i32>} : memref<32x512xf32, #tpu.memory_space<vmem>>, vector<16xf32>,
        %parallel_loop3A_179 = arith.index_cast %parallel_loop3A_127 : i32 to index
        %parallel_loop3A_180 = arith.constant 48 : index
        %parallel_loop3A_181 = tpu.vector_load %arg6[%parallel_loop3A_179, %parallel_loop3A_180] {strides = array<i32>} : memref<32x512xf32, #tpu.memory_space<vmem>>, vector<16xf32>,
        %parallel_loop3A_182 = arith.constant 2.550000e+02 : f32
        %parallel_loop3A_183 = vector.broadcast %parallel_loop3A_182 : f32 to vector<16xf32>
        %parallel_loop3A_184 = arith.mulf %parallel_loop3A_181, %parallel_loop3A_183 : vector<16xf32>
        %parallel_loop3A_185 = arith.constant 0x4B000000 : f32
        %parallel_loop3A_186 = vector.broadcast %parallel_loop3A_185 : f32 to vector<16xf32>
        %parallel_loop3A_187 = arith.addf %parallel_loop3A_184, %parallel_loop3A_186 : vector<16xf32>
        %parallel_loop3A_188 = vector.bitcast %parallel_loop3A_187 : vector<16xf32> to vector<16xi32>
        %parallel_loop3A_189 = arith.constant 255 : i32
        %parallel_loop3A_190 = vector.broadcast %parallel_loop3A_189 : i32 to vector<16xi32>
        %parallel_loop3A_191 = arith.andi %parallel_loop3A_188, %parallel_loop3A_190 : vector<16xi32>
        %parallel_loop3A_192 = tpu.vector_load_idx %arg5[%parallel_loop3A_191] : memref<256xf32, #tpu.memory_space<vmem>>[vector<16xi32>], vector<16xf32>,
        %parallel_loop3A_193 = arith.index_cast %parallel_loop3A_127 : i32 to index
        %parallel_loop3A_194 = arith.constant 48 : index
        %parallel_loop3A_195 = tpu.vector_load %arg8[%parallel_loop3A_193, %parallel_loop3A_194] {strides = array<i32>} : memref<32x512xf32, #tpu.memory_space<vmem>>, vector<16xf32>,
        tpu.vector_store %arg8[%parallel_loop3A_193, %parallel_loop3A_194], %parallel_loop3A_192 {strides = array<i32>} : memref<32x512xf32, #tpu.memory_space<vmem>>, vector<16xf32>,
        %parallel_loop3A_196 = arith.index_cast %parallel_loop3A_127 : i32 to index
        %parallel_loop3A_197 = arith.constant 64 : index
        %parallel_loop3A_198 = tpu.vector_load %arg6[%parallel_loop3A_196, %parallel_loop3A_197] {strides = array<i32>} : memref<32x512xf32, #tpu.memory_space<vmem>>, vector<16xf32>,
        %parallel_loop3A_199 = arith.constant 2.550000e+02 : f32
        %parallel_loop3A_200 = vector.broadcast %parallel_loop3A_199 : f32 to vector<16xf32>
        %parallel_loop3A_201 = arith.mulf %parallel_loop3A_198, %parallel_loop3A_200 : vector<16xf32>
        %parallel_loop3A_202 = arith.constant 0x4B000000 : f32
        %parallel_loop3A_203 = vector.broadcast %parallel_loop3A_202 : f32 to vector<16xf32>
        %parallel_loop3A_204 = arith.addf %parallel_loop3A_201, %parallel_loop3A_203 : vector<16xf32>
        %parallel_loop3A_205 = vector.bitcast %parallel_loop3A_204 : vector<16xf32> to vector<16xi32>
        %parallel_loop3A_206 = arith.constant 255 : i32
        %parallel_loop3A_207 = vector.broadcast %parallel_loop3A_206 : i32 to vector<16xi32>
        %parallel_loop3A_208 = arith.andi %parallel_loop3A_205, %parallel_loop3A_207 : vector<16xi32>
        %parallel_loop3A_209 = tpu.vector_load_idx %arg5[%parallel_loop3A_208] : memref<256xf32, #tpu.memory_space<vmem>>[vector<16xi32>], vector<16xf32>,
        %parallel_loop3A_210 = arith.index_cast %parallel_loop3A_127 : i32 to index
        %parallel_loop3A_211 = arith.constant 64 : index
        %parallel_loop3A_212 = tpu.vector_load %arg8[%parallel_loop3A_210, %parallel_loop3A_211] {strides = array<i32>} : memref<32x512xf32, #tpu.memory_space<vmem>>, vector<16xf32>,
        tpu.vector_store %arg8[%parallel_loop3A_210, %parallel_loop3A_211], %parallel_loop3A_209 {strides = array<i32>} : memref<32x512xf32, #tpu.memory_space<vmem>>, vector<16xf32>,
        %parallel_loop3A_213 = arith.index_cast %parallel_loop3A_127 : i32 to index
        %parallel_loop3A_214 = arith.constant 80 : index
        %parallel_loop3A_215 = tpu.vector_load %arg6[%parallel_loop3A_213, %parallel_loop3A_214] {strides = array<i32>} : memref<32x512xf32, #tpu.memory_space<vmem>>, vector<16xf32>,
        %parallel_loop3A_216 = arith.constant 2.550000e+02 : f32
        %parallel_loop3A_217 = vector.broadcast %parallel_loop3A_216 : f32 to vector<16xf32>
        %parallel_loop3A_218 = arith.mulf %parallel_loop3A_215, %parallel_loop3A_217 : vector<16xf32>
        %parallel_loop3A_219 = arith.constant 0x4B000000 : f32
        %parallel_loop3A_220 = vector.broadcast %parallel_loop3A_219 : f32 to vector<16xf32>
        %parallel_loop3A_221 = arith.addf %parallel_loop3A_218, %parallel_loop3A_220 : vector<16xf32>
        %parallel_loop3A_222 = vector.bitcast %parallel_loop3A_221 : vector<16xf32> to vector<16xi32>
        %parallel_loop3A_223 = arith.constant 255 : i32
        %parallel_loop3A_224 = vector.broadcast %parallel_loop3A_223 : i32 to vector<16xi32>
        %parallel_loop3A_225 = arith.andi %parallel_loop3A_222, %parallel_loop3A_224 : vector<16xi32>
        %parallel_loop3A_226 = tpu.vector_load_idx %arg5[%parallel_loop3A_225] : memref<256xf32, #tpu.memory_space<vmem>>[vector<16xi32>], vector<16xf32>,
        %parallel_loop3A_227 = arith.index_cast %parallel_loop3A_127 : i32 to index
        %parallel_loop3A_228 = arith.constant 80 : index
        %parallel_loop3A_229 = tpu.vector_load %arg8[%parallel_loop3A_227, %parallel_loop3A_228] {strides = array<i32>} : memref<32x512xf32, #tpu.memory_space<vmem>>, vector<16xf32>,
        tpu.vector_store %arg8[%parallel_loop3A_227, %parallel_loop3A_228], %parallel_loop3A_226 {strides = array<i32>} : memref<32x512xf32, #tpu.memory_space<vmem>>, vector<16xf32>,
        %parallel_loop3A_230 = arith.index_cast %parallel_loop3A_127 : i32 to index
        %parallel_loop3A_231 = arith.constant 96 : index
        %parallel_loop3A_232 = tpu.vector_load %arg6[%parallel_loop3A_230, %parallel_loop3A_231] {strides = array<i32>} : memref<32x512xf32, #tpu.memory_space<vmem>>, vector<16xf32>,
        %parallel_loop3A_233 = arith.constant 2.550000e+02 : f32
        %parallel_loop3A_234 = vector.broadcast %parallel_loop3A_233 : f32 to vector<16xf32>
        %parallel_loop3A_235 = arith.mulf %parallel_loop3A_232, %parallel_loop3A_234 : vector<16xf32>
        %parallel_loop3A_236 = arith.constant 0x4B000000 : f32
        %parallel_loop3A_237 = vector.broadcast %parallel_loop3A_236 : f32 to vector<16xf32>
        %parallel_loop3A_238 = arith.addf %parallel_loop3A_235, %parallel_loop3A_237 : vector<16xf32>
        %parallel_loop3A_239 = vector.bitcast %parallel_loop3A_238 : vector<16xf32> to vector<16xi32>
        %parallel_loop3A_240 = arith.constant 255 : i32
        %parallel_loop3A_241 = vector.broadcast %parallel_loop3A_240 : i32 to vector<16xi32>
        %parallel_loop3A_242 = arith.andi %parallel_loop3A_239, %parallel_loop3A_241 : vector<16xi32>
        %parallel_loop3A_243 = tpu.vector_load_idx %arg5[%parallel_loop3A_242] : memref<256xf32, #tpu.memory_space<vmem>>[vector<16xi32>], vector<16xf32>,
        %parallel_loop3A_244 = arith.index_cast %parallel_loop3A_127 : i32 to index
        %parallel_loop3A_245 = arith.constant 96 : index
        %parallel_loop3A_246 = tpu.vector_load %arg8[%parallel_loop3A_244, %parallel_loop3A_245] {strides = array<i32>} : memref<32x512xf32, #tpu.memory_space<vmem>>, vector<16xf32>,
        tpu.vector_store %arg8[%parallel_loop3A_244, %parallel_loop3A_245], %parallel_loop3A_243 {strides = array<i32>} : memref<32x512xf32, #tpu.memory_space<vmem>>, vector<16xf32>,
        %parallel_loop3A_247 = arith.index_cast %parallel_loop3A_127 : i32 to index
        %parallel_loop3A_248 = arith.constant 112 : index
        %parallel_loop3A_249 = tpu.vector_load %arg6[%parallel_loop3A_247, %parallel_loop3A_248] {strides = array<i32>} : memref<32x512xf32, #tpu.memory_space<vmem>>, vector<16xf32>,
        %parallel_loop3A_250 = arith.constant 2.550000e+02 : f32
        %parallel_loop3A_251 = vector.broadcast %parallel_loop3A_250 : f32 to vector<16xf32>
        %parallel_loop3A_252 = arith.mulf %parallel_loop3A_249, %parallel_loop3A_251 : vector<16xf32>
        %parallel_loop3A_253 = arith.constant 0x4B000000 : f32
        %parallel_loop3A_254 = vector.broadcast %parallel_loop3A_253 : f32 to vector<16xf32>
        %parallel_loop3A_255 = arith.addf %parallel_loop3A_252, %parallel_loop3A_254 : vector<16xf32>
        %parallel_loop3A_256 = vector.bitcast %parallel_loop3A_255 : vector<16xf32> to vector<16xi32>
        %parallel_loop3A_257 = arith.constant 255 : i32
        %parallel_loop3A_258 = vector.broadcast %parallel_loop3A_257 : i32 to vector<16xi32>
        %parallel_loop3A_259 = arith.andi %parallel_loop3A_256, %parallel_loop3A_258 : vector<16xi32>
        %parallel_loop3A_260 = tpu.vector_load_idx %arg5[%parallel_loop3A_259] : memref<256xf32, #tpu.memory_space<vmem>>[vector<16xi32>], vector<16xf32>,
        %parallel_loop3A_261 = arith.index_cast %parallel_loop3A_127 : i32 to index
        %parallel_loop3A_262 = arith.constant 112 : index
        %parallel_loop3A_263 = tpu.vector_load %arg8[%parallel_loop3A_261, %parallel_loop3A_262] {strides = array<i32>} : memref<32x512xf32, #tpu.memory_space<vmem>>, vector<16xf32>,
        tpu.vector_store %arg8[%parallel_loop3A_261, %parallel_loop3A_262], %parallel_loop3A_260 {strides = array<i32>} : memref<32x512xf32, #tpu.memory_space<vmem>>, vector<16xf32>,
        %parallel_loop3A_264 = arith.index_cast %parallel_loop3A_127 : i32 to index
        %parallel_loop3A_265 = arith.constant 128 : index
        %parallel_loop3A_266 = tpu.vector_load %arg6[%parallel_loop3A_264, %parallel_loop3A_265] {strides = array<i32>} : memref<32x512xf32, #tpu.memory_space<vmem>>, vector<16xf32>,
        %parallel_loop3A_267 = arith.constant 2.550000e+02 : f32
        %parallel_loop3A_268 = vector.broadcast %parallel_loop3A_267 : f32 to vector<16xf32>
        %parallel_loop3A_269 = arith.mulf %parallel_loop3A_266, %parallel_loop3A_268 : vector<16xf32>
        %parallel_loop3A_270 = arith.constant 0x4B000000 : f32
        %parallel_loop3A_271 = vector.broadcast %parallel_loop3A_270 : f32 to vector<16xf32>
        %parallel_loop3A_272 = arith.addf %parallel_loop3A_269, %parallel_loop3A_271 : vector<16xf32>
        %parallel_loop3A_273 = vector.bitcast %parallel_loop3A_272 : vector<16xf32> to vector<16xi32>
        %parallel_loop3A_274 = arith.constant 255 : i32
        %parallel_loop3A_275 = vector.broadcast %parallel_loop3A_274 : i32 to vector<16xi32>
        %parallel_loop3A_276 = arith.andi %parallel_loop3A_273, %parallel_loop3A_275 : vector<16xi32>
        %parallel_loop3A_277 = tpu.vector_load_idx %arg5[%parallel_loop3A_276] : memref<256xf32, #tpu.memory_space<vmem>>[vector<16xi32>], vector<16xf32>,
        %parallel_loop3A_278 = arith.index_cast %parallel_loop3A_127 : i32 to index
        %parallel_loop3A_279 = arith.constant 128 : index
        %parallel_loop3A_280 = tpu.vector_load %arg8[%parallel_loop3A_278, %parallel_loop3A_279] {strides = array<i32>} : memref<32x512xf32, #tpu.memory_space<vmem>>, vector<16xf32>,
        tpu.vector_store %arg8[%parallel_loop3A_278, %parallel_loop3A_279], %parallel_loop3A_277 {strides = array<i32>} : memref<32x512xf32, #tpu.memory_space<vmem>>, vector<16xf32>,
        %parallel_loop3A_281 = arith.index_cast %parallel_loop3A_127 : i32 to index
        %parallel_loop3A_282 = arith.constant 144 : index
        %parallel_loop3A_283 = tpu.vector_load %arg6[%parallel_loop3A_281, %parallel_loop3A_282] {strides = array<i32>} : memref<32x512xf32, #tpu.memory_space<vmem>>, vector<16xf32>,
        %parallel_loop3A_284 = arith.constant 2.550000e+02 : f32
        %parallel_loop3A_285 = vector.broadcast %parallel_loop3A_284 : f32 to vector<16xf32>
        %parallel_loop3A_286 = arith.mulf %parallel_loop3A_283, %parallel_loop3A_285 : vector<16xf32>
        %parallel_loop3A_287 = arith.constant 0x4B000000 : f32
        %parallel_loop3A_288 = vector.broadcast %parallel_loop3A_287 : f32 to vector<16xf32>
        %parallel_loop3A_289 = arith.addf %parallel_loop3A_286, %parallel_loop3A_288 : vector<16xf32>
        %parallel_loop3A_290 = vector.bitcast %parallel_loop3A_289 : vector<16xf32> to vector<16xi32>
        %parallel_loop3A_291 = arith.constant 255 : i32
        %parallel_loop3A_292 = vector.broadcast %parallel_loop3A_291 : i32 to vector<16xi32>
        %parallel_loop3A_293 = arith.andi %parallel_loop3A_290, %parallel_loop3A_292 : vector<16xi32>
        %parallel_loop3A_294 = tpu.vector_load_idx %arg5[%parallel_loop3A_293] : memref<256xf32, #tpu.memory_space<vmem>>[vector<16xi32>], vector<16xf32>,
        %parallel_loop3A_295 = arith.index_cast %parallel_loop3A_127 : i32 to index
        %parallel_loop3A_296 = arith.constant 144 : index
        %parallel_loop3A_297 = tpu.vector_load %arg8[%parallel_loop3A_295, %parallel_loop3A_296] {strides = array<i32>} : memref<32x512xf32, #tpu.memory_space<vmem>>, vector<16xf32>,
        tpu.vector_store %arg8[%parallel_loop3A_295, %parallel_loop3A_296], %parallel_loop3A_294 {strides = array<i32>} : memref<32x512xf32, #tpu.memory_space<vmem>>, vector<16xf32>,
        %parallel_loop3A_298 = arith.index_cast %parallel_loop3A_127 : i32 to index
        %parallel_loop3A_299 = arith.constant 160 : index
        %parallel_loop3A_300 = tpu.vector_load %arg6[%parallel_loop3A_298, %parallel_loop3A_299] {strides = array<i32>} : memref<32x512xf32, #tpu.memory_space<vmem>>, vector<16xf32>,
        %parallel_loop3A_301 = arith.constant 2.550000e+02 : f32
        %parallel_loop3A_302 = vector.broadcast %parallel_loop3A_301 : f32 to vector<16xf32>
        %parallel_loop3A_303 = arith.mulf %parallel_loop3A_300, %parallel_loop3A_302 : vector<16xf32>
        %parallel_loop3A_304 = arith.constant 0x4B000000 : f32
        %parallel_loop3A_305 = vector.broadcast %parallel_loop3A_304 : f32 to vector<16xf32>
        %parallel_loop3A_306 = arith.addf %parallel_loop3A_303, %parallel_loop3A_305 : vector<16xf32>
        %parallel_loop3A_307 = vector.bitcast %parallel_loop3A_306 : vector<16xf32> to vector<16xi32>
        %parallel_loop3A_308 = arith.constant 255 : i32
        %parallel_loop3A_309 = vector.broadcast %parallel_loop3A_308 : i32 to vector<16xi32>
        %parallel_loop3A_310 = arith.andi %parallel_loop3A_307, %parallel_loop3A_309 : vector<16xi32>
        %parallel_loop3A_311 = tpu.vector_load_idx %arg5[%parallel_loop3A_310] : memref<256xf32, #tpu.memory_space<vmem>>[vector<16xi32>], vector<16xf32>,
        %parallel_loop3A_312 = arith.index_cast %parallel_loop3A_127 : i32 to index
        %parallel_loop3A_313 = arith.constant 160 : index
        %parallel_loop3A_314 = tpu.vector_load %arg8[%parallel_loop3A_312, %parallel_loop3A_313] {strides = array<i32>} : memref<32x512xf32, #tpu.memory_space<vmem>>, vector<16xf32>,
        tpu.vector_store %arg8[%parallel_loop3A_312, %parallel_loop3A_313], %parallel_loop3A_311 {strides = array<i32>} : memref<32x512xf32, #tpu.memory_space<vmem>>, vector<16xf32>,
        %parallel_loop3A_315 = arith.index_cast %parallel_loop3A_127 : i32 to index
        %parallel_loop3A_316 = arith.constant 176 : index
        %parallel_loop3A_317 = tpu.vector_load %arg6[%parallel_loop3A_315, %parallel_loop3A_316] {strides = array<i32>} : memref<32x512xf32, #tpu.memory_space<vmem>>, vector<16xf32>,
        %parallel_loop3A_318 = arith.constant 2.550000e+02 : f32
        %parallel_loop3A_319 = vector.broadcast %parallel_loop3A_318 : f32 to vector<16xf32>
        %parallel_loop3A_320 = arith.mulf %parallel_loop3A_317, %parallel_loop3A_319 : vector<16xf32>
        %parallel_loop3A_321 = arith.constant 0x4B000000 : f32
        %parallel_loop3A_322 = vector.broadcast %parallel_loop3A_321 : f32 to vector<16xf32>
        %parallel_loop3A_323 = arith.addf %parallel_loop3A_320, %parallel_loop3A_322 : vector<16xf32>
        %parallel_loop3A_324 = vector.bitcast %parallel_loop3A_323 : vector<16xf32> to vector<16xi32>
        %parallel_loop3A_325 = arith.constant 255 : i32
        %parallel_loop3A_326 = vector.broadcast %parallel_loop3A_325 : i32 to vector<16xi32>
        %parallel_loop3A_327 = arith.andi %parallel_loop3A_324, %parallel_loop3A_326 : vector<16xi32>
        %parallel_loop3A_328 = tpu.vector_load_idx %arg5[%parallel_loop3A_327] : memref<256xf32, #tpu.memory_space<vmem>>[vector<16xi32>], vector<16xf32>,
        %parallel_loop3A_329 = arith.index_cast %parallel_loop3A_127 : i32 to index
        %parallel_loop3A_330 = arith.constant 176 : index
        %parallel_loop3A_331 = tpu.vector_load %arg8[%parallel_loop3A_329, %parallel_loop3A_330] {strides = array<i32>} : memref<32x512xf32, #tpu.memory_space<vmem>>, vector<16xf32>,
        tpu.vector_store %arg8[%parallel_loop3A_329, %parallel_loop3A_330], %parallel_loop3A_328 {strides = array<i32>} : memref<32x512xf32, #tpu.memory_space<vmem>>, vector<16xf32>,
        %parallel_loop3A_332 = arith.index_cast %parallel_loop3A_127 : i32 to index
        %parallel_loop3A_333 = arith.constant 192 : index
        %parallel_loop3A_334 = tpu.vector_load %arg6[%parallel_loop3A_332, %parallel_loop3A_333] {strides = array<i32>} : memref<32x512xf32, #tpu.memory_space<vmem>>, vector<16xf32>,
        %parallel_loop3A_335 = arith.constant 2.550000e+02 : f32
        %parallel_loop3A_336 = vector.broadcast %parallel_loop3A_335 : f32 to vector<16xf32>
        %parallel_loop3A_337 = arith.mulf %parallel_loop3A_334, %parallel_loop3A_336 : vector<16xf32>
        %parallel_loop3A_338 = arith.constant 0x4B000000 : f32
        %parallel_loop3A_339 = vector.broadcast %parallel_loop3A_338 : f32 to vector<16xf32>
        %parallel_loop3A_340 = arith.addf %parallel_loop3A_337, %parallel_loop3A_339 : vector<16xf32>
        %parallel_loop3A_341 = vector.bitcast %parallel_loop3A_340 : vector<16xf32> to vector<16xi32>
        %parallel_loop3A_342 = arith.constant 255 : i32
        %parallel_loop3A_343 = vector.broadcast %parallel_loop3A_342 : i32 to vector<16xi32>
        %parallel_loop3A_344 = arith.andi %parallel_loop3A_341, %parallel_loop3A_343 : vector<16xi32>
        %parallel_loop3A_345 = tpu.vector_load_idx %arg5[%parallel_loop3A_344] : memref<256xf32, #tpu.memory_space<vmem>>[vector<16xi32>], vector<16xf32>,
        %parallel_loop3A_346 = arith.index_cast %parallel_loop3A_127 : i32 to index
        %parallel_loop3A_347 = arith.constant 192 : index
        %parallel_loop3A_348 = tpu.vector_load %arg8[%parallel_loop3A_346, %parallel_loop3A_347] {strides = array<i32>} : memref<32x512xf32, #tpu.memory_space<vmem>>, vector<16xf32>,
        tpu.vector_store %arg8[%parallel_loop3A_346, %parallel_loop3A_347], %parallel_loop3A_345 {strides = array<i32>} : memref<32x512xf32, #tpu.memory_space<vmem>>, vector<16xf32>,
        %parallel_loop3A_349 = arith.index_cast %parallel_loop3A_127 : i32 to index
        %parallel_loop3A_350 = arith.constant 208 : index
        %parallel_loop3A_351 = tpu.vector_load %arg6[%parallel_loop3A_349, %parallel_loop3A_350] {strides = array<i32>} : memref<32x512xf32, #tpu.memory_space<vmem>>, vector<16xf32>,
        %parallel_loop3A_352 = arith.constant 2.550000e+02 : f32
        %parallel_loop3A_353 = vector.broadcast %parallel_loop3A_352 : f32 to vector<16xf32>
        %parallel_loop3A_354 = arith.mulf %parallel_loop3A_351, %parallel_loop3A_353 : vector<16xf32>
        %parallel_loop3A_355 = arith.constant 0x4B000000 : f32
        %parallel_loop3A_356 = vector.broadcast %parallel_loop3A_355 : f32 to vector<16xf32>
        %parallel_loop3A_357 = arith.addf %parallel_loop3A_354, %parallel_loop3A_356 : vector<16xf32>
        %parallel_loop3A_358 = vector.bitcast %parallel_loop3A_357 : vector<16xf32> to vector<16xi32>
        %parallel_loop3A_359 = arith.constant 255 : i32
        %parallel_loop3A_360 = vector.broadcast %parallel_loop3A_359 : i32 to vector<16xi32>
        %parallel_loop3A_361 = arith.andi %parallel_loop3A_358, %parallel_loop3A_360 : vector<16xi32>
        %parallel_loop3A_362 = tpu.vector_load_idx %arg5[%parallel_loop3A_361] : memref<256xf32, #tpu.memory_space<vmem>>[vector<16xi32>], vector<16xf32>,
        %parallel_loop3A_363 = arith.index_cast %parallel_loop3A_127 : i32 to index
        %parallel_loop3A_364 = arith.constant 208 : index
        %parallel_loop3A_365 = tpu.vector_load %arg8[%parallel_loop3A_363, %parallel_loop3A_364] {strides = array<i32>} : memref<32x512xf32, #tpu.memory_space<vmem>>, vector<16xf32>,
        tpu.vector_store %arg8[%parallel_loop3A_363, %parallel_loop3A_364], %parallel_loop3A_362 {strides = array<i32>} : memref<32x512xf32, #tpu.memory_space<vmem>>, vector<16xf32>,
        %parallel_loop3A_366 = arith.index_cast %parallel_loop3A_127 : i32 to index
        %parallel_loop3A_367 = arith.constant 224 : index
        %parallel_loop3A_368 = tpu.vector_load %arg6[%parallel_loop3A_366, %parallel_loop3A_367] {strides = array<i32>} : memref<32x512xf32, #tpu.memory_space<vmem>>, vector<16xf32>,
        %parallel_loop3A_369 = arith.constant 2.550000e+02 : f32
        %parallel_loop3A_370 = vector.broadcast %parallel_loop3A_369 : f32 to vector<16xf32>
        %parallel_loop3A_371 = arith.mulf %parallel_loop3A_368, %parallel_loop3A_370 : vector<16xf32>
        %parallel_loop3A_372 = arith.constant 0x4B000000 : f32
        %parallel_loop3A_373 = vector.broadcast %parallel_loop3A_372 : f32 to vector<16xf32>
        %parallel_loop3A_374 = arith.addf %parallel_loop3A_371, %parallel_loop3A_373 : vector<16xf32>
        %parallel_loop3A_375 = vector.bitcast %parallel_loop3A_374 : vector<16xf32> to vector<16xi32>
        %parallel_loop3A_376 = arith.constant 255 : i32
        %parallel_loop3A_377 = vector.broadcast %parallel_loop3A_376 : i32 to vector<16xi32>
        %parallel_loop3A_378 = arith.andi %parallel_loop3A_375, %parallel_loop3A_377 : vector<16xi32>
        %parallel_loop3A_379 = tpu.vector_load_idx %arg5[%parallel_loop3A_378] : memref<256xf32, #tpu.memory_space<vmem>>[vector<16xi32>], vector<16xf32>,
        %parallel_loop3A_380 = arith.index_cast %parallel_loop3A_127 : i32 to index
        %parallel_loop3A_381 = arith.constant 224 : index
        %parallel_loop3A_382 = tpu.vector_load %arg8[%parallel_loop3A_380, %parallel_loop3A_381] {strides = array<i32>} : memref<32x512xf32, #tpu.memory_space<vmem>>, vector<16xf32>,
        tpu.vector_store %arg8[%parallel_loop3A_380, %parallel_loop3A_381], %parallel_loop3A_379 {strides = array<i32>} : memref<32x512xf32, #tpu.memory_space<vmem>>, vector<16xf32>,
        %parallel_loop3A_383 = arith.index_cast %parallel_loop3A_127 : i32 to index
        %parallel_loop3A_384 = arith.constant 240 : index
        %parallel_loop3A_385 = tpu.vector_load %arg6[%parallel_loop3A_383, %parallel_loop3A_384] {strides = array<i32>} : memref<32x512xf32, #tpu.memory_space<vmem>>, vector<16xf32>,
        %parallel_loop3A_386 = arith.constant 2.550000e+02 : f32
        %parallel_loop3A_387 = vector.broadcast %parallel_loop3A_386 : f32 to vector<16xf32>
        %parallel_loop3A_388 = arith.mulf %parallel_loop3A_385, %parallel_loop3A_387 : vector<16xf32>
        %parallel_loop3A_389 = arith.constant 0x4B000000 : f32
        %parallel_loop3A_390 = vector.broadcast %parallel_loop3A_389 : f32 to vector<16xf32>
        %parallel_loop3A_391 = arith.addf %parallel_loop3A_388, %parallel_loop3A_390 : vector<16xf32>
        %parallel_loop3A_392 = vector.bitcast %parallel_loop3A_391 : vector<16xf32> to vector<16xi32>
        %parallel_loop3A_393 = arith.constant 255 : i32
        %parallel_loop3A_394 = vector.broadcast %parallel_loop3A_393 : i32 to vector<16xi32>
        %parallel_loop3A_395 = arith.andi %parallel_loop3A_392, %parallel_loop3A_394 : vector<16xi32>
        %parallel_loop3A_396 = tpu.vector_load_idx %arg5[%parallel_loop3A_395] : memref<256xf32, #tpu.memory_space<vmem>>[vector<16xi32>], vector<16xf32>,
        %parallel_loop3A_397 = arith.index_cast %parallel_loop3A_127 : i32 to index
        %parallel_loop3A_398 = arith.constant 240 : index
        %parallel_loop3A_399 = tpu.vector_load %arg8[%parallel_loop3A_397, %parallel_loop3A_398] {strides = array<i32>} : memref<32x512xf32, #tpu.memory_space<vmem>>, vector<16xf32>,
        tpu.vector_store %arg8[%parallel_loop3A_397, %parallel_loop3A_398], %parallel_loop3A_396 {strides = array<i32>} : memref<32x512xf32, #tpu.memory_space<vmem>>, vector<16xf32>,
        %parallel_loop3A_400 = arith.index_cast %parallel_loop3A_127 : i32 to index
        %parallel_loop3A_401 = arith.constant 256 : index
        %parallel_loop3A_402 = tpu.vector_load %arg6[%parallel_loop3A_400, %parallel_loop3A_401] {strides = array<i32>} : memref<32x512xf32, #tpu.memory_space<vmem>>, vector<16xf32>,
        %parallel_loop3A_403 = arith.constant 2.550000e+02 : f32
        %parallel_loop3A_404 = vector.broadcast %parallel_loop3A_403 : f32 to vector<16xf32>
        %parallel_loop3A_405 = arith.mulf %parallel_loop3A_402, %parallel_loop3A_404 : vector<16xf32>
        %parallel_loop3A_406 = arith.constant 0x4B000000 : f32
        %parallel_loop3A_407 = vector.broadcast %parallel_loop3A_406 : f32 to vector<16xf32>
        %parallel_loop3A_408 = arith.addf %parallel_loop3A_405, %parallel_loop3A_407 : vector<16xf32>
        %parallel_loop3A_409 = vector.bitcast %parallel_loop3A_408 : vector<16xf32> to vector<16xi32>
        %parallel_loop3A_410 = arith.constant 255 : i32
        %parallel_loop3A_411 = vector.broadcast %parallel_loop3A_410 : i32 to vector<16xi32>
        %parallel_loop3A_412 = arith.andi %parallel_loop3A_409, %parallel_loop3A_411 : vector<16xi32>
        %parallel_loop3A_413 = tpu.vector_load_idx %arg5[%parallel_loop3A_412] : memref<256xf32, #tpu.memory_space<vmem>>[vector<16xi32>], vector<16xf32>,
        %parallel_loop3A_414 = arith.index_cast %parallel_loop3A_127 : i32 to index
        %parallel_loop3A_415 = arith.constant 256 : index
        %parallel_loop3A_416 = tpu.vector_load %arg8[%parallel_loop3A_414, %parallel_loop3A_415] {strides = array<i32>} : memref<32x512xf32, #tpu.memory_space<vmem>>, vector<16xf32>,
        tpu.vector_store %arg8[%parallel_loop3A_414, %parallel_loop3A_415], %parallel_loop3A_413 {strides = array<i32>} : memref<32x512xf32, #tpu.memory_space<vmem>>, vector<16xf32>,
        %parallel_loop3A_417 = arith.index_cast %parallel_loop3A_127 : i32 to index
        %parallel_loop3A_418 = arith.constant 272 : index
        %parallel_loop3A_419 = tpu.vector_load %arg6[%parallel_loop3A_417, %parallel_loop3A_418] {strides = array<i32>} : memref<32x512xf32, #tpu.memory_space<vmem>>, vector<16xf32>,
        %parallel_loop3A_420 = arith.constant 2.550000e+02 : f32
        %parallel_loop3A_421 = vector.broadcast %parallel_loop3A_420 : f32 to vector<16xf32>
        %parallel_loop3A_422 = arith.mulf %parallel_loop3A_419, %parallel_loop3A_421 : vector<16xf32>
        %parallel_loop3A_423 = arith.constant 0x4B000000 : f32
        %parallel_loop3A_424 = vector.broadcast %parallel_loop3A_423 : f32 to vector<16xf32>
        %parallel_loop3A_425 = arith.addf %parallel_loop3A_422, %parallel_loop3A_424 : vector<16xf32>
        %parallel_loop3A_426 = vector.bitcast %parallel_loop3A_425 : vector<16xf32> to vector<16xi32>
        %parallel_loop3A_427 = arith.constant 255 : i32
        %parallel_loop3A_428 = vector.broadcast %parallel_loop3A_427 : i32 to vector<16xi32>
        %parallel_loop3A_429 = arith.andi %parallel_loop3A_426, %parallel_loop3A_428 : vector<16xi32>
        %parallel_loop3A_430 = tpu.vector_load_idx %arg5[%parallel_loop3A_429] : memref<256xf32, #tpu.memory_space<vmem>>[vector<16xi32>], vector<16xf32>,
        %parallel_loop3A_431 = arith.index_cast %parallel_loop3A_127 : i32 to index
        %parallel_loop3A_432 = arith.constant 272 : index
        %parallel_loop3A_433 = tpu.vector_load %arg8[%parallel_loop3A_431, %parallel_loop3A_432] {strides = array<i32>} : memref<32x512xf32, #tpu.memory_space<vmem>>, vector<16xf32>,
        tpu.vector_store %arg8[%parallel_loop3A_431, %parallel_loop3A_432], %parallel_loop3A_430 {strides = array<i32>} : memref<32x512xf32, #tpu.memory_space<vmem>>, vector<16xf32>,
        %parallel_loop3A_434 = arith.index_cast %parallel_loop3A_127 : i32 to index
        %parallel_loop3A_435 = arith.constant 288 : index
        %parallel_loop3A_436 = tpu.vector_load %arg6[%parallel_loop3A_434, %parallel_loop3A_435] {strides = array<i32>} : memref<32x512xf32, #tpu.memory_space<vmem>>, vector<16xf32>,
        %parallel_loop3A_437 = arith.constant 2.550000e+02 : f32
        %parallel_loop3A_438 = vector.broadcast %parallel_loop3A_437 : f32 to vector<16xf32>
        %parallel_loop3A_439 = arith.mulf %parallel_loop3A_436, %parallel_loop3A_438 : vector<16xf32>
        %parallel_loop3A_440 = arith.constant 0x4B000000 : f32
        %parallel_loop3A_441 = vector.broadcast %parallel_loop3A_440 : f32 to vector<16xf32>
        %parallel_loop3A_442 = arith.addf %parallel_loop3A_439, %parallel_loop3A_441 : vector<16xf32>
        %parallel_loop3A_443 = vector.bitcast %parallel_loop3A_442 : vector<16xf32> to vector<16xi32>
        %parallel_loop3A_444 = arith.constant 255 : i32
        %parallel_loop3A_445 = vector.broadcast %parallel_loop3A_444 : i32 to vector<16xi32>
        %parallel_loop3A_446 = arith.andi %parallel_loop3A_443, %parallel_loop3A_445 : vector<16xi32>
        %parallel_loop3A_447 = tpu.vector_load_idx %arg5[%parallel_loop3A_446] : memref<256xf32, #tpu.memory_space<vmem>>[vector<16xi32>], vector<16xf32>,
        %parallel_loop3A_448 = arith.index_cast %parallel_loop3A_127 : i32 to index
        %parallel_loop3A_449 = arith.constant 288 : index
        %parallel_loop3A_450 = tpu.vector_load %arg8[%parallel_loop3A_448, %parallel_loop3A_449] {strides = array<i32>} : memref<32x512xf32, #tpu.memory_space<vmem>>, vector<16xf32>,
        tpu.vector_store %arg8[%parallel_loop3A_448, %parallel_loop3A_449], %parallel_loop3A_447 {strides = array<i32>} : memref<32x512xf32, #tpu.memory_space<vmem>>, vector<16xf32>,
        %parallel_loop3A_451 = arith.index_cast %parallel_loop3A_127 : i32 to index
        %parallel_loop3A_452 = arith.constant 304 : index
        %parallel_loop3A_453 = tpu.vector_load %arg6[%parallel_loop3A_451, %parallel_loop3A_452] {strides = array<i32>} : memref<32x512xf32, #tpu.memory_space<vmem>>, vector<16xf32>,
        %parallel_loop3A_454 = arith.constant 2.550000e+02 : f32
        %parallel_loop3A_455 = vector.broadcast %parallel_loop3A_454 : f32 to vector<16xf32>
        %parallel_loop3A_456 = arith.mulf %parallel_loop3A_453, %parallel_loop3A_455 : vector<16xf32>
        %parallel_loop3A_457 = arith.constant 0x4B000000 : f32
        %parallel_loop3A_458 = vector.broadcast %parallel_loop3A_457 : f32 to vector<16xf32>
        %parallel_loop3A_459 = arith.addf %parallel_loop3A_456, %parallel_loop3A_458 : vector<16xf32>
        %parallel_loop3A_460 = vector.bitcast %parallel_loop3A_459 : vector<16xf32> to vector<16xi32>
        %parallel_loop3A_461 = arith.constant 255 : i32
        %parallel_loop3A_462 = vector.broadcast %parallel_loop3A_461 : i32 to vector<16xi32>
        %parallel_loop3A_463 = arith.andi %parallel_loop3A_460, %parallel_loop3A_462 : vector<16xi32>
        %parallel_loop3A_464 = tpu.vector_load_idx %arg5[%parallel_loop3A_463] : memref<256xf32, #tpu.memory_space<vmem>>[vector<16xi32>], vector<16xf32>,
        %parallel_loop3A_465 = arith.index_cast %parallel_loop3A_127 : i32 to index
        %parallel_loop3A_466 = arith.constant 304 : index
        %parallel_loop3A_467 = tpu.vector_load %arg8[%parallel_loop3A_465, %parallel_loop3A_466] {strides = array<i32>} : memref<32x512xf32, #tpu.memory_space<vmem>>, vector<16xf32>,
        tpu.vector_store %arg8[%parallel_loop3A_465, %parallel_loop3A_466], %parallel_loop3A_464 {strides = array<i32>} : memref<32x512xf32, #tpu.memory_space<vmem>>, vector<16xf32>,
        %parallel_loop3A_468 = arith.index_cast %parallel_loop3A_127 : i32 to index
        %parallel_loop3A_469 = arith.constant 320 : index
        %parallel_loop3A_470 = tpu.vector_load %arg6[%parallel_loop3A_468, %parallel_loop3A_469] {strides = array<i32>} : memref<32x512xf32, #tpu.memory_space<vmem>>, vector<16xf32>,
        %parallel_loop3A_471 = arith.constant 2.550000e+02 : f32
        %parallel_loop3A_472 = vector.broadcast %parallel_loop3A_471 : f32 to vector<16xf32>
        %parallel_loop3A_473 = arith.mulf %parallel_loop3A_470, %parallel_loop3A_472 : vector<16xf32>
        %parallel_loop3A_474 = arith.constant 0x4B000000 : f32
        %parallel_loop3A_475 = vector.broadcast %parallel_loop3A_474 : f32 to vector<16xf32>
        %parallel_loop3A_476 = arith.addf %parallel_loop3A_473, %parallel_loop3A_475 : vector<16xf32>
        %parallel_loop3A_477 = vector.bitcast %parallel_loop3A_476 : vector<16xf32> to vector<16xi32>
        %parallel_loop3A_478 = arith.constant 255 : i32
        %parallel_loop3A_479 = vector.broadcast %parallel_loop3A_478 : i32 to vector<16xi32>
        %parallel_loop3A_480 = arith.andi %parallel_loop3A_477, %parallel_loop3A_479 : vector<16xi32>
        %parallel_loop3A_481 = tpu.vector_load_idx %arg5[%parallel_loop3A_480] : memref<256xf32, #tpu.memory_space<vmem>>[vector<16xi32>], vector<16xf32>,
        %parallel_loop3A_482 = arith.index_cast %parallel_loop3A_127 : i32 to index
        %parallel_loop3A_483 = arith.constant 320 : index
        %parallel_loop3A_484 = tpu.vector_load %arg8[%parallel_loop3A_482, %parallel_loop3A_483] {strides = array<i32>} : memref<32x512xf32, #tpu.memory_space<vmem>>, vector<16xf32>,
        tpu.vector_store %arg8[%parallel_loop3A_482, %parallel_loop3A_483], %parallel_loop3A_481 {strides = array<i32>} : memref<32x512xf32, #tpu.memory_space<vmem>>, vector<16xf32>,
        %parallel_loop3A_485 = arith.index_cast %parallel_loop3A_127 : i32 to index
        %parallel_loop3A_486 = arith.constant 336 : index
        %parallel_loop3A_487 = tpu.vector_load %arg6[%parallel_loop3A_485, %parallel_loop3A_486] {strides = array<i32>} : memref<32x512xf32, #tpu.memory_space<vmem>>, vector<16xf32>,
        %parallel_loop3A_488 = arith.constant 2.550000e+02 : f32
        %parallel_loop3A_489 = vector.broadcast %parallel_loop3A_488 : f32 to vector<16xf32>
        %parallel_loop3A_490 = arith.mulf %parallel_loop3A_487, %parallel_loop3A_489 : vector<16xf32>
        %parallel_loop3A_491 = arith.constant 0x4B000000 : f32
        %parallel_loop3A_492 = vector.broadcast %parallel_loop3A_491 : f32 to vector<16xf32>
        %parallel_loop3A_493 = arith.addf %parallel_loop3A_490, %parallel_loop3A_492 : vector<16xf32>
        %parallel_loop3A_494 = vector.bitcast %parallel_loop3A_493 : vector<16xf32> to vector<16xi32>
        %parallel_loop3A_495 = arith.constant 255 : i32
        %parallel_loop3A_496 = vector.broadcast %parallel_loop3A_495 : i32 to vector<16xi32>
        %parallel_loop3A_497 = arith.andi %parallel_loop3A_494, %parallel_loop3A_496 : vector<16xi32>
        %parallel_loop3A_498 = tpu.vector_load_idx %arg5[%parallel_loop3A_497] : memref<256xf32, #tpu.memory_space<vmem>>[vector<16xi32>], vector<16xf32>,
        %parallel_loop3A_499 = arith.index_cast %parallel_loop3A_127 : i32 to index
        %parallel_loop3A_500 = arith.constant 336 : index
        %parallel_loop3A_501 = tpu.vector_load %arg8[%parallel_loop3A_499, %parallel_loop3A_500] {strides = array<i32>} : memref<32x512xf32, #tpu.memory_space<vmem>>, vector<16xf32>,
        tpu.vector_store %arg8[%parallel_loop3A_499, %parallel_loop3A_500], %parallel_loop3A_498 {strides = array<i32>} : memref<32x512xf32, #tpu.memory_space<vmem>>, vector<16xf32>,
        %parallel_loop3A_502 = arith.index_cast %parallel_loop3A_127 : i32 to index
        %parallel_loop3A_503 = arith.constant 352 : index
        %parallel_loop3A_504 = tpu.vector_load %arg6[%parallel_loop3A_502, %parallel_loop3A_503] {strides = array<i32>} : memref<32x512xf32, #tpu.memory_space<vmem>>, vector<16xf32>,
        %parallel_loop3A_505 = arith.constant 2.550000e+02 : f32
        %parallel_loop3A_506 = vector.broadcast %parallel_loop3A_505 : f32 to vector<16xf32>
        %parallel_loop3A_507 = arith.mulf %parallel_loop3A_504, %parallel_loop3A_506 : vector<16xf32>
        %parallel_loop3A_508 = arith.constant 0x4B000000 : f32
        %parallel_loop3A_509 = vector.broadcast %parallel_loop3A_508 : f32 to vector<16xf32>
        %parallel_loop3A_510 = arith.addf %parallel_loop3A_507, %parallel_loop3A_509 : vector<16xf32>
        %parallel_loop3A_511 = vector.bitcast %parallel_loop3A_510 : vector<16xf32> to vector<16xi32>
        %parallel_loop3A_512 = arith.constant 255 : i32
        %parallel_loop3A_513 = vector.broadcast %parallel_loop3A_512 : i32 to vector<16xi32>
        %parallel_loop3A_514 = arith.andi %parallel_loop3A_511, %parallel_loop3A_513 : vector<16xi32>
        %parallel_loop3A_515 = tpu.vector_load_idx %arg5[%parallel_loop3A_514] : memref<256xf32, #tpu.memory_space<vmem>>[vector<16xi32>], vector<16xf32>,
        %parallel_loop3A_516 = arith.index_cast %parallel_loop3A_127 : i32 to index
        %parallel_loop3A_517 = arith.constant 352 : index
        %parallel_loop3A_518 = tpu.vector_load %arg8[%parallel_loop3A_516, %parallel_loop3A_517] {strides = array<i32>} : memref<32x512xf32, #tpu.memory_space<vmem>>, vector<16xf32>,
        tpu.vector_store %arg8[%parallel_loop3A_516, %parallel_loop3A_517], %parallel_loop3A_515 {strides = array<i32>} : memref<32x512xf32, #tpu.memory_space<vmem>>, vector<16xf32>,
        %parallel_loop3A_519 = arith.index_cast %parallel_loop3A_127 : i32 to index
        %parallel_loop3A_520 = arith.constant 368 : index
        %parallel_loop3A_521 = tpu.vector_load %arg6[%parallel_loop3A_519, %parallel_loop3A_520] {strides = array<i32>} : memref<32x512xf32, #tpu.memory_space<vmem>>, vector<16xf32>,
        %parallel_loop3A_522 = arith.constant 2.550000e+02 : f32
        %parallel_loop3A_523 = vector.broadcast %parallel_loop3A_522 : f32 to vector<16xf32>
        %parallel_loop3A_524 = arith.mulf %parallel_loop3A_521, %parallel_loop3A_523 : vector<16xf32>
        %parallel_loop3A_525 = arith.constant 0x4B000000 : f32
        %parallel_loop3A_526 = vector.broadcast %parallel_loop3A_525 : f32 to vector<16xf32>
        %parallel_loop3A_527 = arith.addf %parallel_loop3A_524, %parallel_loop3A_526 : vector<16xf32>
        %parallel_loop3A_528 = vector.bitcast %parallel_loop3A_527 : vector<16xf32> to vector<16xi32>
        %parallel_loop3A_529 = arith.constant 255 : i32
        %parallel_loop3A_530 = vector.broadcast %parallel_loop3A_529 : i32 to vector<16xi32>
        %parallel_loop3A_531 = arith.andi %parallel_loop3A_528, %parallel_loop3A_530 : vector<16xi32>
        %parallel_loop3A_532 = tpu.vector_load_idx %arg5[%parallel_loop3A_531] : memref<256xf32, #tpu.memory_space<vmem>>[vector<16xi32>], vector<16xf32>,
        %parallel_loop3A_533 = arith.index_cast %parallel_loop3A_127 : i32 to index
        %parallel_loop3A_534 = arith.constant 368 : index
        %parallel_loop3A_535 = tpu.vector_load %arg8[%parallel_loop3A_533, %parallel_loop3A_534] {strides = array<i32>} : memref<32x512xf32, #tpu.memory_space<vmem>>, vector<16xf32>,
        tpu.vector_store %arg8[%parallel_loop3A_533, %parallel_loop3A_534], %parallel_loop3A_532 {strides = array<i32>} : memref<32x512xf32, #tpu.memory_space<vmem>>, vector<16xf32>,
        %parallel_loop3A_536 = arith.index_cast %parallel_loop3A_127 : i32 to index
        %parallel_loop3A_537 = arith.constant 384 : index
        %parallel_loop3A_538 = tpu.vector_load %arg6[%parallel_loop3A_536, %parallel_loop3A_537] {strides = array<i32>} : memref<32x512xf32, #tpu.memory_space<vmem>>, vector<16xf32>,
        %parallel_loop3A_539 = arith.constant 2.550000e+02 : f32
        %parallel_loop3A_540 = vector.broadcast %parallel_loop3A_539 : f32 to vector<16xf32>
        %parallel_loop3A_541 = arith.mulf %parallel_loop3A_538, %parallel_loop3A_540 : vector<16xf32>
        %parallel_loop3A_542 = arith.constant 0x4B000000 : f32
        %parallel_loop3A_543 = vector.broadcast %parallel_loop3A_542 : f32 to vector<16xf32>
        %parallel_loop3A_544 = arith.addf %parallel_loop3A_541, %parallel_loop3A_543 : vector<16xf32>
        %parallel_loop3A_545 = vector.bitcast %parallel_loop3A_544 : vector<16xf32> to vector<16xi32>
        %parallel_loop3A_546 = arith.constant 255 : i32
        %parallel_loop3A_547 = vector.broadcast %parallel_loop3A_546 : i32 to vector<16xi32>
        %parallel_loop3A_548 = arith.andi %parallel_loop3A_545, %parallel_loop3A_547 : vector<16xi32>
        %parallel_loop3A_549 = tpu.vector_load_idx %arg5[%parallel_loop3A_548] : memref<256xf32, #tpu.memory_space<vmem>>[vector<16xi32>], vector<16xf32>,
        %parallel_loop3A_550 = arith.index_cast %parallel_loop3A_127 : i32 to index
        %parallel_loop3A_551 = arith.constant 384 : index
        %parallel_loop3A_552 = tpu.vector_load %arg8[%parallel_loop3A_550, %parallel_loop3A_551] {strides = array<i32>} : memref<32x512xf32, #tpu.memory_space<vmem>>, vector<16xf32>,
        tpu.vector_store %arg8[%parallel_loop3A_550, %parallel_loop3A_551], %parallel_loop3A_549 {strides = array<i32>} : memref<32x512xf32, #tpu.memory_space<vmem>>, vector<16xf32>,
        %parallel_loop3A_553 = arith.index_cast %parallel_loop3A_127 : i32 to index
        %parallel_loop3A_554 = arith.constant 400 : index
        %parallel_loop3A_555 = tpu.vector_load %arg6[%parallel_loop3A_553, %parallel_loop3A_554] {strides = array<i32>} : memref<32x512xf32, #tpu.memory_space<vmem>>, vector<16xf32>,
        %parallel_loop3A_556 = arith.constant 2.550000e+02 : f32
        %parallel_loop3A_557 = vector.broadcast %parallel_loop3A_556 : f32 to vector<16xf32>
        %parallel_loop3A_558 = arith.mulf %parallel_loop3A_555, %parallel_loop3A_557 : vector<16xf32>
        %parallel_loop3A_559 = arith.constant 0x4B000000 : f32
        %parallel_loop3A_560 = vector.broadcast %parallel_loop3A_559 : f32 to vector<16xf32>
        %parallel_loop3A_561 = arith.addf %parallel_loop3A_558, %parallel_loop3A_560 : vector<16xf32>
        %parallel_loop3A_562 = vector.bitcast %parallel_loop3A_561 : vector<16xf32> to vector<16xi32>
        %parallel_loop3A_563 = arith.constant 255 : i32
        %parallel_loop3A_564 = vector.broadcast %parallel_loop3A_563 : i32 to vector<16xi32>
        %parallel_loop3A_565 = arith.andi %parallel_loop3A_562, %parallel_loop3A_564 : vector<16xi32>
        %parallel_loop3A_566 = tpu.vector_load_idx %arg5[%parallel_loop3A_565] : memref<256xf32, #tpu.memory_space<vmem>>[vector<16xi32>], vector<16xf32>,
        %parallel_loop3A_567 = arith.index_cast %parallel_loop3A_127 : i32 to index
        %parallel_loop3A_568 = arith.constant 400 : index
        %parallel_loop3A_569 = tpu.vector_load %arg8[%parallel_loop3A_567, %parallel_loop3A_568] {strides = array<i32>} : memref<32x512xf32, #tpu.memory_space<vmem>>, vector<16xf32>,
        tpu.vector_store %arg8[%parallel_loop3A_567, %parallel_loop3A_568], %parallel_loop3A_566 {strides = array<i32>} : memref<32x512xf32, #tpu.memory_space<vmem>>, vector<16xf32>,
        %parallel_loop3A_570 = arith.index_cast %parallel_loop3A_127 : i32 to index
        %parallel_loop3A_571 = arith.constant 416 : index
        %parallel_loop3A_572 = tpu.vector_load %arg6[%parallel_loop3A_570, %parallel_loop3A_571] {strides = array<i32>} : memref<32x512xf32, #tpu.memory_space<vmem>>, vector<16xf32>,
        %parallel_loop3A_573 = arith.constant 2.550000e+02 : f32
        %parallel_loop3A_574 = vector.broadcast %parallel_loop3A_573 : f32 to vector<16xf32>
        %parallel_loop3A_575 = arith.mulf %parallel_loop3A_572, %parallel_loop3A_574 : vector<16xf32>
        %parallel_loop3A_576 = arith.constant 0x4B000000 : f32
        %parallel_loop3A_577 = vector.broadcast %parallel_loop3A_576 : f32 to vector<16xf32>
        %parallel_loop3A_578 = arith.addf %parallel_loop3A_575, %parallel_loop3A_577 : vector<16xf32>
        %parallel_loop3A_579 = vector.bitcast %parallel_loop3A_578 : vector<16xf32> to vector<16xi32>
        %parallel_loop3A_580 = arith.constant 255 : i32
        %parallel_loop3A_581 = vector.broadcast %parallel_loop3A_580 : i32 to vector<16xi32>
        %parallel_loop3A_582 = arith.andi %parallel_loop3A_579, %parallel_loop3A_581 : vector<16xi32>
        %parallel_loop3A_583 = tpu.vector_load_idx %arg5[%parallel_loop3A_582] : memref<256xf32, #tpu.memory_space<vmem>>[vector<16xi32>], vector<16xf32>,
        %parallel_loop3A_584 = arith.index_cast %parallel_loop3A_127 : i32 to index
        %parallel_loop3A_585 = arith.constant 416 : index
        %parallel_loop3A_586 = tpu.vector_load %arg8[%parallel_loop3A_584, %parallel_loop3A_585] {strides = array<i32>} : memref<32x512xf32, #tpu.memory_space<vmem>>, vector<16xf32>,
        tpu.vector_store %arg8[%parallel_loop3A_584, %parallel_loop3A_585], %parallel_loop3A_583 {strides = array<i32>} : memref<32x512xf32, #tpu.memory_space<vmem>>, vector<16xf32>,
        %parallel_loop3A_587 = arith.index_cast %parallel_loop3A_127 : i32 to index
        %parallel_loop3A_588 = arith.constant 432 : index
        %parallel_loop3A_589 = tpu.vector_load %arg6[%parallel_loop3A_587, %parallel_loop3A_588] {strides = array<i32>} : memref<32x512xf32, #tpu.memory_space<vmem>>, vector<16xf32>,
        %parallel_loop3A_590 = arith.constant 2.550000e+02 : f32
        %parallel_loop3A_591 = vector.broadcast %parallel_loop3A_590 : f32 to vector<16xf32>
        %parallel_loop3A_592 = arith.mulf %parallel_loop3A_589, %parallel_loop3A_591 : vector<16xf32>
        %parallel_loop3A_593 = arith.constant 0x4B000000 : f32
        %parallel_loop3A_594 = vector.broadcast %parallel_loop3A_593 : f32 to vector<16xf32>
        %parallel_loop3A_595 = arith.addf %parallel_loop3A_592, %parallel_loop3A_594 : vector<16xf32>
        %parallel_loop3A_596 = vector.bitcast %parallel_loop3A_595 : vector<16xf32> to vector<16xi32>
        %parallel_loop3A_597 = arith.constant 255 : i32
        %parallel_loop3A_598 = vector.broadcast %parallel_loop3A_597 : i32 to vector<16xi32>
        %parallel_loop3A_599 = arith.andi %parallel_loop3A_596, %parallel_loop3A_598 : vector<16xi32>
        %parallel_loop3A_600 = tpu.vector_load_idx %arg5[%parallel_loop3A_599] : memref<256xf32, #tpu.memory_space<vmem>>[vector<16xi32>], vector<16xf32>,
        %parallel_loop3A_601 = arith.index_cast %parallel_loop3A_127 : i32 to index
        %parallel_loop3A_602 = arith.constant 432 : index
        %parallel_loop3A_603 = tpu.vector_load %arg8[%parallel_loop3A_601, %parallel_loop3A_602] {strides = array<i32>} : memref<32x512xf32, #tpu.memory_space<vmem>>, vector<16xf32>,
        tpu.vector_store %arg8[%parallel_loop3A_601, %parallel_loop3A_602], %parallel_loop3A_600 {strides = array<i32>} : memref<32x512xf32, #tpu.memory_space<vmem>>, vector<16xf32>,
        %parallel_loop3A_604 = arith.index_cast %parallel_loop3A_127 : i32 to index
        %parallel_loop3A_605 = arith.constant 448 : index
        %parallel_loop3A_606 = tpu.vector_load %arg6[%parallel_loop3A_604, %parallel_loop3A_605] {strides = array<i32>} : memref<32x512xf32, #tpu.memory_space<vmem>>, vector<16xf32>,
        %parallel_loop3A_607 = arith.constant 2.550000e+02 : f32
        %parallel_loop3A_608 = vector.broadcast %parallel_loop3A_607 : f32 to vector<16xf32>
        %parallel_loop3A_609 = arith.mulf %parallel_loop3A_606, %parallel_loop3A_608 : vector<16xf32>
        %parallel_loop3A_610 = arith.constant 0x4B000000 : f32
        %parallel_loop3A_611 = vector.broadcast %parallel_loop3A_610 : f32 to vector<16xf32>
        %parallel_loop3A_612 = arith.addf %parallel_loop3A_609, %parallel_loop3A_611 : vector<16xf32>
        %parallel_loop3A_613 = vector.bitcast %parallel_loop3A_612 : vector<16xf32> to vector<16xi32>
        %parallel_loop3A_614 = arith.constant 255 : i32
        %parallel_loop3A_615 = vector.broadcast %parallel_loop3A_614 : i32 to vector<16xi32>
        %parallel_loop3A_616 = arith.andi %parallel_loop3A_613, %parallel_loop3A_615 : vector<16xi32>
        %parallel_loop3A_617 = tpu.vector_load_idx %arg5[%parallel_loop3A_616] : memref<256xf32, #tpu.memory_space<vmem>>[vector<16xi32>], vector<16xf32>,
        %parallel_loop3A_618 = arith.index_cast %parallel_loop3A_127 : i32 to index
        %parallel_loop3A_619 = arith.constant 448 : index
        %parallel_loop3A_620 = tpu.vector_load %arg8[%parallel_loop3A_618, %parallel_loop3A_619] {strides = array<i32>} : memref<32x512xf32, #tpu.memory_space<vmem>>, vector<16xf32>,
        tpu.vector_store %arg8[%parallel_loop3A_618, %parallel_loop3A_619], %parallel_loop3A_617 {strides = array<i32>} : memref<32x512xf32, #tpu.memory_space<vmem>>, vector<16xf32>,
        %parallel_loop3A_621 = arith.index_cast %parallel_loop3A_127 : i32 to index
        %parallel_loop3A_622 = arith.constant 464 : index
        %parallel_loop3A_623 = tpu.vector_load %arg6[%parallel_loop3A_621, %parallel_loop3A_622] {strides = array<i32>} : memref<32x512xf32, #tpu.memory_space<vmem>>, vector<16xf32>,
        %parallel_loop3A_624 = arith.constant 2.550000e+02 : f32
        %parallel_loop3A_625 = vector.broadcast %parallel_loop3A_624 : f32 to vector<16xf32>
        %parallel_loop3A_626 = arith.mulf %parallel_loop3A_623, %parallel_loop3A_625 : vector<16xf32>
        %parallel_loop3A_627 = arith.constant 0x4B000000 : f32
        %parallel_loop3A_628 = vector.broadcast %parallel_loop3A_627 : f32 to vector<16xf32>
        %parallel_loop3A_629 = arith.addf %parallel_loop3A_626, %parallel_loop3A_628 : vector<16xf32>
        %parallel_loop3A_630 = vector.bitcast %parallel_loop3A_629 : vector<16xf32> to vector<16xi32>
        %parallel_loop3A_631 = arith.constant 255 : i32
        %parallel_loop3A_632 = vector.broadcast %parallel_loop3A_631 : i32 to vector<16xi32>
        %parallel_loop3A_633 = arith.andi %parallel_loop3A_630, %parallel_loop3A_632 : vector<16xi32>
        %parallel_loop3A_634 = tpu.vector_load_idx %arg5[%parallel_loop3A_633] : memref<256xf32, #tpu.memory_space<vmem>>[vector<16xi32>], vector<16xf32>,
        %parallel_loop3A_635 = arith.index_cast %parallel_loop3A_127 : i32 to index
        %parallel_loop3A_636 = arith.constant 464 : index
        %parallel_loop3A_637 = tpu.vector_load %arg8[%parallel_loop3A_635, %parallel_loop3A_636] {strides = array<i32>} : memref<32x512xf32, #tpu.memory_space<vmem>>, vector<16xf32>,
        tpu.vector_store %arg8[%parallel_loop3A_635, %parallel_loop3A_636], %parallel_loop3A_634 {strides = array<i32>} : memref<32x512xf32, #tpu.memory_space<vmem>>, vector<16xf32>,
        %parallel_loop3A_638 = arith.index_cast %parallel_loop3A_127 : i32 to index
        %parallel_loop3A_639 = arith.constant 480 : index
        %parallel_loop3A_640 = tpu.vector_load %arg6[%parallel_loop3A_638, %parallel_loop3A_639] {strides = array<i32>} : memref<32x512xf32, #tpu.memory_space<vmem>>, vector<16xf32>,
        %parallel_loop3A_641 = arith.constant 2.550000e+02 : f32
        %parallel_loop3A_642 = vector.broadcast %parallel_loop3A_641 : f32 to vector<16xf32>
        %parallel_loop3A_643 = arith.mulf %parallel_loop3A_640, %parallel_loop3A_642 : vector<16xf32>
        %parallel_loop3A_644 = arith.constant 0x4B000000 : f32
        %parallel_loop3A_645 = vector.broadcast %parallel_loop3A_644 : f32 to vector<16xf32>
        %parallel_loop3A_646 = arith.addf %parallel_loop3A_643, %parallel_loop3A_645 : vector<16xf32>
        %parallel_loop3A_647 = vector.bitcast %parallel_loop3A_646 : vector<16xf32> to vector<16xi32>
        %parallel_loop3A_648 = arith.constant 255 : i32
        %parallel_loop3A_649 = vector.broadcast %parallel_loop3A_648 : i32 to vector<16xi32>
        %parallel_loop3A_650 = arith.andi %parallel_loop3A_647, %parallel_loop3A_649 : vector<16xi32>
        %parallel_loop3A_651 = tpu.vector_load_idx %arg5[%parallel_loop3A_650] : memref<256xf32, #tpu.memory_space<vmem>>[vector<16xi32>], vector<16xf32>,
        %parallel_loop3A_652 = arith.index_cast %parallel_loop3A_127 : i32 to index
        %parallel_loop3A_653 = arith.constant 480 : index
        %parallel_loop3A_654 = tpu.vector_load %arg8[%parallel_loop3A_652, %parallel_loop3A_653] {strides = array<i32>} : memref<32x512xf32, #tpu.memory_space<vmem>>, vector<16xf32>,
        tpu.vector_store %arg8[%parallel_loop3A_652, %parallel_loop3A_653], %parallel_loop3A_651 {strides = array<i32>} : memref<32x512xf32, #tpu.memory_space<vmem>>, vector<16xf32>,
        %parallel_loop3A_655 = arith.index_cast %parallel_loop3A_127 : i32 to index
        %parallel_loop3A_656 = arith.constant 496 : index
        %parallel_loop3A_657 = tpu.vector_load %arg6[%parallel_loop3A_655, %parallel_loop3A_656] {strides = array<i32>} : memref<32x512xf32, #tpu.memory_space<vmem>>, vector<16xf32>,
        %parallel_loop3A_658 = arith.constant 2.550000e+02 : f32
        %parallel_loop3A_659 = vector.broadcast %parallel_loop3A_658 : f32 to vector<16xf32>
        %parallel_loop3A_660 = arith.mulf %parallel_loop3A_657, %parallel_loop3A_659 : vector<16xf32>
        %parallel_loop3A_661 = arith.constant 0x4B000000 : f32
        %parallel_loop3A_662 = vector.broadcast %parallel_loop3A_661 : f32 to vector<16xf32>
        %parallel_loop3A_663 = arith.addf %parallel_loop3A_660, %parallel_loop3A_662 : vector<16xf32>
        %parallel_loop3A_664 = vector.bitcast %parallel_loop3A_663 : vector<16xf32> to vector<16xi32>
        %parallel_loop3A_665 = arith.constant 255 : i32
        %parallel_loop3A_666 = vector.broadcast %parallel_loop3A_665 : i32 to vector<16xi32>
        %parallel_loop3A_667 = arith.andi %parallel_loop3A_664, %parallel_loop3A_666 : vector<16xi32>
        %parallel_loop3A_668 = tpu.vector_load_idx %arg5[%parallel_loop3A_667] : memref<256xf32, #tpu.memory_space<vmem>>[vector<16xi32>], vector<16xf32>,
        %parallel_loop3A_669 = arith.index_cast %parallel_loop3A_127 : i32 to index
        %parallel_loop3A_670 = arith.constant 496 : index
        %parallel_loop3A_671 = tpu.vector_load %arg8[%parallel_loop3A_669, %parallel_loop3A_670] {strides = array<i32>} : memref<32x512xf32, #tpu.memory_space<vmem>>, vector<16xf32>,
        tpu.vector_store %arg8[%parallel_loop3A_669, %parallel_loop3A_670], %parallel_loop3A_668 {strides = array<i32>} : memref<32x512xf32, #tpu.memory_space<vmem>>, vector<16xf32>,
      } {sc.loop_unroll_factor = 1 : i64, sc.parallel_access}
      %mul3A_61 = arith.constant 32 : i32
      %mul3A_62 = arith.muli %add3A_35, %mul3A_61 : i32
      %add3A_63 = arith.addi %mul3A_2, %mul3A_62 : i32
      %dma_start3A_64 = arith.constant 0 : i32
      %dma_start3A_65 = tpu.memref_slice %arg4[%add3A_63, %dma_start3A_64] : memref<24576x512xf32, #tpu.memory_space<hbm>> -> memref<32x512xf32, #tpu.memory_space<hbm>>
      %dma_start3A_66 = arith.constant 0 : i32
      %dma_start3A_67 = tpu.memref_slice %arg4[%add3A_63, %dma_start3A_66] : memref<24576x512xf32, #tpu.memory_space<hbm>> -> memref<32x512xf32, #tpu.memory_space<hbm>>
      tpu.enqueue_dma source(%arg8 : memref<32x512xf32, #tpu.memory_space<vmem>>) target(%dma_start3A_67 : memref<32x512xf32, #tpu.memory_space<hbm>>) target_semaphore(%arg12 : memref<!tpu.dma_semaphore, #tpu.memory_space<semaphore_mem>>)
      %add3A_68 = arith.constant 2 : i32
      %add3A_69 = arith.addi %add3A_33, %add3A_68 : i32
      %lt3A_70 = arith.constant 24 : i32
      %lt3A_71 = arith.cmpi slt, %add3A_69, %lt3A_70 : i32
      %convert_element_type3A_72 = arith.extui %lt3A_71 : i1 to i32
      %cond3A_73 = arith.constant 0 : i32
      %cond3A_74 = arith.cmpi ne, %convert_element_type3A_72, %cond3A_73 : i32
      scf.if %cond3A_74 {
        %add3A_127 = arith.constant 2 : i32
        %add3A_128 = arith.addi %add3A_35, %add3A_127 : i32
        %mul3A_129 = arith.constant 32 : i32
        %mul3A_130 = arith.muli %add3A_128, %mul3A_129 : i32
        %add3A_131 = arith.addi %mul3A_2, %mul3A_130 : i32
        %dma_start3A_132 = arith.constant 0 : i32
        %dma_start3A_133 = tpu.memref_slice %arg2[%add3A_131, %dma_start3A_132] : memref<24576x512xf32, #tpu.memory_space<hbm>> -> memref<32x512xf32, #tpu.memory_space<hbm>>
        %dma_start3A_134 = arith.constant 0 : i32
        %dma_start3A_135 = tpu.memref_slice %arg2[%add3A_131, %dma_start3A_134] : memref<24576x512xf32, #tpu.memory_space<hbm>> -> memref<32x512xf32, #tpu.memory_space<hbm>>
        tpu.enqueue_dma source(%dma_start3A_135 : memref<32x512xf32, #tpu.memory_space<hbm>>) target(%arg6 : memref<32x512xf32, #tpu.memory_space<vmem>>) target_semaphore(%arg10 : memref<!tpu.dma_semaphore, #tpu.memory_space<semaphore_mem>>)
      } else {
      }
      %add3A_75 = arith.constant 1 : i32
      %add3A_76 = arith.addi %add3A_33, %add3A_75 : i32
      %jit3A_77 = arith.constant 8 : i32
      %eq3A_78 = arith.constant 0 : i32
      %eq3A_79 = arith.cmpi eq, %jit3A_77, %eq3A_78 : i32
      %jit3A_80 = arith.constant 1 : i32
      %select_n3A_81 = arith.select %eq3A_79, %jit3A_80, %jit3A_77 : i32
      %rem3A_82 = arith.remsi %add3A_76, %select_n3A_81 : i32
      %ne3A_83 = arith.constant 0 : i32
      %ne3A_84 = arith.cmpi ne, %rem3A_82, %ne3A_83 : i32
      %lt3A_85 = arith.constant 0 : i32
      %lt3A_86 = arith.cmpi slt, %rem3A_82, %lt3A_85 : i32
      %lt3A_87 = arith.constant 0 : i32
      %lt3A_88 = arith.cmpi slt, %select_n3A_81, %lt3A_87 : i32
      %ne3A_89 = arith.xori %lt3A_86, %lt3A_88 : i1
      %and3A_90 = arith.andi %ne3A_89, %ne3A_84 : i1
      %add3A_91 = arith.addi %rem3A_82, %select_n3A_81 : i32
      %select_n3A_92 = arith.select %and3A_90, %add3A_91, %rem3A_82 : i32
      %eq3A_93 = arith.constant 0 : i32
      %eq3A_94 = arith.cmpi eq, %select_n3A_92, %eq3A_93 : i32
      %convert_element_type3A_95 = arith.extui %eq3A_94 : i1 to i32
      %cond3A_96 = arith.constant 0 : i32
      %cond3A_97 = arith.cmpi ne, %convert_element_type3A_95, %cond3A_96 : i32
      scf.if %cond3A_97 {
        %mul3A_127 = arith.constant 3 : i32
        %mul3A_128 = arith.muli %add3A, %mul3A_127 : i32
        %jit3A_129 = arith.constant 8 : i32
        %div3A = arith.divsi %add3A_76, %jit3A_129 : i32
        %sign3A = arith.constant 0 : i32
        %sign3A_130 = arith.cmpi sgt, %add3A_76, %sign3A : i32
        %sign3A_131 = arith.extui %sign3A_130 : i1 to i32
        %sign3A_132 = arith.constant 0 : i32
        %sign3A_133 = arith.cmpi slt, %add3A_76, %sign3A_132 : i32
        %sign3A_134 = arith.extui %sign3A_133 : i1 to i32
        %sign3A_135 = arith.subi %sign3A_131, %sign3A_134 : i32
        %sign3A_136 = arith.constant 0 : i32
        %sign3A_137 = arith.cmpi sgt, %jit3A_129, %sign3A_136 : i32
        %sign3A_138 = arith.extui %sign3A_137 : i1 to i32
        %sign3A_139 = arith.constant 0 : i32
        %sign3A_140 = arith.cmpi slt, %jit3A_129, %sign3A_139 : i32
        %sign3A_141 = arith.extui %sign3A_140 : i1 to i32
        %sign3A_142 = arith.subi %sign3A_138, %sign3A_141 : i32
        %ne3A_143 = arith.cmpi ne, %sign3A_135, %sign3A_142 : i32
        %rem3A_144 = arith.remsi %add3A_76, %jit3A_129 : i32
        %ne3A_145 = arith.constant 0 : i32
        %ne3A_146 = arith.cmpi ne, %rem3A_144, %ne3A_145 : i32
        %and3A_147 = arith.andi %ne3A_143, %ne3A_146 : i1
        %sub3A = arith.constant 1 : i32
        %sub3A_148 = arith.subi %div3A, %sub3A : i32
        %select_n3A_149 = arith.select %and3A_147, %sub3A_148, %div3A : i32
        %add3A_150 = arith.addi %mul3A_128, %select_n3A_149 : i32
        %jit3A_151 = arith.constant 2 : i32
        %div3A_152 = arith.divsi %add3A_150, %jit3A_151 : i32
        %sign3A_153 = arith.constant 0 : i32
        %sign3A_154 = arith.cmpi sgt, %add3A_150, %sign3A_153 : i32
        %sign3A_155 = arith.extui %sign3A_154 : i1 to i32
        %sign3A_156 = arith.constant 0 : i32
        %sign3A_157 = arith.cmpi slt, %add3A_150, %sign3A_156 : i32
        %sign3A_158 = arith.extui %sign3A_157 : i1 to i32
        %sign3A_159 = arith.subi %sign3A_155, %sign3A_158 : i32
        %sign3A_160 = arith.constant 0 : i32
        %sign3A_161 = arith.cmpi sgt, %jit3A_151, %sign3A_160 : i32
        %sign3A_162 = arith.extui %sign3A_161 : i1 to i32
        %sign3A_163 = arith.constant 0 : i32
        %sign3A_164 = arith.cmpi slt, %jit3A_151, %sign3A_163 : i32
        %sign3A_165 = arith.extui %sign3A_164 : i1 to i32
        %sign3A_166 = arith.subi %sign3A_162, %sign3A_165 : i32
        %ne3A_167 = arith.cmpi ne, %sign3A_159, %sign3A_166 : i32
        %rem3A_168 = arith.remsi %add3A_150, %jit3A_151 : i32
        %ne3A_169 = arith.constant 0 : i32
        %ne3A_170 = arith.cmpi ne, %rem3A_168, %ne3A_169 : i32
        %and3A_171 = arith.andi %ne3A_167, %ne3A_170 : i1
        %sub3A_172 = arith.constant 1 : i32
        %sub3A_173 = arith.subi %div3A_152, %sub3A_172 : i32
        %select_n3A_174 = arith.select %and3A_171, %sub3A_173, %div3A_152 : i32
        %jit3A_175 = arith.constant 3 : i32
        %eq3A_176 = arith.constant 0 : i32
        %eq3A_177 = arith.cmpi eq, %jit3A_175, %eq3A_176 : i32
        %jit3A_178 = arith.constant 1 : i32
        %select_n3A_179 = arith.select %eq3A_177, %jit3A_178, %jit3A_175 : i32
        %rem3A_180 = arith.remsi %select_n3A_174, %select_n3A_179 : i32
        %ne3A_181 = arith.constant 0 : i32
        %ne3A_182 = arith.cmpi ne, %rem3A_180, %ne3A_181 : i32
        %lt3A_183 = arith.constant 0 : i32
        %lt3A_184 = arith.cmpi slt, %rem3A_180, %lt3A_183 : i32
        %lt3A_185 = arith.constant 0 : i32
        %lt3A_186 = arith.cmpi slt, %select_n3A_179, %lt3A_185 : i32
        %ne3A_187 = arith.xori %lt3A_184, %lt3A_186 : i1
        %and3A_188 = arith.andi %ne3A_187, %ne3A_182 : i1
        %add3A_189 = arith.addi %rem3A_180, %select_n3A_179 : i32
        %select_n3A_190 = arith.select %and3A_188, %add3A_189, %rem3A_180 : i32
        %mul3A_191 = arith.constant 16 : i32
        %mul3A_192 = arith.muli %select_n3A_190, %mul3A_191 : i32
        %jit3A_193 = arith.constant 3 : i32
        %div3A_194 = arith.divsi %select_n3A_174, %jit3A_193 : i32
        %sign3A_195 = arith.constant 0 : i32
        %sign3A_196 = arith.cmpi sgt, %select_n3A_174, %sign3A_195 : i32
        %sign3A_197 = arith.extui %sign3A_196 : i1 to i32
        %sign3A_198 = arith.constant 0 : i32
        %sign3A_199 = arith.cmpi slt, %select_n3A_174, %sign3A_198 : i32
        %sign3A_200 = arith.extui %sign3A_199 : i1 to i32
        %sign3A_201 = arith.subi %sign3A_197, %sign3A_200 : i32
        %sign3A_202 = arith.constant 0 : i32
        %sign3A_203 = arith.cmpi sgt, %jit3A_193, %sign3A_202 : i32
        %sign3A_204 = arith.extui %sign3A_203 : i1 to i32
        %sign3A_205 = arith.constant 0 : i32
        %sign3A_206 = arith.cmpi slt, %jit3A_193, %sign3A_205 : i32
        %sign3A_207 = arith.extui %sign3A_206 : i1 to i32
        %sign3A_208 = arith.subi %sign3A_204, %sign3A_207 : i32
        %ne3A_209 = arith.cmpi ne, %sign3A_201, %sign3A_208 : i32
        %rem3A_210 = arith.remsi %select_n3A_174, %jit3A_193 : i32
        %ne3A_211 = arith.constant 0 : i32
        %ne3A_212 = arith.cmpi ne, %rem3A_210, %ne3A_211 : i32
        %and3A_213 = arith.andi %ne3A_209, %ne3A_212 : i1
        %sub3A_214 = arith.constant 1 : i32
        %sub3A_215 = arith.subi %div3A_194, %sub3A_214 : i32
        %select_n3A_216 = arith.select %and3A_213, %sub3A_215, %div3A_194 : i32
        %add3A_217 = arith.addi %mul3A_192, %select_n3A_216 : i32
        "tpu.region"() ({
          %run_scoped3A = tpu.sem_alloc : memref<!tpu.dma_semaphore, #tpu.memory_space<semaphore_mem>>
          %dma_start3A_218 = arith.constant 0 : i32
          %dma_start3A_219 = tpu.memref_slice %arg3[%add3A_217, %dma_start3A_218] : memref<48x256xf32, #tpu.memory_space<hbm>> -> memref<1x256xf32, #tpu.memory_space<hbm>>
          %dma_start3A_220 = tpu.memref_squeeze %dma_start3A_219 : memref<1x256xf32, #tpu.memory_space<hbm>> -> memref<256xf32, #tpu.memory_space<hbm>>
          %dma_start3A_221 = arith.constant 0 : i32
          %dma_start3A_222 = tpu.memref_slice %arg3[%add3A_217, %dma_start3A_221] : memref<48x256xf32, #tpu.memory_space<hbm>> -> memref<1x256xf32, #tpu.memory_space<hbm>>
          %dma_start3A_223 = tpu.memref_squeeze %dma_start3A_222 : memref<1x256xf32, #tpu.memory_space<hbm>> -> memref<256xf32, #tpu.memory_space<hbm>>
          tpu.enqueue_dma source(%dma_start3A_223 : memref<256xf32, #tpu.memory_space<hbm>>) target(%arg5 : memref<256xf32, #tpu.memory_space<vmem>>) target_semaphore(%run_scoped3A : memref<!tpu.dma_semaphore, #tpu.memory_space<semaphore_mem>>)
          %dma_wait3A_224 = arith.constant 0 : i32
          %dma_wait3A_225 = tpu.memref_slice %arg3[%add3A_217, %dma_wait3A_224] : memref<48x256xf32, #tpu.memory_space<hbm>> -> memref<1x256xf32, #tpu.memory_space<hbm>>
          %dma_wait3A_226 = tpu.memref_squeeze %dma_wait3A_225 : memref<1x256xf32, #tpu.memory_space<hbm>> -> memref<256xf32, #tpu.memory_space<hbm>>
          %dma_wait3A_227 = arith.constant 0 : i32
          %dma_wait3A_228 = tpu.memref_slice %arg3[%add3A_217, %dma_wait3A_227] : memref<48x256xf32, #tpu.memory_space<hbm>> -> memref<1x256xf32, #tpu.memory_space<hbm>>
          %dma_wait3A_229 = tpu.memref_squeeze %dma_wait3A_228 : memref<1x256xf32, #tpu.memory_space<hbm>> -> memref<256xf32, #tpu.memory_space<hbm>>
          tpu.wait_dma2 semaphore(%run_scoped3A : memref<!tpu.dma_semaphore, #tpu.memory_space<semaphore_mem>>) src(%dma_wait3A_229 : memref<256xf32, #tpu.memory_space<hbm>>) dst(%arg5 : memref<256xf32, #tpu.memory_space<vmem>>)
          tpu.yield
        }) : () -> ()
      } else {
      }
      %mul3A_98 = arith.constant 32 : i32
      %mul3A_99 = arith.muli %add3A_76, %mul3A_98 : i32
      %add3A_100 = arith.addi %mul3A_2, %mul3A_99 : i32
      %dma_wait3A_101 = arith.constant 0 : i32
      %dma_wait3A_102 = tpu.memref_slice %arg2[%add3A_100, %dma_wait3A_101] : memref<24576x512xf32, #tpu.memory_space<hbm>> -> memref<32x512xf32, #tpu.memory_space<hbm>>
      %dma_wait3A_103 = arith.constant 0 : i32
      %dma_wait3A_104 = tpu.memref_slice %arg2[%add3A_100, %dma_wait3A_103] : memref<24576x512xf32, #tpu.memory_space<hbm>> -> memref<32x512xf32, #tpu.memory_space<hbm>>
      tpu.wait_dma2 semaphore(%arg11 : memref<!tpu.dma_semaphore, #tpu.memory_space<semaphore_mem>>) src(%dma_wait3A_104 : memref<32x512xf32, #tpu.memory_space<hbm>>) dst(%arg7 : memref<32x512xf32, #tpu.memory_space<vmem>>)
      %ge3A_105 = arith.constant 2 : i32
      %ge3A_106 = arith.cmpi sge, %add3A_33, %ge3A_105 : i32
      %convert_element_type3A_107 = arith.extui %ge3A_106 : i1 to i32
      %cond3A_108 = arith.constant 0 : i32
      %cond3A_109 = arith.cmpi ne, %convert_element_type3A_107, %cond3A_108 : i32
      scf.if %cond3A_109 {
        %mul3A_127 = arith.constant 32 : i32
        %mul3A_128 = arith.muli %add3A_76, %mul3A_127 : i32
        %add3A_129 = arith.addi %mul3A_2, %mul3A_128 : i32
        %dma_wait3A_130 = arith.constant 0 : i32
        %dma_wait3A_131 = tpu.memref_slice %arg4[%add3A_129, %dma_wait3A_130] : memref<24576x512xf32, #tpu.memory_space<hbm>> -> memref<32x512xf32, #tpu.memory_space<hbm>>
        %dma_wait3A_132 = arith.constant 0 : i32
        %dma_wait3A_133 = tpu.memref_slice %arg4[%add3A_129, %dma_wait3A_132] : memref<24576x512xf32, #tpu.memory_space<hbm>> -> memref<32x512xf32, #tpu.memory_space<hbm>>
        tpu.wait_dma2 semaphore(%arg13 : memref<!tpu.dma_semaphore, #tpu.memory_space<semaphore_mem>>) src(%arg9 : memref<32x512xf32, #tpu.memory_space<vmem>>) dst(%dma_wait3A_133 : memref<32x512xf32, #tpu.memory_space<hbm>>)
      } else {
      }
      %parallel_loop3A_110 = arith.constant 0 : i32
      %parallel_loop3A_111 = arith.constant 32 : i32
      %parallel_loop3A_112 = arith.constant 1 : i32
      scf.for %parallel_loop3A_127 = %parallel_loop3A_110 to %parallel_loop3A_111 step %parallel_loop3A_112  : i32 {
        %parallel_loop3A_128 = arith.index_cast %parallel_loop3A_127 : i32 to index
        %parallel_loop3A_129 = arith.constant 0 : index
        %parallel_loop3A_130 = tpu.vector_load %arg7[%parallel_loop3A_128, %parallel_loop3A_129] {strides = array<i32>} : memref<32x512xf32, #tpu.memory_space<vmem>>, vector<16xf32>,
        %parallel_loop3A_131 = arith.constant 2.550000e+02 : f32
        %parallel_loop3A_132 = vector.broadcast %parallel_loop3A_131 : f32 to vector<16xf32>
        %parallel_loop3A_133 = arith.mulf %parallel_loop3A_130, %parallel_loop3A_132 : vector<16xf32>
        %parallel_loop3A_134 = arith.constant 0x4B000000 : f32
        %parallel_loop3A_135 = vector.broadcast %parallel_loop3A_134 : f32 to vector<16xf32>
        %parallel_loop3A_136 = arith.addf %parallel_loop3A_133, %parallel_loop3A_135 : vector<16xf32>
        %parallel_loop3A_137 = vector.bitcast %parallel_loop3A_136 : vector<16xf32> to vector<16xi32>
        %parallel_loop3A_138 = arith.constant 255 : i32
        %parallel_loop3A_139 = vector.broadcast %parallel_loop3A_138 : i32 to vector<16xi32>
        %parallel_loop3A_140 = arith.andi %parallel_loop3A_137, %parallel_loop3A_139 : vector<16xi32>
        %parallel_loop3A_141 = tpu.vector_load_idx %arg5[%parallel_loop3A_140] : memref<256xf32, #tpu.memory_space<vmem>>[vector<16xi32>], vector<16xf32>,
        %parallel_loop3A_142 = arith.index_cast %parallel_loop3A_127 : i32 to index
        %parallel_loop3A_143 = arith.constant 0 : index
        %parallel_loop3A_144 = tpu.vector_load %arg9[%parallel_loop3A_142, %parallel_loop3A_143] {strides = array<i32>} : memref<32x512xf32, #tpu.memory_space<vmem>>, vector<16xf32>,
        tpu.vector_store %arg9[%parallel_loop3A_142, %parallel_loop3A_143], %parallel_loop3A_141 {strides = array<i32>} : memref<32x512xf32, #tpu.memory_space<vmem>>, vector<16xf32>,
        %parallel_loop3A_145 = arith.index_cast %parallel_loop3A_127 : i32 to index
        %parallel_loop3A_146 = arith.constant 16 : index
        %parallel_loop3A_147 = tpu.vector_load %arg7[%parallel_loop3A_145, %parallel_loop3A_146] {strides = array<i32>} : memref<32x512xf32, #tpu.memory_space<vmem>>, vector<16xf32>,
        %parallel_loop3A_148 = arith.constant 2.550000e+02 : f32
        %parallel_loop3A_149 = vector.broadcast %parallel_loop3A_148 : f32 to vector<16xf32>
        %parallel_loop3A_150 = arith.mulf %parallel_loop3A_147, %parallel_loop3A_149 : vector<16xf32>
        %parallel_loop3A_151 = arith.constant 0x4B000000 : f32
        %parallel_loop3A_152 = vector.broadcast %parallel_loop3A_151 : f32 to vector<16xf32>
        %parallel_loop3A_153 = arith.addf %parallel_loop3A_150, %parallel_loop3A_152 : vector<16xf32>
        %parallel_loop3A_154 = vector.bitcast %parallel_loop3A_153 : vector<16xf32> to vector<16xi32>
        %parallel_loop3A_155 = arith.constant 255 : i32
        %parallel_loop3A_156 = vector.broadcast %parallel_loop3A_155 : i32 to vector<16xi32>
        %parallel_loop3A_157 = arith.andi %parallel_loop3A_154, %parallel_loop3A_156 : vector<16xi32>
        %parallel_loop3A_158 = tpu.vector_load_idx %arg5[%parallel_loop3A_157] : memref<256xf32, #tpu.memory_space<vmem>>[vector<16xi32>], vector<16xf32>,
        %parallel_loop3A_159 = arith.index_cast %parallel_loop3A_127 : i32 to index
        %parallel_loop3A_160 = arith.constant 16 : index
        %parallel_loop3A_161 = tpu.vector_load %arg9[%parallel_loop3A_159, %parallel_loop3A_160] {strides = array<i32>} : memref<32x512xf32, #tpu.memory_space<vmem>>, vector<16xf32>,
        tpu.vector_store %arg9[%parallel_loop3A_159, %parallel_loop3A_160], %parallel_loop3A_158 {strides = array<i32>} : memref<32x512xf32, #tpu.memory_space<vmem>>, vector<16xf32>,
        %parallel_loop3A_162 = arith.index_cast %parallel_loop3A_127 : i32 to index
        %parallel_loop3A_163 = arith.constant 32 : index
        %parallel_loop3A_164 = tpu.vector_load %arg7[%parallel_loop3A_162, %parallel_loop3A_163] {strides = array<i32>} : memref<32x512xf32, #tpu.memory_space<vmem>>, vector<16xf32>,
        %parallel_loop3A_165 = arith.constant 2.550000e+02 : f32
        %parallel_loop3A_166 = vector.broadcast %parallel_loop3A_165 : f32 to vector<16xf32>
        %parallel_loop3A_167 = arith.mulf %parallel_loop3A_164, %parallel_loop3A_166 : vector<16xf32>
        %parallel_loop3A_168 = arith.constant 0x4B000000 : f32
        %parallel_loop3A_169 = vector.broadcast %parallel_loop3A_168 : f32 to vector<16xf32>
        %parallel_loop3A_170 = arith.addf %parallel_loop3A_167, %parallel_loop3A_169 : vector<16xf32>
        %parallel_loop3A_171 = vector.bitcast %parallel_loop3A_170 : vector<16xf32> to vector<16xi32>
        %parallel_loop3A_172 = arith.constant 255 : i32
        %parallel_loop3A_173 = vector.broadcast %parallel_loop3A_172 : i32 to vector<16xi32>
        %parallel_loop3A_174 = arith.andi %parallel_loop3A_171, %parallel_loop3A_173 : vector<16xi32>
        %parallel_loop3A_175 = tpu.vector_load_idx %arg5[%parallel_loop3A_174] : memref<256xf32, #tpu.memory_space<vmem>>[vector<16xi32>], vector<16xf32>,
        %parallel_loop3A_176 = arith.index_cast %parallel_loop3A_127 : i32 to index
        %parallel_loop3A_177 = arith.constant 32 : index
        %parallel_loop3A_178 = tpu.vector_load %arg9[%parallel_loop3A_176, %parallel_loop3A_177] {strides = array<i32>} : memref<32x512xf32, #tpu.memory_space<vmem>>, vector<16xf32>,
        tpu.vector_store %arg9[%parallel_loop3A_176, %parallel_loop3A_177], %parallel_loop3A_175 {strides = array<i32>} : memref<32x512xf32, #tpu.memory_space<vmem>>, vector<16xf32>,
        %parallel_loop3A_179 = arith.index_cast %parallel_loop3A_127 : i32 to index
        %parallel_loop3A_180 = arith.constant 48 : index
        %parallel_loop3A_181 = tpu.vector_load %arg7[%parallel_loop3A_179, %parallel_loop3A_180] {strides = array<i32>} : memref<32x512xf32, #tpu.memory_space<vmem>>, vector<16xf32>,
        %parallel_loop3A_182 = arith.constant 2.550000e+02 : f32
        %parallel_loop3A_183 = vector.broadcast %parallel_loop3A_182 : f32 to vector<16xf32>
        %parallel_loop3A_184 = arith.mulf %parallel_loop3A_181, %parallel_loop3A_183 : vector<16xf32>
        %parallel_loop3A_185 = arith.constant 0x4B000000 : f32
        %parallel_loop3A_186 = vector.broadcast %parallel_loop3A_185 : f32 to vector<16xf32>
        %parallel_loop3A_187 = arith.addf %parallel_loop3A_184, %parallel_loop3A_186 : vector<16xf32>
        %parallel_loop3A_188 = vector.bitcast %parallel_loop3A_187 : vector<16xf32> to vector<16xi32>
        %parallel_loop3A_189 = arith.constant 255 : i32
        %parallel_loop3A_190 = vector.broadcast %parallel_loop3A_189 : i32 to vector<16xi32>
        %parallel_loop3A_191 = arith.andi %parallel_loop3A_188, %parallel_loop3A_190 : vector<16xi32>
        %parallel_loop3A_192 = tpu.vector_load_idx %arg5[%parallel_loop3A_191] : memref<256xf32, #tpu.memory_space<vmem>>[vector<16xi32>], vector<16xf32>,
        %parallel_loop3A_193 = arith.index_cast %parallel_loop3A_127 : i32 to index
        %parallel_loop3A_194 = arith.constant 48 : index
        %parallel_loop3A_195 = tpu.vector_load %arg9[%parallel_loop3A_193, %parallel_loop3A_194] {strides = array<i32>} : memref<32x512xf32, #tpu.memory_space<vmem>>, vector<16xf32>,
        tpu.vector_store %arg9[%parallel_loop3A_193, %parallel_loop3A_194], %parallel_loop3A_192 {strides = array<i32>} : memref<32x512xf32, #tpu.memory_space<vmem>>, vector<16xf32>,
        %parallel_loop3A_196 = arith.index_cast %parallel_loop3A_127 : i32 to index
        %parallel_loop3A_197 = arith.constant 64 : index
        %parallel_loop3A_198 = tpu.vector_load %arg7[%parallel_loop3A_196, %parallel_loop3A_197] {strides = array<i32>} : memref<32x512xf32, #tpu.memory_space<vmem>>, vector<16xf32>,
        %parallel_loop3A_199 = arith.constant 2.550000e+02 : f32
        %parallel_loop3A_200 = vector.broadcast %parallel_loop3A_199 : f32 to vector<16xf32>
        %parallel_loop3A_201 = arith.mulf %parallel_loop3A_198, %parallel_loop3A_200 : vector<16xf32>
        %parallel_loop3A_202 = arith.constant 0x4B000000 : f32
        %parallel_loop3A_203 = vector.broadcast %parallel_loop3A_202 : f32 to vector<16xf32>
        %parallel_loop3A_204 = arith.addf %parallel_loop3A_201, %parallel_loop3A_203 : vector<16xf32>
        %parallel_loop3A_205 = vector.bitcast %parallel_loop3A_204 : vector<16xf32> to vector<16xi32>
        %parallel_loop3A_206 = arith.constant 255 : i32
        %parallel_loop3A_207 = vector.broadcast %parallel_loop3A_206 : i32 to vector<16xi32>
        %parallel_loop3A_208 = arith.andi %parallel_loop3A_205, %parallel_loop3A_207 : vector<16xi32>
        %parallel_loop3A_209 = tpu.vector_load_idx %arg5[%parallel_loop3A_208] : memref<256xf32, #tpu.memory_space<vmem>>[vector<16xi32>], vector<16xf32>,
        %parallel_loop3A_210 = arith.index_cast %parallel_loop3A_127 : i32 to index
        %parallel_loop3A_211 = arith.constant 64 : index
        %parallel_loop3A_212 = tpu.vector_load %arg9[%parallel_loop3A_210, %parallel_loop3A_211] {strides = array<i32>} : memref<32x512xf32, #tpu.memory_space<vmem>>, vector<16xf32>,
        tpu.vector_store %arg9[%parallel_loop3A_210, %parallel_loop3A_211], %parallel_loop3A_209 {strides = array<i32>} : memref<32x512xf32, #tpu.memory_space<vmem>>, vector<16xf32>,
        %parallel_loop3A_213 = arith.index_cast %parallel_loop3A_127 : i32 to index
        %parallel_loop3A_214 = arith.constant 80 : index
        %parallel_loop3A_215 = tpu.vector_load %arg7[%parallel_loop3A_213, %parallel_loop3A_214] {strides = array<i32>} : memref<32x512xf32, #tpu.memory_space<vmem>>, vector<16xf32>,
        %parallel_loop3A_216 = arith.constant 2.550000e+02 : f32
        %parallel_loop3A_217 = vector.broadcast %parallel_loop3A_216 : f32 to vector<16xf32>
        %parallel_loop3A_218 = arith.mulf %parallel_loop3A_215, %parallel_loop3A_217 : vector<16xf32>
        %parallel_loop3A_219 = arith.constant 0x4B000000 : f32
        %parallel_loop3A_220 = vector.broadcast %parallel_loop3A_219 : f32 to vector<16xf32>
        %parallel_loop3A_221 = arith.addf %parallel_loop3A_218, %parallel_loop3A_220 : vector<16xf32>
        %parallel_loop3A_222 = vector.bitcast %parallel_loop3A_221 : vector<16xf32> to vector<16xi32>
        %parallel_loop3A_223 = arith.constant 255 : i32
        %parallel_loop3A_224 = vector.broadcast %parallel_loop3A_223 : i32 to vector<16xi32>
        %parallel_loop3A_225 = arith.andi %parallel_loop3A_222, %parallel_loop3A_224 : vector<16xi32>
        %parallel_loop3A_226 = tpu.vector_load_idx %arg5[%parallel_loop3A_225] : memref<256xf32, #tpu.memory_space<vmem>>[vector<16xi32>], vector<16xf32>,
        %parallel_loop3A_227 = arith.index_cast %parallel_loop3A_127 : i32 to index
        %parallel_loop3A_228 = arith.constant 80 : index
        %parallel_loop3A_229 = tpu.vector_load %arg9[%parallel_loop3A_227, %parallel_loop3A_228] {strides = array<i32>} : memref<32x512xf32, #tpu.memory_space<vmem>>, vector<16xf32>,
        tpu.vector_store %arg9[%parallel_loop3A_227, %parallel_loop3A_228], %parallel_loop3A_226 {strides = array<i32>} : memref<32x512xf32, #tpu.memory_space<vmem>>, vector<16xf32>,
        %parallel_loop3A_230 = arith.index_cast %parallel_loop3A_127 : i32 to index
        %parallel_loop3A_231 = arith.constant 96 : index
        %parallel_loop3A_232 = tpu.vector_load %arg7[%parallel_loop3A_230, %parallel_loop3A_231] {strides = array<i32>} : memref<32x512xf32, #tpu.memory_space<vmem>>, vector<16xf32>,
        %parallel_loop3A_233 = arith.constant 2.550000e+02 : f32
        %parallel_loop3A_234 = vector.broadcast %parallel_loop3A_233 : f32 to vector<16xf32>
        %parallel_loop3A_235 = arith.mulf %parallel_loop3A_232, %parallel_loop3A_234 : vector<16xf32>
        %parallel_loop3A_236 = arith.constant 0x4B000000 : f32
        %parallel_loop3A_237 = vector.broadcast %parallel_loop3A_236 : f32 to vector<16xf32>
        %parallel_loop3A_238 = arith.addf %parallel_loop3A_235, %parallel_loop3A_237 : vector<16xf32>
        %parallel_loop3A_239 = vector.bitcast %parallel_loop3A_238 : vector<16xf32> to vector<16xi32>
        %parallel_loop3A_240 = arith.constant 255 : i32
        %parallel_loop3A_241 = vector.broadcast %parallel_loop3A_240 : i32 to vector<16xi32>
        %parallel_loop3A_242 = arith.andi %parallel_loop3A_239, %parallel_loop3A_241 : vector<16xi32>
        %parallel_loop3A_243 = tpu.vector_load_idx %arg5[%parallel_loop3A_242] : memref<256xf32, #tpu.memory_space<vmem>>[vector<16xi32>], vector<16xf32>,
        %parallel_loop3A_244 = arith.index_cast %parallel_loop3A_127 : i32 to index
        %parallel_loop3A_245 = arith.constant 96 : index
        %parallel_loop3A_246 = tpu.vector_load %arg9[%parallel_loop3A_244, %parallel_loop3A_245] {strides = array<i32>} : memref<32x512xf32, #tpu.memory_space<vmem>>, vector<16xf32>,
        tpu.vector_store %arg9[%parallel_loop3A_244, %parallel_loop3A_245], %parallel_loop3A_243 {strides = array<i32>} : memref<32x512xf32, #tpu.memory_space<vmem>>, vector<16xf32>,
        %parallel_loop3A_247 = arith.index_cast %parallel_loop3A_127 : i32 to index
        %parallel_loop3A_248 = arith.constant 112 : index
        %parallel_loop3A_249 = tpu.vector_load %arg7[%parallel_loop3A_247, %parallel_loop3A_248] {strides = array<i32>} : memref<32x512xf32, #tpu.memory_space<vmem>>, vector<16xf32>,
        %parallel_loop3A_250 = arith.constant 2.550000e+02 : f32
        %parallel_loop3A_251 = vector.broadcast %parallel_loop3A_250 : f32 to vector<16xf32>
        %parallel_loop3A_252 = arith.mulf %parallel_loop3A_249, %parallel_loop3A_251 : vector<16xf32>
        %parallel_loop3A_253 = arith.constant 0x4B000000 : f32
        %parallel_loop3A_254 = vector.broadcast %parallel_loop3A_253 : f32 to vector<16xf32>
        %parallel_loop3A_255 = arith.addf %parallel_loop3A_252, %parallel_loop3A_254 : vector<16xf32>
        %parallel_loop3A_256 = vector.bitcast %parallel_loop3A_255 : vector<16xf32> to vector<16xi32>
        %parallel_loop3A_257 = arith.constant 255 : i32
        %parallel_loop3A_258 = vector.broadcast %parallel_loop3A_257 : i32 to vector<16xi32>
        %parallel_loop3A_259 = arith.andi %parallel_loop3A_256, %parallel_loop3A_258 : vector<16xi32>
        %parallel_loop3A_260 = tpu.vector_load_idx %arg5[%parallel_loop3A_259] : memref<256xf32, #tpu.memory_space<vmem>>[vector<16xi32>], vector<16xf32>,
        %parallel_loop3A_261 = arith.index_cast %parallel_loop3A_127 : i32 to index
        %parallel_loop3A_262 = arith.constant 112 : index
        %parallel_loop3A_263 = tpu.vector_load %arg9[%parallel_loop3A_261, %parallel_loop3A_262] {strides = array<i32>} : memref<32x512xf32, #tpu.memory_space<vmem>>, vector<16xf32>,
        tpu.vector_store %arg9[%parallel_loop3A_261, %parallel_loop3A_262], %parallel_loop3A_260 {strides = array<i32>} : memref<32x512xf32, #tpu.memory_space<vmem>>, vector<16xf32>,
        %parallel_loop3A_264 = arith.index_cast %parallel_loop3A_127 : i32 to index
        %parallel_loop3A_265 = arith.constant 128 : index
        %parallel_loop3A_266 = tpu.vector_load %arg7[%parallel_loop3A_264, %parallel_loop3A_265] {strides = array<i32>} : memref<32x512xf32, #tpu.memory_space<vmem>>, vector<16xf32>,
        %parallel_loop3A_267 = arith.constant 2.550000e+02 : f32
        %parallel_loop3A_268 = vector.broadcast %parallel_loop3A_267 : f32 to vector<16xf32>
        %parallel_loop3A_269 = arith.mulf %parallel_loop3A_266, %parallel_loop3A_268 : vector<16xf32>
        %parallel_loop3A_270 = arith.constant 0x4B000000 : f32
        %parallel_loop3A_271 = vector.broadcast %parallel_loop3A_270 : f32 to vector<16xf32>
        %parallel_loop3A_272 = arith.addf %parallel_loop3A_269, %parallel_loop3A_271 : vector<16xf32>
        %parallel_loop3A_273 = vector.bitcast %parallel_loop3A_272 : vector<16xf32> to vector<16xi32>
        %parallel_loop3A_274 = arith.constant 255 : i32
        %parallel_loop3A_275 = vector.broadcast %parallel_loop3A_274 : i32 to vector<16xi32>
        %parallel_loop3A_276 = arith.andi %parallel_loop3A_273, %parallel_loop3A_275 : vector<16xi32>
        %parallel_loop3A_277 = tpu.vector_load_idx %arg5[%parallel_loop3A_276] : memref<256xf32, #tpu.memory_space<vmem>>[vector<16xi32>], vector<16xf32>,
        %parallel_loop3A_278 = arith.index_cast %parallel_loop3A_127 : i32 to index
        %parallel_loop3A_279 = arith.constant 128 : index
        %parallel_loop3A_280 = tpu.vector_load %arg9[%parallel_loop3A_278, %parallel_loop3A_279] {strides = array<i32>} : memref<32x512xf32, #tpu.memory_space<vmem>>, vector<16xf32>,
        tpu.vector_store %arg9[%parallel_loop3A_278, %parallel_loop3A_279], %parallel_loop3A_277 {strides = array<i32>} : memref<32x512xf32, #tpu.memory_space<vmem>>, vector<16xf32>,
        %parallel_loop3A_281 = arith.index_cast %parallel_loop3A_127 : i32 to index
        %parallel_loop3A_282 = arith.constant 144 : index
        %parallel_loop3A_283 = tpu.vector_load %arg7[%parallel_loop3A_281, %parallel_loop3A_282] {strides = array<i32>} : memref<32x512xf32, #tpu.memory_space<vmem>>, vector<16xf32>,
        %parallel_loop3A_284 = arith.constant 2.550000e+02 : f32
        %parallel_loop3A_285 = vector.broadcast %parallel_loop3A_284 : f32 to vector<16xf32>
        %parallel_loop3A_286 = arith.mulf %parallel_loop3A_283, %parallel_loop3A_285 : vector<16xf32>
        %parallel_loop3A_287 = arith.constant 0x4B000000 : f32
        %parallel_loop3A_288 = vector.broadcast %parallel_loop3A_287 : f32 to vector<16xf32>
        %parallel_loop3A_289 = arith.addf %parallel_loop3A_286, %parallel_loop3A_288 : vector<16xf32>
        %parallel_loop3A_290 = vector.bitcast %parallel_loop3A_289 : vector<16xf32> to vector<16xi32>
        %parallel_loop3A_291 = arith.constant 255 : i32
        %parallel_loop3A_292 = vector.broadcast %parallel_loop3A_291 : i32 to vector<16xi32>
        %parallel_loop3A_293 = arith.andi %parallel_loop3A_290, %parallel_loop3A_292 : vector<16xi32>
        %parallel_loop3A_294 = tpu.vector_load_idx %arg5[%parallel_loop3A_293] : memref<256xf32, #tpu.memory_space<vmem>>[vector<16xi32>], vector<16xf32>,
        %parallel_loop3A_295 = arith.index_cast %parallel_loop3A_127 : i32 to index
        %parallel_loop3A_296 = arith.constant 144 : index
        %parallel_loop3A_297 = tpu.vector_load %arg9[%parallel_loop3A_295, %parallel_loop3A_296] {strides = array<i32>} : memref<32x512xf32, #tpu.memory_space<vmem>>, vector<16xf32>,
        tpu.vector_store %arg9[%parallel_loop3A_295, %parallel_loop3A_296], %parallel_loop3A_294 {strides = array<i32>} : memref<32x512xf32, #tpu.memory_space<vmem>>, vector<16xf32>,
        %parallel_loop3A_298 = arith.index_cast %parallel_loop3A_127 : i32 to index
        %parallel_loop3A_299 = arith.constant 160 : index
        %parallel_loop3A_300 = tpu.vector_load %arg7[%parallel_loop3A_298, %parallel_loop3A_299] {strides = array<i32>} : memref<32x512xf32, #tpu.memory_space<vmem>>, vector<16xf32>,
        %parallel_loop3A_301 = arith.constant 2.550000e+02 : f32
        %parallel_loop3A_302 = vector.broadcast %parallel_loop3A_301 : f32 to vector<16xf32>
        %parallel_loop3A_303 = arith.mulf %parallel_loop3A_300, %parallel_loop3A_302 : vector<16xf32>
        %parallel_loop3A_304 = arith.constant 0x4B000000 : f32
        %parallel_loop3A_305 = vector.broadcast %parallel_loop3A_304 : f32 to vector<16xf32>
        %parallel_loop3A_306 = arith.addf %parallel_loop3A_303, %parallel_loop3A_305 : vector<16xf32>
        %parallel_loop3A_307 = vector.bitcast %parallel_loop3A_306 : vector<16xf32> to vector<16xi32>
        %parallel_loop3A_308 = arith.constant 255 : i32
        %parallel_loop3A_309 = vector.broadcast %parallel_loop3A_308 : i32 to vector<16xi32>
        %parallel_loop3A_310 = arith.andi %parallel_loop3A_307, %parallel_loop3A_309 : vector<16xi32>
        %parallel_loop3A_311 = tpu.vector_load_idx %arg5[%parallel_loop3A_310] : memref<256xf32, #tpu.memory_space<vmem>>[vector<16xi32>], vector<16xf32>,
        %parallel_loop3A_312 = arith.index_cast %parallel_loop3A_127 : i32 to index
        %parallel_loop3A_313 = arith.constant 160 : index
        %parallel_loop3A_314 = tpu.vector_load %arg9[%parallel_loop3A_312, %parallel_loop3A_313] {strides = array<i32>} : memref<32x512xf32, #tpu.memory_space<vmem>>, vector<16xf32>,
        tpu.vector_store %arg9[%parallel_loop3A_312, %parallel_loop3A_313], %parallel_loop3A_311 {strides = array<i32>} : memref<32x512xf32, #tpu.memory_space<vmem>>, vector<16xf32>,
        %parallel_loop3A_315 = arith.index_cast %parallel_loop3A_127 : i32 to index
        %parallel_loop3A_316 = arith.constant 176 : index
        %parallel_loop3A_317 = tpu.vector_load %arg7[%parallel_loop3A_315, %parallel_loop3A_316] {strides = array<i32>} : memref<32x512xf32, #tpu.memory_space<vmem>>, vector<16xf32>,
        %parallel_loop3A_318 = arith.constant 2.550000e+02 : f32
        %parallel_loop3A_319 = vector.broadcast %parallel_loop3A_318 : f32 to vector<16xf32>
        %parallel_loop3A_320 = arith.mulf %parallel_loop3A_317, %parallel_loop3A_319 : vector<16xf32>
        %parallel_loop3A_321 = arith.constant 0x4B000000 : f32
        %parallel_loop3A_322 = vector.broadcast %parallel_loop3A_321 : f32 to vector<16xf32>
        %parallel_loop3A_323 = arith.addf %parallel_loop3A_320, %parallel_loop3A_322 : vector<16xf32>
        %parallel_loop3A_324 = vector.bitcast %parallel_loop3A_323 : vector<16xf32> to vector<16xi32>
        %parallel_loop3A_325 = arith.constant 255 : i32
        %parallel_loop3A_326 = vector.broadcast %parallel_loop3A_325 : i32 to vector<16xi32>
        %parallel_loop3A_327 = arith.andi %parallel_loop3A_324, %parallel_loop3A_326 : vector<16xi32>
        %parallel_loop3A_328 = tpu.vector_load_idx %arg5[%parallel_loop3A_327] : memref<256xf32, #tpu.memory_space<vmem>>[vector<16xi32>], vector<16xf32>,
        %parallel_loop3A_329 = arith.index_cast %parallel_loop3A_127 : i32 to index
        %parallel_loop3A_330 = arith.constant 176 : index
        %parallel_loop3A_331 = tpu.vector_load %arg9[%parallel_loop3A_329, %parallel_loop3A_330] {strides = array<i32>} : memref<32x512xf32, #tpu.memory_space<vmem>>, vector<16xf32>,
        tpu.vector_store %arg9[%parallel_loop3A_329, %parallel_loop3A_330], %parallel_loop3A_328 {strides = array<i32>} : memref<32x512xf32, #tpu.memory_space<vmem>>, vector<16xf32>,
        %parallel_loop3A_332 = arith.index_cast %parallel_loop3A_127 : i32 to index
        %parallel_loop3A_333 = arith.constant 192 : index
        %parallel_loop3A_334 = tpu.vector_load %arg7[%parallel_loop3A_332, %parallel_loop3A_333] {strides = array<i32>} : memref<32x512xf32, #tpu.memory_space<vmem>>, vector<16xf32>,
        %parallel_loop3A_335 = arith.constant 2.550000e+02 : f32
        %parallel_loop3A_336 = vector.broadcast %parallel_loop3A_335 : f32 to vector<16xf32>
        %parallel_loop3A_337 = arith.mulf %parallel_loop3A_334, %parallel_loop3A_336 : vector<16xf32>
        %parallel_loop3A_338 = arith.constant 0x4B000000 : f32
        %parallel_loop3A_339 = vector.broadcast %parallel_loop3A_338 : f32 to vector<16xf32>
        %parallel_loop3A_340 = arith.addf %parallel_loop3A_337, %parallel_loop3A_339 : vector<16xf32>
        %parallel_loop3A_341 = vector.bitcast %parallel_loop3A_340 : vector<16xf32> to vector<16xi32>
        %parallel_loop3A_342 = arith.constant 255 : i32
        %parallel_loop3A_343 = vector.broadcast %parallel_loop3A_342 : i32 to vector<16xi32>
        %parallel_loop3A_344 = arith.andi %parallel_loop3A_341, %parallel_loop3A_343 : vector<16xi32>
        %parallel_loop3A_345 = tpu.vector_load_idx %arg5[%parallel_loop3A_344] : memref<256xf32, #tpu.memory_space<vmem>>[vector<16xi32>], vector<16xf32>,
        %parallel_loop3A_346 = arith.index_cast %parallel_loop3A_127 : i32 to index
        %parallel_loop3A_347 = arith.constant 192 : index
        %parallel_loop3A_348 = tpu.vector_load %arg9[%parallel_loop3A_346, %parallel_loop3A_347] {strides = array<i32>} : memref<32x512xf32, #tpu.memory_space<vmem>>, vector<16xf32>,
        tpu.vector_store %arg9[%parallel_loop3A_346, %parallel_loop3A_347], %parallel_loop3A_345 {strides = array<i32>} : memref<32x512xf32, #tpu.memory_space<vmem>>, vector<16xf32>,
        %parallel_loop3A_349 = arith.index_cast %parallel_loop3A_127 : i32 to index
        %parallel_loop3A_350 = arith.constant 208 : index
        %parallel_loop3A_351 = tpu.vector_load %arg7[%parallel_loop3A_349, %parallel_loop3A_350] {strides = array<i32>} : memref<32x512xf32, #tpu.memory_space<vmem>>, vector<16xf32>,
        %parallel_loop3A_352 = arith.constant 2.550000e+02 : f32
        %parallel_loop3A_353 = vector.broadcast %parallel_loop3A_352 : f32 to vector<16xf32>
        %parallel_loop3A_354 = arith.mulf %parallel_loop3A_351, %parallel_loop3A_353 : vector<16xf32>
        %parallel_loop3A_355 = arith.constant 0x4B000000 : f32
        %parallel_loop3A_356 = vector.broadcast %parallel_loop3A_355 : f32 to vector<16xf32>
        %parallel_loop3A_357 = arith.addf %parallel_loop3A_354, %parallel_loop3A_356 : vector<16xf32>
        %parallel_loop3A_358 = vector.bitcast %parallel_loop3A_357 : vector<16xf32> to vector<16xi32>
        %parallel_loop3A_359 = arith.constant 255 : i32
        %parallel_loop3A_360 = vector.broadcast %parallel_loop3A_359 : i32 to vector<16xi32>
        %parallel_loop3A_361 = arith.andi %parallel_loop3A_358, %parallel_loop3A_360 : vector<16xi32>
        %parallel_loop3A_362 = tpu.vector_load_idx %arg5[%parallel_loop3A_361] : memref<256xf32, #tpu.memory_space<vmem>>[vector<16xi32>], vector<16xf32>,
        %parallel_loop3A_363 = arith.index_cast %parallel_loop3A_127 : i32 to index
        %parallel_loop3A_364 = arith.constant 208 : index
        %parallel_loop3A_365 = tpu.vector_load %arg9[%parallel_loop3A_363, %parallel_loop3A_364] {strides = array<i32>} : memref<32x512xf32, #tpu.memory_space<vmem>>, vector<16xf32>,
        tpu.vector_store %arg9[%parallel_loop3A_363, %parallel_loop3A_364], %parallel_loop3A_362 {strides = array<i32>} : memref<32x512xf32, #tpu.memory_space<vmem>>, vector<16xf32>,
        %parallel_loop3A_366 = arith.index_cast %parallel_loop3A_127 : i32 to index
        %parallel_loop3A_367 = arith.constant 224 : index
        %parallel_loop3A_368 = tpu.vector_load %arg7[%parallel_loop3A_366, %parallel_loop3A_367] {strides = array<i32>} : memref<32x512xf32, #tpu.memory_space<vmem>>, vector<16xf32>,
        %parallel_loop3A_369 = arith.constant 2.550000e+02 : f32
        %parallel_loop3A_370 = vector.broadcast %parallel_loop3A_369 : f32 to vector<16xf32>
        %parallel_loop3A_371 = arith.mulf %parallel_loop3A_368, %parallel_loop3A_370 : vector<16xf32>
        %parallel_loop3A_372 = arith.constant 0x4B000000 : f32
        %parallel_loop3A_373 = vector.broadcast %parallel_loop3A_372 : f32 to vector<16xf32>
        %parallel_loop3A_374 = arith.addf %parallel_loop3A_371, %parallel_loop3A_373 : vector<16xf32>
        %parallel_loop3A_375 = vector.bitcast %parallel_loop3A_374 : vector<16xf32> to vector<16xi32>
        %parallel_loop3A_376 = arith.constant 255 : i32
        %parallel_loop3A_377 = vector.broadcast %parallel_loop3A_376 : i32 to vector<16xi32>
        %parallel_loop3A_378 = arith.andi %parallel_loop3A_375, %parallel_loop3A_377 : vector<16xi32>
        %parallel_loop3A_379 = tpu.vector_load_idx %arg5[%parallel_loop3A_378] : memref<256xf32, #tpu.memory_space<vmem>>[vector<16xi32>], vector<16xf32>,
        %parallel_loop3A_380 = arith.index_cast %parallel_loop3A_127 : i32 to index
        %parallel_loop3A_381 = arith.constant 224 : index
        %parallel_loop3A_382 = tpu.vector_load %arg9[%parallel_loop3A_380, %parallel_loop3A_381] {strides = array<i32>} : memref<32x512xf32, #tpu.memory_space<vmem>>, vector<16xf32>,
        tpu.vector_store %arg9[%parallel_loop3A_380, %parallel_loop3A_381], %parallel_loop3A_379 {strides = array<i32>} : memref<32x512xf32, #tpu.memory_space<vmem>>, vector<16xf32>,
        %parallel_loop3A_383 = arith.index_cast %parallel_loop3A_127 : i32 to index
        %parallel_loop3A_384 = arith.constant 240 : index
        %parallel_loop3A_385 = tpu.vector_load %arg7[%parallel_loop3A_383, %parallel_loop3A_384] {strides = array<i32>} : memref<32x512xf32, #tpu.memory_space<vmem>>, vector<16xf32>,
        %parallel_loop3A_386 = arith.constant 2.550000e+02 : f32
        %parallel_loop3A_387 = vector.broadcast %parallel_loop3A_386 : f32 to vector<16xf32>
        %parallel_loop3A_388 = arith.mulf %parallel_loop3A_385, %parallel_loop3A_387 : vector<16xf32>
        %parallel_loop3A_389 = arith.constant 0x4B000000 : f32
        %parallel_loop3A_390 = vector.broadcast %parallel_loop3A_389 : f32 to vector<16xf32>
        %parallel_loop3A_391 = arith.addf %parallel_loop3A_388, %parallel_loop3A_390 : vector<16xf32>
        %parallel_loop3A_392 = vector.bitcast %parallel_loop3A_391 : vector<16xf32> to vector<16xi32>
        %parallel_loop3A_393 = arith.constant 255 : i32
        %parallel_loop3A_394 = vector.broadcast %parallel_loop3A_393 : i32 to vector<16xi32>
        %parallel_loop3A_395 = arith.andi %parallel_loop3A_392, %parallel_loop3A_394 : vector<16xi32>
        %parallel_loop3A_396 = tpu.vector_load_idx %arg5[%parallel_loop3A_395] : memref<256xf32, #tpu.memory_space<vmem>>[vector<16xi32>], vector<16xf32>,
        %parallel_loop3A_397 = arith.index_cast %parallel_loop3A_127 : i32 to index
        %parallel_loop3A_398 = arith.constant 240 : index
        %parallel_loop3A_399 = tpu.vector_load %arg9[%parallel_loop3A_397, %parallel_loop3A_398] {strides = array<i32>} : memref<32x512xf32, #tpu.memory_space<vmem>>, vector<16xf32>,
        tpu.vector_store %arg9[%parallel_loop3A_397, %parallel_loop3A_398], %parallel_loop3A_396 {strides = array<i32>} : memref<32x512xf32, #tpu.memory_space<vmem>>, vector<16xf32>,
        %parallel_loop3A_400 = arith.index_cast %parallel_loop3A_127 : i32 to index
        %parallel_loop3A_401 = arith.constant 256 : index
        %parallel_loop3A_402 = tpu.vector_load %arg7[%parallel_loop3A_400, %parallel_loop3A_401] {strides = array<i32>} : memref<32x512xf32, #tpu.memory_space<vmem>>, vector<16xf32>,
        %parallel_loop3A_403 = arith.constant 2.550000e+02 : f32
        %parallel_loop3A_404 = vector.broadcast %parallel_loop3A_403 : f32 to vector<16xf32>
        %parallel_loop3A_405 = arith.mulf %parallel_loop3A_402, %parallel_loop3A_404 : vector<16xf32>
        %parallel_loop3A_406 = arith.constant 0x4B000000 : f32
        %parallel_loop3A_407 = vector.broadcast %parallel_loop3A_406 : f32 to vector<16xf32>
        %parallel_loop3A_408 = arith.addf %parallel_loop3A_405, %parallel_loop3A_407 : vector<16xf32>
        %parallel_loop3A_409 = vector.bitcast %parallel_loop3A_408 : vector<16xf32> to vector<16xi32>
        %parallel_loop3A_410 = arith.constant 255 : i32
        %parallel_loop3A_411 = vector.broadcast %parallel_loop3A_410 : i32 to vector<16xi32>
        %parallel_loop3A_412 = arith.andi %parallel_loop3A_409, %parallel_loop3A_411 : vector<16xi32>
        %parallel_loop3A_413 = tpu.vector_load_idx %arg5[%parallel_loop3A_412] : memref<256xf32, #tpu.memory_space<vmem>>[vector<16xi32>], vector<16xf32>,
        %parallel_loop3A_414 = arith.index_cast %parallel_loop3A_127 : i32 to index
        %parallel_loop3A_415 = arith.constant 256 : index
        %parallel_loop3A_416 = tpu.vector_load %arg9[%parallel_loop3A_414, %parallel_loop3A_415] {strides = array<i32>} : memref<32x512xf32, #tpu.memory_space<vmem>>, vector<16xf32>,
        tpu.vector_store %arg9[%parallel_loop3A_414, %parallel_loop3A_415], %parallel_loop3A_413 {strides = array<i32>} : memref<32x512xf32, #tpu.memory_space<vmem>>, vector<16xf32>,
        %parallel_loop3A_417 = arith.index_cast %parallel_loop3A_127 : i32 to index
        %parallel_loop3A_418 = arith.constant 272 : index
        %parallel_loop3A_419 = tpu.vector_load %arg7[%parallel_loop3A_417, %parallel_loop3A_418] {strides = array<i32>} : memref<32x512xf32, #tpu.memory_space<vmem>>, vector<16xf32>,
        %parallel_loop3A_420 = arith.constant 2.550000e+02 : f32
        %parallel_loop3A_421 = vector.broadcast %parallel_loop3A_420 : f32 to vector<16xf32>
        %parallel_loop3A_422 = arith.mulf %parallel_loop3A_419, %parallel_loop3A_421 : vector<16xf32>
        %parallel_loop3A_423 = arith.constant 0x4B000000 : f32
        %parallel_loop3A_424 = vector.broadcast %parallel_loop3A_423 : f32 to vector<16xf32>
        %parallel_loop3A_425 = arith.addf %parallel_loop3A_422, %parallel_loop3A_424 : vector<16xf32>
        %parallel_loop3A_426 = vector.bitcast %parallel_loop3A_425 : vector<16xf32> to vector<16xi32>
        %parallel_loop3A_427 = arith.constant 255 : i32
        %parallel_loop3A_428 = vector.broadcast %parallel_loop3A_427 : i32 to vector<16xi32>
        %parallel_loop3A_429 = arith.andi %parallel_loop3A_426, %parallel_loop3A_428 : vector<16xi32>
        %parallel_loop3A_430 = tpu.vector_load_idx %arg5[%parallel_loop3A_429] : memref<256xf32, #tpu.memory_space<vmem>>[vector<16xi32>], vector<16xf32>,
        %parallel_loop3A_431 = arith.index_cast %parallel_loop3A_127 : i32 to index
        %parallel_loop3A_432 = arith.constant 272 : index
        %parallel_loop3A_433 = tpu.vector_load %arg9[%parallel_loop3A_431, %parallel_loop3A_432] {strides = array<i32>} : memref<32x512xf32, #tpu.memory_space<vmem>>, vector<16xf32>,
        tpu.vector_store %arg9[%parallel_loop3A_431, %parallel_loop3A_432], %parallel_loop3A_430 {strides = array<i32>} : memref<32x512xf32, #tpu.memory_space<vmem>>, vector<16xf32>,
        %parallel_loop3A_434 = arith.index_cast %parallel_loop3A_127 : i32 to index
        %parallel_loop3A_435 = arith.constant 288 : index
        %parallel_loop3A_436 = tpu.vector_load %arg7[%parallel_loop3A_434, %parallel_loop3A_435] {strides = array<i32>} : memref<32x512xf32, #tpu.memory_space<vmem>>, vector<16xf32>,
        %parallel_loop3A_437 = arith.constant 2.550000e+02 : f32
        %parallel_loop3A_438 = vector.broadcast %parallel_loop3A_437 : f32 to vector<16xf32>
        %parallel_loop3A_439 = arith.mulf %parallel_loop3A_436, %parallel_loop3A_438 : vector<16xf32>
        %parallel_loop3A_440 = arith.constant 0x4B000000 : f32
        %parallel_loop3A_441 = vector.broadcast %parallel_loop3A_440 : f32 to vector<16xf32>
        %parallel_loop3A_442 = arith.addf %parallel_loop3A_439, %parallel_loop3A_441 : vector<16xf32>
        %parallel_loop3A_443 = vector.bitcast %parallel_loop3A_442 : vector<16xf32> to vector<16xi32>
        %parallel_loop3A_444 = arith.constant 255 : i32
        %parallel_loop3A_445 = vector.broadcast %parallel_loop3A_444 : i32 to vector<16xi32>
        %parallel_loop3A_446 = arith.andi %parallel_loop3A_443, %parallel_loop3A_445 : vector<16xi32>
        %parallel_loop3A_447 = tpu.vector_load_idx %arg5[%parallel_loop3A_446] : memref<256xf32, #tpu.memory_space<vmem>>[vector<16xi32>], vector<16xf32>,
        %parallel_loop3A_448 = arith.index_cast %parallel_loop3A_127 : i32 to index
        %parallel_loop3A_449 = arith.constant 288 : index
        %parallel_loop3A_450 = tpu.vector_load %arg9[%parallel_loop3A_448, %parallel_loop3A_449] {strides = array<i32>} : memref<32x512xf32, #tpu.memory_space<vmem>>, vector<16xf32>,
        tpu.vector_store %arg9[%parallel_loop3A_448, %parallel_loop3A_449], %parallel_loop3A_447 {strides = array<i32>} : memref<32x512xf32, #tpu.memory_space<vmem>>, vector<16xf32>,
        %parallel_loop3A_451 = arith.index_cast %parallel_loop3A_127 : i32 to index
        %parallel_loop3A_452 = arith.constant 304 : index
        %parallel_loop3A_453 = tpu.vector_load %arg7[%parallel_loop3A_451, %parallel_loop3A_452] {strides = array<i32>} : memref<32x512xf32, #tpu.memory_space<vmem>>, vector<16xf32>,
        %parallel_loop3A_454 = arith.constant 2.550000e+02 : f32
        %parallel_loop3A_455 = vector.broadcast %parallel_loop3A_454 : f32 to vector<16xf32>
        %parallel_loop3A_456 = arith.mulf %parallel_loop3A_453, %parallel_loop3A_455 : vector<16xf32>
        %parallel_loop3A_457 = arith.constant 0x4B000000 : f32
        %parallel_loop3A_458 = vector.broadcast %parallel_loop3A_457 : f32 to vector<16xf32>
        %parallel_loop3A_459 = arith.addf %parallel_loop3A_456, %parallel_loop3A_458 : vector<16xf32>
        %parallel_loop3A_460 = vector.bitcast %parallel_loop3A_459 : vector<16xf32> to vector<16xi32>
        %parallel_loop3A_461 = arith.constant 255 : i32
        %parallel_loop3A_462 = vector.broadcast %parallel_loop3A_461 : i32 to vector<16xi32>
        %parallel_loop3A_463 = arith.andi %parallel_loop3A_460, %parallel_loop3A_462 : vector<16xi32>
        %parallel_loop3A_464 = tpu.vector_load_idx %arg5[%parallel_loop3A_463] : memref<256xf32, #tpu.memory_space<vmem>>[vector<16xi32>], vector<16xf32>,
        %parallel_loop3A_465 = arith.index_cast %parallel_loop3A_127 : i32 to index
        %parallel_loop3A_466 = arith.constant 304 : index
        %parallel_loop3A_467 = tpu.vector_load %arg9[%parallel_loop3A_465, %parallel_loop3A_466] {strides = array<i32>} : memref<32x512xf32, #tpu.memory_space<vmem>>, vector<16xf32>,
        tpu.vector_store %arg9[%parallel_loop3A_465, %parallel_loop3A_466], %parallel_loop3A_464 {strides = array<i32>} : memref<32x512xf32, #tpu.memory_space<vmem>>, vector<16xf32>,
        %parallel_loop3A_468 = arith.index_cast %parallel_loop3A_127 : i32 to index
        %parallel_loop3A_469 = arith.constant 320 : index
        %parallel_loop3A_470 = tpu.vector_load %arg7[%parallel_loop3A_468, %parallel_loop3A_469] {strides = array<i32>} : memref<32x512xf32, #tpu.memory_space<vmem>>, vector<16xf32>,
        %parallel_loop3A_471 = arith.constant 2.550000e+02 : f32
        %parallel_loop3A_472 = vector.broadcast %parallel_loop3A_471 : f32 to vector<16xf32>
        %parallel_loop3A_473 = arith.mulf %parallel_loop3A_470, %parallel_loop3A_472 : vector<16xf32>
        %parallel_loop3A_474 = arith.constant 0x4B000000 : f32
        %parallel_loop3A_475 = vector.broadcast %parallel_loop3A_474 : f32 to vector<16xf32>
        %parallel_loop3A_476 = arith.addf %parallel_loop3A_473, %parallel_loop3A_475 : vector<16xf32>
        %parallel_loop3A_477 = vector.bitcast %parallel_loop3A_476 : vector<16xf32> to vector<16xi32>
        %parallel_loop3A_478 = arith.constant 255 : i32
        %parallel_loop3A_479 = vector.broadcast %parallel_loop3A_478 : i32 to vector<16xi32>
        %parallel_loop3A_480 = arith.andi %parallel_loop3A_477, %parallel_loop3A_479 : vector<16xi32>
        %parallel_loop3A_481 = tpu.vector_load_idx %arg5[%parallel_loop3A_480] : memref<256xf32, #tpu.memory_space<vmem>>[vector<16xi32>], vector<16xf32>,
        %parallel_loop3A_482 = arith.index_cast %parallel_loop3A_127 : i32 to index
        %parallel_loop3A_483 = arith.constant 320 : index
        %parallel_loop3A_484 = tpu.vector_load %arg9[%parallel_loop3A_482, %parallel_loop3A_483] {strides = array<i32>} : memref<32x512xf32, #tpu.memory_space<vmem>>, vector<16xf32>,
        tpu.vector_store %arg9[%parallel_loop3A_482, %parallel_loop3A_483], %parallel_loop3A_481 {strides = array<i32>} : memref<32x512xf32, #tpu.memory_space<vmem>>, vector<16xf32>,
        %parallel_loop3A_485 = arith.index_cast %parallel_loop3A_127 : i32 to index
        %parallel_loop3A_486 = arith.constant 336 : index
        %parallel_loop3A_487 = tpu.vector_load %arg7[%parallel_loop3A_485, %parallel_loop3A_486] {strides = array<i32>} : memref<32x512xf32, #tpu.memory_space<vmem>>, vector<16xf32>,
        %parallel_loop3A_488 = arith.constant 2.550000e+02 : f32
        %parallel_loop3A_489 = vector.broadcast %parallel_loop3A_488 : f32 to vector<16xf32>
        %parallel_loop3A_490 = arith.mulf %parallel_loop3A_487, %parallel_loop3A_489 : vector<16xf32>
        %parallel_loop3A_491 = arith.constant 0x4B000000 : f32
        %parallel_loop3A_492 = vector.broadcast %parallel_loop3A_491 : f32 to vector<16xf32>
        %parallel_loop3A_493 = arith.addf %parallel_loop3A_490, %parallel_loop3A_492 : vector<16xf32>
        %parallel_loop3A_494 = vector.bitcast %parallel_loop3A_493 : vector<16xf32> to vector<16xi32>
        %parallel_loop3A_495 = arith.constant 255 : i32
        %parallel_loop3A_496 = vector.broadcast %parallel_loop3A_495 : i32 to vector<16xi32>
        %parallel_loop3A_497 = arith.andi %parallel_loop3A_494, %parallel_loop3A_496 : vector<16xi32>
        %parallel_loop3A_498 = tpu.vector_load_idx %arg5[%parallel_loop3A_497] : memref<256xf32, #tpu.memory_space<vmem>>[vector<16xi32>], vector<16xf32>,
        %parallel_loop3A_499 = arith.index_cast %parallel_loop3A_127 : i32 to index
        %parallel_loop3A_500 = arith.constant 336 : index
        %parallel_loop3A_501 = tpu.vector_load %arg9[%parallel_loop3A_499, %parallel_loop3A_500] {strides = array<i32>} : memref<32x512xf32, #tpu.memory_space<vmem>>, vector<16xf32>,
        tpu.vector_store %arg9[%parallel_loop3A_499, %parallel_loop3A_500], %parallel_loop3A_498 {strides = array<i32>} : memref<32x512xf32, #tpu.memory_space<vmem>>, vector<16xf32>,
        %parallel_loop3A_502 = arith.index_cast %parallel_loop3A_127 : i32 to index
        %parallel_loop3A_503 = arith.constant 352 : index
        %parallel_loop3A_504 = tpu.vector_load %arg7[%parallel_loop3A_502, %parallel_loop3A_503] {strides = array<i32>} : memref<32x512xf32, #tpu.memory_space<vmem>>, vector<16xf32>,
        %parallel_loop3A_505 = arith.constant 2.550000e+02 : f32
        %parallel_loop3A_506 = vector.broadcast %parallel_loop3A_505 : f32 to vector<16xf32>
        %parallel_loop3A_507 = arith.mulf %parallel_loop3A_504, %parallel_loop3A_506 : vector<16xf32>
        %parallel_loop3A_508 = arith.constant 0x4B000000 : f32
        %parallel_loop3A_509 = vector.broadcast %parallel_loop3A_508 : f32 to vector<16xf32>
        %parallel_loop3A_510 = arith.addf %parallel_loop3A_507, %parallel_loop3A_509 : vector<16xf32>
        %parallel_loop3A_511 = vector.bitcast %parallel_loop3A_510 : vector<16xf32> to vector<16xi32>
        %parallel_loop3A_512 = arith.constant 255 : i32
        %parallel_loop3A_513 = vector.broadcast %parallel_loop3A_512 : i32 to vector<16xi32>
        %parallel_loop3A_514 = arith.andi %parallel_loop3A_511, %parallel_loop3A_513 : vector<16xi32>
        %parallel_loop3A_515 = tpu.vector_load_idx %arg5[%parallel_loop3A_514] : memref<256xf32, #tpu.memory_space<vmem>>[vector<16xi32>], vector<16xf32>,
        %parallel_loop3A_516 = arith.index_cast %parallel_loop3A_127 : i32 to index
        %parallel_loop3A_517 = arith.constant 352 : index
        %parallel_loop3A_518 = tpu.vector_load %arg9[%parallel_loop3A_516, %parallel_loop3A_517] {strides = array<i32>} : memref<32x512xf32, #tpu.memory_space<vmem>>, vector<16xf32>,
        tpu.vector_store %arg9[%parallel_loop3A_516, %parallel_loop3A_517], %parallel_loop3A_515 {strides = array<i32>} : memref<32x512xf32, #tpu.memory_space<vmem>>, vector<16xf32>,
        %parallel_loop3A_519 = arith.index_cast %parallel_loop3A_127 : i32 to index
        %parallel_loop3A_520 = arith.constant 368 : index
        %parallel_loop3A_521 = tpu.vector_load %arg7[%parallel_loop3A_519, %parallel_loop3A_520] {strides = array<i32>} : memref<32x512xf32, #tpu.memory_space<vmem>>, vector<16xf32>,
        %parallel_loop3A_522 = arith.constant 2.550000e+02 : f32
        %parallel_loop3A_523 = vector.broadcast %parallel_loop3A_522 : f32 to vector<16xf32>
        %parallel_loop3A_524 = arith.mulf %parallel_loop3A_521, %parallel_loop3A_523 : vector<16xf32>
        %parallel_loop3A_525 = arith.constant 0x4B000000 : f32
        %parallel_loop3A_526 = vector.broadcast %parallel_loop3A_525 : f32 to vector<16xf32>
        %parallel_loop3A_527 = arith.addf %parallel_loop3A_524, %parallel_loop3A_526 : vector<16xf32>
        %parallel_loop3A_528 = vector.bitcast %parallel_loop3A_527 : vector<16xf32> to vector<16xi32>
        %parallel_loop3A_529 = arith.constant 255 : i32
        %parallel_loop3A_530 = vector.broadcast %parallel_loop3A_529 : i32 to vector<16xi32>
        %parallel_loop3A_531 = arith.andi %parallel_loop3A_528, %parallel_loop3A_530 : vector<16xi32>
        %parallel_loop3A_532 = tpu.vector_load_idx %arg5[%parallel_loop3A_531] : memref<256xf32, #tpu.memory_space<vmem>>[vector<16xi32>], vector<16xf32>,
        %parallel_loop3A_533 = arith.index_cast %parallel_loop3A_127 : i32 to index
        %parallel_loop3A_534 = arith.constant 368 : index
        %parallel_loop3A_535 = tpu.vector_load %arg9[%parallel_loop3A_533, %parallel_loop3A_534] {strides = array<i32>} : memref<32x512xf32, #tpu.memory_space<vmem>>, vector<16xf32>,
        tpu.vector_store %arg9[%parallel_loop3A_533, %parallel_loop3A_534], %parallel_loop3A_532 {strides = array<i32>} : memref<32x512xf32, #tpu.memory_space<vmem>>, vector<16xf32>,
        %parallel_loop3A_536 = arith.index_cast %parallel_loop3A_127 : i32 to index
        %parallel_loop3A_537 = arith.constant 384 : index
        %parallel_loop3A_538 = tpu.vector_load %arg7[%parallel_loop3A_536, %parallel_loop3A_537] {strides = array<i32>} : memref<32x512xf32, #tpu.memory_space<vmem>>, vector<16xf32>,
        %parallel_loop3A_539 = arith.constant 2.550000e+02 : f32
        %parallel_loop3A_540 = vector.broadcast %parallel_loop3A_539 : f32 to vector<16xf32>
        %parallel_loop3A_541 = arith.mulf %parallel_loop3A_538, %parallel_loop3A_540 : vector<16xf32>
        %parallel_loop3A_542 = arith.constant 0x4B000000 : f32
        %parallel_loop3A_543 = vector.broadcast %parallel_loop3A_542 : f32 to vector<16xf32>
        %parallel_loop3A_544 = arith.addf %parallel_loop3A_541, %parallel_loop3A_543 : vector<16xf32>
        %parallel_loop3A_545 = vector.bitcast %parallel_loop3A_544 : vector<16xf32> to vector<16xi32>
        %parallel_loop3A_546 = arith.constant 255 : i32
        %parallel_loop3A_547 = vector.broadcast %parallel_loop3A_546 : i32 to vector<16xi32>
        %parallel_loop3A_548 = arith.andi %parallel_loop3A_545, %parallel_loop3A_547 : vector<16xi32>
        %parallel_loop3A_549 = tpu.vector_load_idx %arg5[%parallel_loop3A_548] : memref<256xf32, #tpu.memory_space<vmem>>[vector<16xi32>], vector<16xf32>,
        %parallel_loop3A_550 = arith.index_cast %parallel_loop3A_127 : i32 to index
        %parallel_loop3A_551 = arith.constant 384 : index
        %parallel_loop3A_552 = tpu.vector_load %arg9[%parallel_loop3A_550, %parallel_loop3A_551] {strides = array<i32>} : memref<32x512xf32, #tpu.memory_space<vmem>>, vector<16xf32>,
        tpu.vector_store %arg9[%parallel_loop3A_550, %parallel_loop3A_551], %parallel_loop3A_549 {strides = array<i32>} : memref<32x512xf32, #tpu.memory_space<vmem>>, vector<16xf32>,
        %parallel_loop3A_553 = arith.index_cast %parallel_loop3A_127 : i32 to index
        %parallel_loop3A_554 = arith.constant 400 : index
        %parallel_loop3A_555 = tpu.vector_load %arg7[%parallel_loop3A_553, %parallel_loop3A_554] {strides = array<i32>} : memref<32x512xf32, #tpu.memory_space<vmem>>, vector<16xf32>,
        %parallel_loop3A_556 = arith.constant 2.550000e+02 : f32
        %parallel_loop3A_557 = vector.broadcast %parallel_loop3A_556 : f32 to vector<16xf32>
        %parallel_loop3A_558 = arith.mulf %parallel_loop3A_555, %parallel_loop3A_557 : vector<16xf32>
        %parallel_loop3A_559 = arith.constant 0x4B000000 : f32
        %parallel_loop3A_560 = vector.broadcast %parallel_loop3A_559 : f32 to vector<16xf32>
        %parallel_loop3A_561 = arith.addf %parallel_loop3A_558, %parallel_loop3A_560 : vector<16xf32>
        %parallel_loop3A_562 = vector.bitcast %parallel_loop3A_561 : vector<16xf32> to vector<16xi32>
        %parallel_loop3A_563 = arith.constant 255 : i32
        %parallel_loop3A_564 = vector.broadcast %parallel_loop3A_563 : i32 to vector<16xi32>
        %parallel_loop3A_565 = arith.andi %parallel_loop3A_562, %parallel_loop3A_564 : vector<16xi32>
        %parallel_loop3A_566 = tpu.vector_load_idx %arg5[%parallel_loop3A_565] : memref<256xf32, #tpu.memory_space<vmem>>[vector<16xi32>], vector<16xf32>,
        %parallel_loop3A_567 = arith.index_cast %parallel_loop3A_127 : i32 to index
        %parallel_loop3A_568 = arith.constant 400 : index
        %parallel_loop3A_569 = tpu.vector_load %arg9[%parallel_loop3A_567, %parallel_loop3A_568] {strides = array<i32>} : memref<32x512xf32, #tpu.memory_space<vmem>>, vector<16xf32>,
        tpu.vector_store %arg9[%parallel_loop3A_567, %parallel_loop3A_568], %parallel_loop3A_566 {strides = array<i32>} : memref<32x512xf32, #tpu.memory_space<vmem>>, vector<16xf32>,
        %parallel_loop3A_570 = arith.index_cast %parallel_loop3A_127 : i32 to index
        %parallel_loop3A_571 = arith.constant 416 : index
        %parallel_loop3A_572 = tpu.vector_load %arg7[%parallel_loop3A_570, %parallel_loop3A_571] {strides = array<i32>} : memref<32x512xf32, #tpu.memory_space<vmem>>, vector<16xf32>,
        %parallel_loop3A_573 = arith.constant 2.550000e+02 : f32
        %parallel_loop3A_574 = vector.broadcast %parallel_loop3A_573 : f32 to vector<16xf32>
        %parallel_loop3A_575 = arith.mulf %parallel_loop3A_572, %parallel_loop3A_574 : vector<16xf32>
        %parallel_loop3A_576 = arith.constant 0x4B000000 : f32
        %parallel_loop3A_577 = vector.broadcast %parallel_loop3A_576 : f32 to vector<16xf32>
        %parallel_loop3A_578 = arith.addf %parallel_loop3A_575, %parallel_loop3A_577 : vector<16xf32>
        %parallel_loop3A_579 = vector.bitcast %parallel_loop3A_578 : vector<16xf32> to vector<16xi32>
        %parallel_loop3A_580 = arith.constant 255 : i32
        %parallel_loop3A_581 = vector.broadcast %parallel_loop3A_580 : i32 to vector<16xi32>
        %parallel_loop3A_582 = arith.andi %parallel_loop3A_579, %parallel_loop3A_581 : vector<16xi32>
        %parallel_loop3A_583 = tpu.vector_load_idx %arg5[%parallel_loop3A_582] : memref<256xf32, #tpu.memory_space<vmem>>[vector<16xi32>], vector<16xf32>,
        %parallel_loop3A_584 = arith.index_cast %parallel_loop3A_127 : i32 to index
        %parallel_loop3A_585 = arith.constant 416 : index
        %parallel_loop3A_586 = tpu.vector_load %arg9[%parallel_loop3A_584, %parallel_loop3A_585] {strides = array<i32>} : memref<32x512xf32, #tpu.memory_space<vmem>>, vector<16xf32>,
        tpu.vector_store %arg9[%parallel_loop3A_584, %parallel_loop3A_585], %parallel_loop3A_583 {strides = array<i32>} : memref<32x512xf32, #tpu.memory_space<vmem>>, vector<16xf32>,
        %parallel_loop3A_587 = arith.index_cast %parallel_loop3A_127 : i32 to index
        %parallel_loop3A_588 = arith.constant 432 : index
        %parallel_loop3A_589 = tpu.vector_load %arg7[%parallel_loop3A_587, %parallel_loop3A_588] {strides = array<i32>} : memref<32x512xf32, #tpu.memory_space<vmem>>, vector<16xf32>,
        %parallel_loop3A_590 = arith.constant 2.550000e+02 : f32
        %parallel_loop3A_591 = vector.broadcast %parallel_loop3A_590 : f32 to vector<16xf32>
        %parallel_loop3A_592 = arith.mulf %parallel_loop3A_589, %parallel_loop3A_591 : vector<16xf32>
        %parallel_loop3A_593 = arith.constant 0x4B000000 : f32
        %parallel_loop3A_594 = vector.broadcast %parallel_loop3A_593 : f32 to vector<16xf32>
        %parallel_loop3A_595 = arith.addf %parallel_loop3A_592, %parallel_loop3A_594 : vector<16xf32>
        %parallel_loop3A_596 = vector.bitcast %parallel_loop3A_595 : vector<16xf32> to vector<16xi32>
        %parallel_loop3A_597 = arith.constant 255 : i32
        %parallel_loop3A_598 = vector.broadcast %parallel_loop3A_597 : i32 to vector<16xi32>
        %parallel_loop3A_599 = arith.andi %parallel_loop3A_596, %parallel_loop3A_598 : vector<16xi32>
        %parallel_loop3A_600 = tpu.vector_load_idx %arg5[%parallel_loop3A_599] : memref<256xf32, #tpu.memory_space<vmem>>[vector<16xi32>], vector<16xf32>,
        %parallel_loop3A_601 = arith.index_cast %parallel_loop3A_127 : i32 to index
        %parallel_loop3A_602 = arith.constant 432 : index
        %parallel_loop3A_603 = tpu.vector_load %arg9[%parallel_loop3A_601, %parallel_loop3A_602] {strides = array<i32>} : memref<32x512xf32, #tpu.memory_space<vmem>>, vector<16xf32>,
        tpu.vector_store %arg9[%parallel_loop3A_601, %parallel_loop3A_602], %parallel_loop3A_600 {strides = array<i32>} : memref<32x512xf32, #tpu.memory_space<vmem>>, vector<16xf32>,
        %parallel_loop3A_604 = arith.index_cast %parallel_loop3A_127 : i32 to index
        %parallel_loop3A_605 = arith.constant 448 : index
        %parallel_loop3A_606 = tpu.vector_load %arg7[%parallel_loop3A_604, %parallel_loop3A_605] {strides = array<i32>} : memref<32x512xf32, #tpu.memory_space<vmem>>, vector<16xf32>,
        %parallel_loop3A_607 = arith.constant 2.550000e+02 : f32
        %parallel_loop3A_608 = vector.broadcast %parallel_loop3A_607 : f32 to vector<16xf32>
        %parallel_loop3A_609 = arith.mulf %parallel_loop3A_606, %parallel_loop3A_608 : vector<16xf32>
        %parallel_loop3A_610 = arith.constant 0x4B000000 : f32
        %parallel_loop3A_611 = vector.broadcast %parallel_loop3A_610 : f32 to vector<16xf32>
        %parallel_loop3A_612 = arith.addf %parallel_loop3A_609, %parallel_loop3A_611 : vector<16xf32>
        %parallel_loop3A_613 = vector.bitcast %parallel_loop3A_612 : vector<16xf32> to vector<16xi32>
        %parallel_loop3A_614 = arith.constant 255 : i32
        %parallel_loop3A_615 = vector.broadcast %parallel_loop3A_614 : i32 to vector<16xi32>
        %parallel_loop3A_616 = arith.andi %parallel_loop3A_613, %parallel_loop3A_615 : vector<16xi32>
        %parallel_loop3A_617 = tpu.vector_load_idx %arg5[%parallel_loop3A_616] : memref<256xf32, #tpu.memory_space<vmem>>[vector<16xi32>], vector<16xf32>,
        %parallel_loop3A_618 = arith.index_cast %parallel_loop3A_127 : i32 to index
        %parallel_loop3A_619 = arith.constant 448 : index
        %parallel_loop3A_620 = tpu.vector_load %arg9[%parallel_loop3A_618, %parallel_loop3A_619] {strides = array<i32>} : memref<32x512xf32, #tpu.memory_space<vmem>>, vector<16xf32>,
        tpu.vector_store %arg9[%parallel_loop3A_618, %parallel_loop3A_619], %parallel_loop3A_617 {strides = array<i32>} : memref<32x512xf32, #tpu.memory_space<vmem>>, vector<16xf32>,
        %parallel_loop3A_621 = arith.index_cast %parallel_loop3A_127 : i32 to index
        %parallel_loop3A_622 = arith.constant 464 : index
        %parallel_loop3A_623 = tpu.vector_load %arg7[%parallel_loop3A_621, %parallel_loop3A_622] {strides = array<i32>} : memref<32x512xf32, #tpu.memory_space<vmem>>, vector<16xf32>,
        %parallel_loop3A_624 = arith.constant 2.550000e+02 : f32
        %parallel_loop3A_625 = vector.broadcast %parallel_loop3A_624 : f32 to vector<16xf32>
        %parallel_loop3A_626 = arith.mulf %parallel_loop3A_623, %parallel_loop3A_625 : vector<16xf32>
        %parallel_loop3A_627 = arith.constant 0x4B000000 : f32
        %parallel_loop3A_628 = vector.broadcast %parallel_loop3A_627 : f32 to vector<16xf32>
        %parallel_loop3A_629 = arith.addf %parallel_loop3A_626, %parallel_loop3A_628 : vector<16xf32>
        %parallel_loop3A_630 = vector.bitcast %parallel_loop3A_629 : vector<16xf32> to vector<16xi32>
        %parallel_loop3A_631 = arith.constant 255 : i32
        %parallel_loop3A_632 = vector.broadcast %parallel_loop3A_631 : i32 to vector<16xi32>
        %parallel_loop3A_633 = arith.andi %parallel_loop3A_630, %parallel_loop3A_632 : vector<16xi32>
        %parallel_loop3A_634 = tpu.vector_load_idx %arg5[%parallel_loop3A_633] : memref<256xf32, #tpu.memory_space<vmem>>[vector<16xi32>], vector<16xf32>,
        %parallel_loop3A_635 = arith.index_cast %parallel_loop3A_127 : i32 to index
        %parallel_loop3A_636 = arith.constant 464 : index
        %parallel_loop3A_637 = tpu.vector_load %arg9[%parallel_loop3A_635, %parallel_loop3A_636] {strides = array<i32>} : memref<32x512xf32, #tpu.memory_space<vmem>>, vector<16xf32>,
        tpu.vector_store %arg9[%parallel_loop3A_635, %parallel_loop3A_636], %parallel_loop3A_634 {strides = array<i32>} : memref<32x512xf32, #tpu.memory_space<vmem>>, vector<16xf32>,
        %parallel_loop3A_638 = arith.index_cast %parallel_loop3A_127 : i32 to index
        %parallel_loop3A_639 = arith.constant 480 : index
        %parallel_loop3A_640 = tpu.vector_load %arg7[%parallel_loop3A_638, %parallel_loop3A_639] {strides = array<i32>} : memref<32x512xf32, #tpu.memory_space<vmem>>, vector<16xf32>,
        %parallel_loop3A_641 = arith.constant 2.550000e+02 : f32
        %parallel_loop3A_642 = vector.broadcast %parallel_loop3A_641 : f32 to vector<16xf32>
        %parallel_loop3A_643 = arith.mulf %parallel_loop3A_640, %parallel_loop3A_642 : vector<16xf32>
        %parallel_loop3A_644 = arith.constant 0x4B000000 : f32
        %parallel_loop3A_645 = vector.broadcast %parallel_loop3A_644 : f32 to vector<16xf32>
        %parallel_loop3A_646 = arith.addf %parallel_loop3A_643, %parallel_loop3A_645 : vector<16xf32>
        %parallel_loop3A_647 = vector.bitcast %parallel_loop3A_646 : vector<16xf32> to vector<16xi32>
        %parallel_loop3A_648 = arith.constant 255 : i32
        %parallel_loop3A_649 = vector.broadcast %parallel_loop3A_648 : i32 to vector<16xi32>
        %parallel_loop3A_650 = arith.andi %parallel_loop3A_647, %parallel_loop3A_649 : vector<16xi32>
        %parallel_loop3A_651 = tpu.vector_load_idx %arg5[%parallel_loop3A_650] : memref<256xf32, #tpu.memory_space<vmem>>[vector<16xi32>], vector<16xf32>,
        %parallel_loop3A_652 = arith.index_cast %parallel_loop3A_127 : i32 to index
        %parallel_loop3A_653 = arith.constant 480 : index
        %parallel_loop3A_654 = tpu.vector_load %arg9[%parallel_loop3A_652, %parallel_loop3A_653] {strides = array<i32>} : memref<32x512xf32, #tpu.memory_space<vmem>>, vector<16xf32>,
        tpu.vector_store %arg9[%parallel_loop3A_652, %parallel_loop3A_653], %parallel_loop3A_651 {strides = array<i32>} : memref<32x512xf32, #tpu.memory_space<vmem>>, vector<16xf32>,
        %parallel_loop3A_655 = arith.index_cast %parallel_loop3A_127 : i32 to index
        %parallel_loop3A_656 = arith.constant 496 : index
        %parallel_loop3A_657 = tpu.vector_load %arg7[%parallel_loop3A_655, %parallel_loop3A_656] {strides = array<i32>} : memref<32x512xf32, #tpu.memory_space<vmem>>, vector<16xf32>,
        %parallel_loop3A_658 = arith.constant 2.550000e+02 : f32
        %parallel_loop3A_659 = vector.broadcast %parallel_loop3A_658 : f32 to vector<16xf32>
        %parallel_loop3A_660 = arith.mulf %parallel_loop3A_657, %parallel_loop3A_659 : vector<16xf32>
        %parallel_loop3A_661 = arith.constant 0x4B000000 : f32
        %parallel_loop3A_662 = vector.broadcast %parallel_loop3A_661 : f32 to vector<16xf32>
        %parallel_loop3A_663 = arith.addf %parallel_loop3A_660, %parallel_loop3A_662 : vector<16xf32>
        %parallel_loop3A_664 = vector.bitcast %parallel_loop3A_663 : vector<16xf32> to vector<16xi32>
        %parallel_loop3A_665 = arith.constant 255 : i32
        %parallel_loop3A_666 = vector.broadcast %parallel_loop3A_665 : i32 to vector<16xi32>
        %parallel_loop3A_667 = arith.andi %parallel_loop3A_664, %parallel_loop3A_666 : vector<16xi32>
        %parallel_loop3A_668 = tpu.vector_load_idx %arg5[%parallel_loop3A_667] : memref<256xf32, #tpu.memory_space<vmem>>[vector<16xi32>], vector<16xf32>,
        %parallel_loop3A_669 = arith.index_cast %parallel_loop3A_127 : i32 to index
        %parallel_loop3A_670 = arith.constant 496 : index
        %parallel_loop3A_671 = tpu.vector_load %arg9[%parallel_loop3A_669, %parallel_loop3A_670] {strides = array<i32>} : memref<32x512xf32, #tpu.memory_space<vmem>>, vector<16xf32>,
        tpu.vector_store %arg9[%parallel_loop3A_669, %parallel_loop3A_670], %parallel_loop3A_668 {strides = array<i32>} : memref<32x512xf32, #tpu.memory_space<vmem>>, vector<16xf32>,
      } {sc.loop_unroll_factor = 1 : i64, sc.parallel_access}
      %mul3A_113 = arith.constant 32 : i32
      %mul3A_114 = arith.muli %add3A_76, %mul3A_113 : i32
      %add3A_115 = arith.addi %mul3A_2, %mul3A_114 : i32
      %dma_start3A_116 = arith.constant 0 : i32
      %dma_start3A_117 = tpu.memref_slice %arg4[%add3A_115, %dma_start3A_116] : memref<24576x512xf32, #tpu.memory_space<hbm>> -> memref<32x512xf32, #tpu.memory_space<hbm>>
      %dma_start3A_118 = arith.constant 0 : i32
      %dma_start3A_119 = tpu.memref_slice %arg4[%add3A_115, %dma_start3A_118] : memref<24576x512xf32, #tpu.memory_space<hbm>> -> memref<32x512xf32, #tpu.memory_space<hbm>>
      tpu.enqueue_dma source(%arg9 : memref<32x512xf32, #tpu.memory_space<vmem>>) target(%dma_start3A_119 : memref<32x512xf32, #tpu.memory_space<hbm>>) target_semaphore(%arg13 : memref<!tpu.dma_semaphore, #tpu.memory_space<semaphore_mem>>)
      %add3A_120 = arith.constant 2 : i32
      %add3A_121 = arith.addi %add3A_33, %add3A_120 : i32
      %lt3A_122 = arith.constant 24 : i32
      %lt3A_123 = arith.cmpi slt, %add3A_121, %lt3A_122 : i32
      %convert_element_type3A_124 = arith.extui %lt3A_123 : i1 to i32
      %cond3A_125 = arith.constant 0 : i32
      %cond3A_126 = arith.cmpi ne, %convert_element_type3A_124, %cond3A_125 : i32
      scf.if %cond3A_126 {
        %add3A_127 = arith.constant 2 : i32
        %add3A_128 = arith.addi %add3A_76, %add3A_127 : i32
        %mul3A_129 = arith.constant 32 : i32
        %mul3A_130 = arith.muli %add3A_128, %mul3A_129 : i32
        %add3A_131 = arith.addi %mul3A_2, %mul3A_130 : i32
        %dma_start3A_132 = arith.constant 0 : i32
        %dma_start3A_133 = tpu.memref_slice %arg2[%add3A_131, %dma_start3A_132] : memref<24576x512xf32, #tpu.memory_space<hbm>> -> memref<32x512xf32, #tpu.memory_space<hbm>>
        %dma_start3A_134 = arith.constant 0 : i32
        %dma_start3A_135 = tpu.memref_slice %arg2[%add3A_131, %dma_start3A_134] : memref<24576x512xf32, #tpu.memory_space<hbm>> -> memref<32x512xf32, #tpu.memory_space<hbm>>
        tpu.enqueue_dma source(%dma_start3A_135 : memref<32x512xf32, #tpu.memory_space<hbm>>) target(%arg7 : memref<32x512xf32, #tpu.memory_space<vmem>>) target_semaphore(%arg11 : memref<!tpu.dma_semaphore, #tpu.memory_space<semaphore_mem>>)
      } else {
      }
    }
    %scan3A_17 = arith.constant 12 : i32
    %add3A_18 = arith.constant 704 : i32
    %add3A_19 = arith.addi %mul3A_2, %add3A_18 : i32
    %dma_wait3A = arith.constant 0 : i32
    %dma_wait3A_20 = tpu.memref_slice %arg4[%add3A_19, %dma_wait3A] : memref<24576x512xf32, #tpu.memory_space<hbm>> -> memref<32x512xf32, #tpu.memory_space<hbm>>
    %dma_wait3A_21 = arith.constant 0 : i32
    %dma_wait3A_22 = tpu.memref_slice %arg4[%add3A_19, %dma_wait3A_21] : memref<24576x512xf32, #tpu.memory_space<hbm>> -> memref<32x512xf32, #tpu.memory_space<hbm>>
    tpu.wait_dma2 semaphore(%arg12 : memref<!tpu.dma_semaphore, #tpu.memory_space<semaphore_mem>>) src(%arg8 : memref<32x512xf32, #tpu.memory_space<vmem>>) dst(%dma_wait3A_22 : memref<32x512xf32, #tpu.memory_space<hbm>>)
    %add3A_23 = arith.constant 736 : i32
    %add3A_24 = arith.addi %mul3A_2, %add3A_23 : i32
    %dma_wait3A_25 = arith.constant 0 : i32
    %dma_wait3A_26 = tpu.memref_slice %arg4[%add3A_24, %dma_wait3A_25] : memref<24576x512xf32, #tpu.memory_space<hbm>> -> memref<32x512xf32, #tpu.memory_space<hbm>>
    %dma_wait3A_27 = arith.constant 0 : i32
    %dma_wait3A_28 = tpu.memref_slice %arg4[%add3A_24, %dma_wait3A_27] : memref<24576x512xf32, #tpu.memory_space<hbm>> -> memref<32x512xf32, #tpu.memory_space<hbm>>
    tpu.wait_dma2 semaphore(%arg13 : memref<!tpu.dma_semaphore, #tpu.memory_space<semaphore_mem>>) src(%arg9 : memref<32x512xf32, #tpu.memory_space<vmem>>) dst(%dma_wait3A_28 : memref<32x512xf32, #tpu.memory_space<hbm>>)
    return
  }
}

</mosaic_0001>

<sc_bundles>
// kernel: kernel.3.cloned.1.call-start
scs
__scs_entry_jumppad:
0x0: {  	(pc) =	sbr.rel $0x88, $3  }
0x1: {  	(tag) =	ssettag $0x0;
	lr =	simm.s32 $0x1  }
0x2: {  	[smem:$0x3F9F] =	sst lr;
	_ =	strace $0xD0000000  }
0x3: {  	_ = 	snop  }
0x4: {  	_ = 	snop  }
0x5: {  	_ = 	snop  }
0x6: {  	_ = 	snop  }
0x7: {  	_ = 	snop  }
__scs_overlays_trampoline_lowered:
0x8: {  	[smem:$0x3FAE] =	sst s0  }
0x9: {  	[smem:$0x3FAF] =	sst s1  }
0xa: {  	[smem:$0x3FB0] =	sst s2  }
0xb: {  	[smem:$0x3FB1] =	sst s3  }
0xc: {  	[smem:$0x3FB2] =	sst s4  }
0xd: {  	[smem:$0x3FB3] =	sst s5  }
0xe: {  	[smem:$0x3FB4] =	sst s6  }
0xf: {  	[smem:$0x3FB5] =	sst s7  }
0x10: {  	[smem:$0x3FB6] =	sst s8  }
0x11: {  	[smem:$0x3FB7] =	sst s9;
	s0 =	simm.s32 @!p0 $0x0  }
0x12: {  	s1 =	sld [smem:$0x3F9D];
	s0 =	simm.s32 @p0 $0x1  }
0x13: {  	[smem:$0x3FB8] =	sst s0;
	s0 =	simm.s32 @!p1 $0x0  }
0x14: {  	s2 =	sld [smem:$0x3F9C];
	s0 =	simm.s32 @p1 $0x1  }
0x15: {  	[smem:$0x3FB9] =	sst s0;
	s0 =	simm.s32 @!p2 $0x0  }
0x16: {  	s3 =	sld [smem:$0x3FDB];
	s0 =	simm.s32 @p2 $0x1  }
0x17: {  	s4 =	simm.s32 $0x1BF5;
	[smem:$0x3FBB] =	sst s0  }
0x18: {  	s0 =	sld [smem:$0x3F9E];
	_ =	swait.ge [sflag:s4], $0x0  }
0x19: {  	s7 =	sld [smem:$0x3F9F]  }
0x1a: {  	s8 =	sadd.s32 $0xFFFFE003, lr  }
0x1b: {  	s9 =	sadd.s32 $0xFFFFFEF7, lr;
	s5 =	simm.s32 $0xFFFFFFFF;
	p2 =	slt.u32 s8, $0xFFFFF086  }
0x1c: {  	p1 =	slt.u32 s9, $0xF7A;
	s5 =	simm.s32 @!p2 $0x0  }
0x1d: {  	s5 =	simm.s32 @p1 $0x1;
	p0 =	seq.s32 s7, s2  }
0x1e: {  	s7 =	smul.u32 @!p0 $0xF7A, s2;
	p2 =	seq.s32 @!p0 s5, $0x0  }
0x1f: {  	s9 =	smul.u32 $0xF7A, s1;
	s8 =	simm.s32 @!p0 $0x1BF5;
	p2 =	por !p2, p0  }
0x20: {  	[sflag:s8] =	ssyncset.s32 @!p0 $0xFFFFF086;
	s6 =	sadd.s32 @!p0 s3, s7;
	s7 =	simm.s32 @!p0 $0x108  }
0x21: {  	s3 =	sadd.s32 s3, s9;
	s6 =	sadd.s32 @!p0 $0x88, s6;
	s7 =	simm.s32 @p2 $0x1082  }
0x22: {  	[simem:s7], [sflag:s8] =	dma.local @!p0 [hbm:s6], $0xF7A  }
0x23: {  	s9 =	sor.u32 $0xD0000000, s2;
	s6 =	simm.s32 $0x108;
	_ =	swait.ge @!p0 [sflag:s8], $0x0  }
0x24: {  	s3 =	sadd.s32 $0x88, s3;
	s6 =	simm.s32 @!p1 $0x1082;
	[sflag:s4] =	ssyncset.s32 $0xFFFFF086  }
0x25: {  	[simem:s6], [sflag:s4] =	dma.local [hbm:s3], $0xF7A  }
0x26: {  	[smem:$0x3F9F] =	sst s1;
	(tag) =	ssettag s2;
	_ =	strace s9  }
0x27: {  	s1 =	sld [smem:$0x3FAF]  }
0x28: {  	s2 =	sld [smem:$0x3FB0]  }
0x29: {  	s4 =	sld [smem:$0x3FB2]  }
0x2a: {  	p0 =	seq.s32 s5, $0x0;
	s5 =	sld [smem:$0x3FB3]  }
0x2b: {  	s6 =	sld [smem:$0x3FB4]  }
0x2c: {  	s7 =	sld [smem:$0x3FB5]  }
0x2d: {  	s3 =	simm.s32 $0x108;
	s8 =	sld [smem:$0x3FB6]  }
0x2e: {  	s3 =	simm.s32 @!p0 $0x1082;
	s9 =	sld [smem:$0x3FB7]  }
0x2f: {  	lr =	sadd.s32 s0, s3;
	s0 =	sld [smem:$0x3FAE]  }
0x30: {  	s3 =	sld [smem:$0x3FB1]  }
0x31: {  	[smem:$0x3FBA] =	sst s10  }
0x32: {  	s10 =	sld [smem:$0x3FB8];
	_ =	sdelay $0x3  }
0x33: {  	p0 =	seq.s32 s10, $0x1;
	s10 =	sld [smem:$0x3FBA];
	_ =	sdelay $0x3  }
0x34: {  	[smem:$0x3FBA] =	sst s10  }
0x35: {  	s10 =	sld [smem:$0x3FB9];
	_ =	sdelay $0x3  }
0x36: {  	p1 =	seq.s32 s10, $0x1;
	s10 =	sld [smem:$0x3FBA];
	_ =	sdelay $0x3  }
0x37: {  	[smem:$0x3FBA] =	sst s10  }
0x38: {  	s10 =	sld [smem:$0x3FBB]  }
0x39: {  	_ = 	snop;
	(pc) =	sbr.ind lr, $3  }
0x3a: {  	_ = 	snop  }
0x3b: {  	_ = 	snop  }
0x3c: {  	p2 =	seq.s32 s10, $0x1;
	s10 =	sld [smem:$0x3FBA]  }
0x3d: {  	_ =	shalt  }
0x3e: {  	_ =	shalt  }
0x3f: {  	_ =	shalt  }
0x40: {  	_ =	shalt  }
0x41: {  	_ =	shalt  }
0x42: {  	_ =	shalt  }
0x43: {  	_ =	shalt  }
0x44: {  	_ =	shalt  }
0x45: {  	_ =	shalt  }
0x46: {  	_ =	shalt  }
0x47: {  	_ =	shalt  }
0x48: {  	_ =	shalt  }
0x49: {  	_ =	shalt  }
0x4a: {  	_ =	shalt  }
0x4b: {  	_ =	shalt  }
0x4c: {  	_ =	shalt  }
0x4d: {  	_ =	shalt  }
0x4e: {  	_ =	shalt  }
0x4f: {  	_ =	shalt  }
0x50: {  	_ =	shalt  }
0x51: {  	_ =	shalt  }
0x52: {  	_ =	shalt  }
0x53: {  	_ =	shalt  }
0x54: {  	_ =	shalt  }
0x55: {  	_ =	shalt  }
0x56: {  	_ =	shalt  }
0x57: {  	_ =	shalt  }
0x58: {  	_ =	shalt  }
0x59: {  	_ =	shalt  }
0x5a: {  	_ =	shalt  }
0x5b: {  	_ =	shalt  }
0x5c: {  	_ =	shalt  }
0x5d: {  	_ =	shalt  }
0x5e: {  	_ =	shalt  }
0x5f: {  	_ =	shalt  }
0x60: {  	_ =	shalt  }
0x61: {  	_ =	shalt  }
0x62: {  	_ =	shalt  }
0x63: {  	_ =	shalt  }
0x64: {  	_ =	shalt  }
0x65: {  	_ =	shalt  }
0x66: {  	_ =	shalt  }
0x67: {  	_ =	shalt  }
0x68: {  	_ =	shalt  }
0x69: {  	_ =	shalt  }
0x6a: {  	_ =	shalt  }
0x6b: {  	_ =	shalt  }
0x6c: {  	_ =	shalt  }
0x6d: {  	_ =	shalt  }
0x6e: {  	_ =	shalt  }
0x6f: {  	_ =	shalt  }
0x70: {  	_ =	shalt  }
0x71: {  	_ =	shalt  }
0x72: {  	_ =	shalt  }
0x73: {  	_ =	shalt  }
0x74: {  	_ =	shalt  }
0x75: {  	_ =	shalt  }
0x76: {  	_ =	shalt  }
0x77: {  	_ =	shalt  }
0x78: {  	_ =	shalt  }
0x79: {  	_ =	shalt  }
0x7a: {  	_ =	shalt  }
0x7b: {  	_ =	shalt  }
0x7c: {  	_ =	shalt  }
0x7d: {  	_ =	shalt  }
0x7e: {  	_ =	shalt  }
0x7f: {  	_ =	shalt  }
0x80: {  	_ =	shalt  }
0x81: {  	_ =	shalt  }
0x82: {  	_ =	shalt  }
0x83: {  	_ =	shalt  }
0x84: {  	_ =	shalt  }
0x85: {  	_ =	shalt  }
0x86: {  	_ =	shalt  }
0x87: {  	_ =	shalt  }
.Lfunc_end0:
.L_simem_size_0:
called_computation_lowered:
.L_overlay_start_0:
0x88: {  	s2 =	sld [smem:$0x3FD9]  }
0x89: {  	s3 =	sld [smem:$0x3FFE];
	_ =	sdelay $0x1  }
0x8a: {  	s1 =	srdreg.scid  }
0x8b: {  	s0 =	sand.u32 $0x1, s1  }
0x8c: {  	s18 =	sshll.u32 s0, $0xA;
	s2 =	sadd.s32 s3, s2  }
0x8d: {  	s2 =	sadd.s32 s2, s18  }
0x8e: {  	[smem:$0x3FC6] =	sst s2  }
0x8f: {  	_ = 	snop  }
0x90: {  	s2 =	sld [smem:$0x3FC9]  }
0x91: {  	s19 =	sld [smem:$0x3FC8]  }
0x92: {  	s4 =	sld [smem:$0x3FD0];
	(tm) =	ssettm $0x1  }
0x93: {  	s5 =	sld [smem:$0x3FFB];
	_ =	sdelay $0x3  }
0x94: {  	_ =	strace s5  }
0x95: {  	s5 =	sld [smem:$0x3FFC];
	_ =	sdelay $0x3  }
0x96: {  	_ =	strace s5  }
0x97: {  	s5 =	sld [smem:$0x3FFD];
	_ =	sdelay $0x3  }
0x98: {  	_ =	strace s5  }
0x99: {  	_ =	strace $0x8FFFFFFF  }
0x9a: {  	s20 =	sld [smem:$0x3FDB];
	_ =	sdelay $0x1  }
0x9b: {  	s6 =	simm.s32 $_scs_section_size  }
0x9c: {  	s7 =	simm.s32 $_size__tile_overlayer_lowered;
	s8 =	simm.s32 $_tile_overlayer_lowered  }
0x9d: {  	s23 =	simm.s32 $0x1BFF;
	s22 =	sshll.u32 s8, $0x1;
	s5 =	sadd.s32 s6, s20  }
0x9e: {  	s9 =	simm.s32 $0x0;
	s21 =	sshll.u32 s7, $0x1;
	s7 =	sadd.s32 s22, s5  }
0x9f: {  	[timem:s9], [sflag:s23] =	dma.local [hbm:s7], s21  }
0xa0: {  	_ =	swait.ge [sflag:s23], s21  }
0xa1: {  	s6 =	ssub.s32 $0x0, s21;
	[sflag:s23] =	ssyncset.done $0x0  }
0xa2: {  	[sflag:s23] =	ssyncadd.s32 s6;
	_ =	sdelay $0x1  }
0xa3: {  	s24 =	simm.s32 $0x1B8B  }
0xa4: {  	_ =	swait.ge [sflag:s24], $0x1  }
0xa5: {  	[sflag:s24] =	ssyncset.done $0x0  }
0xa6: {  	s25 =	simm.s32 $0x1B8E;
	[sflag:s24] =	ssyncadd.s32 $0xFFFFFFFF  }
0xa7: {  	s26 =	simm.s32 $execute0_lowered;
	[smem:$0x3FD2] =	sst s25  }
0xa8: {  	s6 =	sshll.u32 s26, $0x1;
	_ =	strace $0x80000046;
	[dreg:$0x1] =	wrdreg $0xFFFFFFFF  }
0xa9: {  	s28 =	simm.s32 $_size_execute0_lowered;
	s5 =	sadd.s32 s5, s6;
	[dreg:$0x0] =	wrdreg $0x0  }
0xaa: {  	s6 =	sshll.u32 s28, $0x1;
	[dreg:$0x2] =	wrdreg s5  }
0xab: {  	[dreg:$0x3] =	wrdreg s6  }
0xac: {  	[dreg:$0x4] =	wrdreg $0xC0  }
0xad: {  	_ =	task [dreg:s9], $0x5FFFF  }
0xae: {  	[dreg:$0x1] =	wrdreg $0xFFFFFFFF  }
0xaf: {  	[dreg:$0x0] =	wrdreg $0x60  }
0xb0: {  	[dreg:$0x2] =	wrdreg s2  }
0xb1: {  	[dreg:$0x3] =	wrdreg s19  }
0xb2: {  	[dreg:$0x4] =	wrdreg s4  }
0xb3: {  	[dreg:$0x5] =	wrdreg $0x9  }
0xb4: {  	_ =	task.clear_ibuf [dreg:s9], $0x6FFFF;
	_ =	strace $0x90000046  }
0xb5: {  	s29 =	simm.s32 $0x9;
	_ =	strace $0x80000048  }
0xb6: {  	_ =	swait.ge [sflag:s29], $0x1  }
0xb7: {  	[sflag:s29] =	ssyncadd.s32 $0xFFFFFFFF  }
0xb8: {  	_ =	strace $0x90000048  }
0xb9: {  	_ =	sfence  }
0xba: {  	s30 =	sld [smem:$0x0];
	_ =	sdelay $0x2  }
0xbb: {  	s31 =	sshll.u32 s1, $0xD;
	s1 =	sshrl.u32 s1, $0x2  }
0xbc: {  	s3 =	sand.u32 $0x4000, s31;
	s1 =	sadd.s32 s1, s30  }
0xbd: {  	s0 =	sor.u32 s3, s0;
	s1 =	sshll.u32 s1, $0x11  }
0xbe: {  	s0 =	sor.u32 s1, s0  }
0xbf: {  	s0 =	sadd.s32 $0x8F2B, s0  }
0xc0: {  	[sflag:s0] =	ssyncadd.remote.s32 $0x1  }
0xc1: {  	_ =	sfence.sel $0xFFFF  }
0xc2: {  	[dreg:$0x0] =	wrdreg $0xFFFFFFFF;
	(pc) =	sbr.abs _section_cstart, $3  }
0xc3: {  	[dreg:$0x1] =	wrdreg $0xFFFFFFFF  }
0xc4: {  	_ =	task.clear_ibuf [dreg:s9], $0x2FFFF;
	_ =	strace $0x9FFFFFFF  }
0xc5: {  	(tm) =	ssettm $0x7FFFFFFF  }
tec
execute0_lowered:
.L_overlay_start_1:
0x0: {  	(tag) =	ssettag $0x1  }
0x1: {  	s1 =	rddreg [dreg:$0x0]  }
0x2: {  	s3 =	rddreg [dreg:$0x1]  }
0x3: {  	s0 =	srdreg.scid;
	s2 =	stileid.u32  }
0x4: {  	s4 =	rddreg [dreg:$0x2];
	s5 =	simm.s32 $0x0;
	s14 =	simm.s32 $0x100  }
0x5: {  	s15 =	simm.s32 $0x4100;
	s0 =	sand.u32 $0x1, s0;
	s2 =	sshll.u32 s2, $0x1  }
0x6: {  	s16 =	simm.s32 $0x1;
	s17 =	simm.s32 $0x8100;
	s2 =	sor.u32 s0, s2  }
0x7: {  	s18 =	simm.s32 $0x2;
	s19 =	simm.s32 $0xC100;
	s7 =	smul.u32 $0xC000, s2  }
0x8: {  	s20 =	simm.s32 $0x3;
	s21 =	simm.s32 $0x4;
	s6 =	smul.u32 $0x60000, s2  }
.Ltmp0:
0x9: {  	s22 =	simm.s32 $0x0;
	s0 =	ssub.s32 $0x2, s0;
	(pc) =	sbr.rel .LBB2_1-.Ltmp0, $4  }
0xa: {  	[smem:$0x7FF] =	sst s5;
	s8 =	sshrl.u32 s0, $0x1;
	s12 =	smul.u32 $0x300, s2  }
0xb: {  	_ =	strace $0x80000047;
	s9 =	smul.u32 $0x3, s2;
	s0 =	ssub.s32 s0, s8  }
0xc: {  	s7 =	sadd.s32 s1, s7;
	s10 =	sor.u32 $0x8000, s6;
	s11 =	sor.u32 $0x20, s12  }
0xd: {  	s12 =	sor.u32 $0x60, s12;
	s13 =	smax.u32 s0, $0x1;
	s8 =	sadd.s32 $0x800, s7  }
.LBB2_8:
0xe: {  	s22 =	sadd.s32 $0x1, s22  }
0xf: {  	_ =	swait.ge [sflag:s20], $0x4000;
	p0 =	sne.s32 s22, s13  }
.Ltmp1:
0x10: {  	[sflag:s20] =	ssyncset.done $0x0;
	(pc) =	sbr.rel @!p0 .LBB2_9-.Ltmp1, $4  }
0x11: {  	[sflag:s20] =	ssyncadd.s32 $0xFFFFC000  }
0x12: {  	_ =	swait.ge [sflag:s21], $0x4000  }
0x13: {  	[sflag:s21] =	ssyncset.done $0x0  }
0x14: {  	[sflag:s21] =	ssyncadd.s32 $0xFFFFC000  }
.LBB2_1:
0x15: {  	[tilespmem:s14], [sflag:$0x1] =	stream.linear.gather [hbm4b:s7+s5], $0x4000, $0x38;
	[tilespmem:$0x10100] =	vst v63  }
0x16: {  	s23 =	simm.s32 $0x0  }
0x17: {  	[tilespmem:s15], [sflag:$0x2] =	stream.linear.gather [hbm4b:s8+s5], $0x4000, $0x38;
	[tilespmem:$0x10100] =	vst v63  }
.LBB2_2:
0x18: {  	s0 =	sand.u32 $0x3, s23  }
0x19: {  	p0 =	sne.s32 s0, $0x0  }
0x1a: {  	s0 =	sshrl.u32 @!p0 s23, $0x2  }
0x1b: {  	s0 =	sadd.s32 @!p0 s9, s0  }
0x1c: {  	s2 =	sshrl.u32 @!p0 s0, $0x1  }
0x1d: {  	s24 =	smulhi.u32 @!p0 $0x55555556, s2;
	_ =	sdelay $0x1  }
0x1e: {  	s24 =	smul.u32 @!p0 $0x3, s24  }
0x1f: {  	s0 =	smulhi.u32 @!p0 $0x2AAAAAAB, s0  }
0x20: {  	s2 =	ssub.s32 @!p0 s2, s24  }
0x21: {  	s24 =	sshll.u32 @!p0 s0, $0x5;
	s0 =	sshll.u32 @!p0 s0, $0x4;
	s2 =	sshll.u32 @!p0 s2, $0x9  }
0x22: {  	s0 =	sand.u32 @!p0 $0x70, s0;
	s2 =	sadd.s32 @!p0 s24, s2  }
0x23: {  	s25 =	simm.s32 @!p0 $0x0;
	s0 =	sadd.s32 @!p0 s3, s0;
	s2 =	sand.u32 @!p0 $0x1FFFFF00, s2  }
0x24: {  	s24 =	simm.s32 @!p0 $0x400;
	s0 =	sadd.s32 @!p0 s2, s0;
	s2 =	simm.s32 @!p0 $0x80  }
0x25: {  	[tilespmem:s25], [sflag:$0x5] =	stream.strided.gather @!p0 [hbm4b:s0+s2], $0x100, s24, s2, $0x38;
	[tilespmem:$0x10100] =	vst v63  }
0x26: {  	s0 =	simm.s32 @!p0 $0x5  }
0x27: {  	_ =	swait.ge @!p0 [sflag:s0], $0x100  }
0x28: {  	[sflag:s0] =	ssyncset.done @!p0 $0x0  }
0x29: {  	[sflag:s0] =	ssyncadd.s32 @!p0 $0xFFFFFF00  }
0x2a: {  	_ =	swait.ge [sflag:s16], $0x4000  }
0x2b: {  	p0 =	seq.s32 s23, $0x0;
	[sflag:s16] =	ssyncset.done $0x0  }
0x2c: {  	s0 =	simm.s32 @!p0 $0x3;
	[sflag:s16] =	ssyncadd.s32 $0xFFFFC000  }
0x2d: {  	s25 =	simm.s32 $0x0;
	_ =	swait.ge @!p0 [sflag:s0], $0x4000  }
0x2e: {  	s26 =	sand.u32 $0x3000, s25;
	s2 =	sand.u32 $0x380, s25;
	[sflag:s0] =	ssyncset.done @!p0 $0x0  }
0x2f: {  	s24 =	sor.u32 s2, s26;
	[sflag:s0] =	ssyncadd.s32 @!p0 $0xFFFFC000  }
0x30: {  	v0 =	vld [tilespmem:s24+$0x100];
	_ =	sdelay $0x4  }
0x31: {  	v0 =	vmul.f32 $2.550000000e+02, v0  }
0x32: {  	v1 =	vld [tilespmem:s24+$0x110]  }
0x33: {  	v0 =	vadd.f32 $8.388608000e+06, v0;
	_ =	sdelay $0x1  }
0x34: {  	v0 =	vand.u32 $0xFF, v0;
	_ =	sdelay $0x1  }
0x35: {  	v1 =	vmul.f32 $2.550000000e+02, v1  }
0x36: {  	v2 =	vld [tilespmem:s24+$0x120]  }
0x37: {  	v1 =	vadd.f32 $8.388608000e+06, v1  }
0x38: {  	v0 =	vld.idx.msk [tilespmem:v0+s5+$0x0], $0xffff  }
0x39: {  	v1 =	vand.u32 $0xFF, v1;
	_ =	sdelay $0x1  }
0x3a: {  	v2 =	vmul.f32 $2.550000000e+02, v2  }
0x3b: {  	v3 =	vld [tilespmem:s24+$0x130]  }
0x3c: {  	[tilespmem:s24+$0x8100] =	vst v0;
	v0 =	vadd.f32 $8.388608000e+06, v2  }
0x3d: {  	v1 =	vld.idx.msk [tilespmem:v1+s5+$0x0], $0xffff  }
0x3e: {  	v0 =	vand.u32 $0xFF, v0;
	_ =	sdelay $0x1  }
0x3f: {  	v2 =	vmul.f32 $2.550000000e+02, v3  }
0x40: {  	v3 =	vld [tilespmem:s24+$0x140]  }
0x41: {  	[tilespmem:s24+$0x8110] =	vst v1;
	v1 =	vadd.f32 $8.388608000e+06, v2  }
0x42: {  	v0 =	vld.idx.msk [tilespmem:v0+s5+$0x0], $0xffff  }
0x43: {  	v1 =	vand.u32 $0xFF, v1;
	_ =	sdelay $0x1  }
0x44: {  	v2 =	vmul.f32 $2.550000000e+02, v3  }
0x45: {  	v3 =	vld [tilespmem:s24+$0x150]  }
0x46: {  	[tilespmem:s24+$0x8120] =	vst v0;
	v0 =	vadd.f32 $8.388608000e+06, v2  }
0x47: {  	v1 =	vld.idx.msk [tilespmem:v1+s5+$0x0], $0xffff  }
0x48: {  	v0 =	vand.u32 $0xFF, v0;
	_ =	sdelay $0x1  }
0x49: {  	v2 =	vmul.f32 $2.550000000e+02, v3  }
0x4a: {  	v3 =	vld [tilespmem:s24+$0x160]  }
0x4b: {  	[tilespmem:s24+$0x8130] =	vst v1;
	v1 =	vadd.f32 $8.388608000e+06, v2  }
0x4c: {  	v0 =	vld.idx.msk [tilespmem:v0+s5+$0x0], $0xffff  }
0x4d: {  	v1 =	vand.u32 $0xFF, v1;
	_ =	sdelay $0x1  }
0x4e: {  	v2 =	vmul.f32 $2.550000000e+02, v3  }
0x4f: {  	v3 =	vld [tilespmem:s24+$0x170]  }
0x50: {  	[tilespmem:s24+$0x8140] =	vst v0;
	v0 =	vadd.f32 $8.388608000e+06, v2  }
0x51: {  	v1 =	vld.idx.msk [tilespmem:v1+s5+$0x0], $0xffff  }
0x52: {  	v0 =	vand.u32 $0xFF, v0;
	_ =	sdelay $0x1  }
0x53: {  	v2 =	vmul.f32 $2.550000000e+02, v3  }
0x54: {  	v3 =	vld [tilespmem:s24+$0x500]  }
0x55: {  	[tilespmem:s24+$0x8150] =	vst v1;
	v1 =	vadd.f32 $8.388608000e+06, v2  }
0x56: {  	v0 =	vld.idx.msk [tilespmem:v0+s5+$0x0], $0xffff  }
0x57: {  	v1 =	vand.u32 $0xFF, v1  }
0x58: {  	s25 =	simm.s32 $0x200;
	s26 =	simm.s32 $0x80  }
0x59: {  	s2 =	sand.u32 $0x380, s26;
	s0 =	sand.u32 $0x3000, s25;
	v2 =	vmul.f32 $2.550000000e+02, v3  }
0x5a: {  	s25 =	sor.u32 s2, s0;
	v3 =	vld [tilespmem:s24+$0x510]  }
0x5b: {  	[tilespmem:s24+$0x8160] =	vst v0;
	v0 =	vadd.f32 $8.388608000e+06, v2;
	v2 =	vld [tilespmem:s25+$0x100]  }
0x5c: {  	v1 =	vld.idx.msk [tilespmem:v1+s5+$0x0], $0xffff;
	_ =	sdelay $0x1  }
0x5d: {  	v0 =	vand.u32 $0xFF, v0;
	_ =	sdelay $0x1  }
0x5e: {  	v3 =	vmul.f32 $2.550000000e+02, v3  }
0x5f: {  	v4 =	vld [tilespmem:s24+$0x520];
	[tilespmem:s24+$0x8170] =	vst v1;
	v1 =	vmul.f32 $2.550000000e+02, v2  }
0x60: {  	v2 =	vadd.f32 $8.388608000e+06, v3;
	v3 =	vld [tilespmem:s25+$0x110]  }
0x61: {  	v0 =	vld.idx.msk [tilespmem:v0+s5+$0x0], $0xffff;
	v1 =	vadd.f32 $8.388608000e+06, v1  }
0x62: {  	v2 =	vand.u32 $0xFF, v2  }
0x63: {  	v1 =	vand.u32 $0xFF, v1  }
0x64: {  	v4 =	vmul.f32 $2.550000000e+02, v4  }
0x65: {  	v5 =	vld [tilespmem:s24+$0x530];
	v3 =	vmul.f32 $2.550000000e+02, v3  }
0x66: {  	v6 =	vld [tilespmem:s25+$0x120];
	[tilespmem:s24+$0x8500] =	vst v0;
	v0 =	vadd.f32 $8.388608000e+06, v4  }
0x67: {  	v2 =	vld.idx.msk [tilespmem:v2+s5+$0x0], $0xffff;
	v3 =	vadd.f32 $8.388608000e+06, v3  }
0x68: {  	v0 =	vand.u32 $0xFF, v0;
	v1 =	vld.idx.msk [tilespmem:v1+s5+$0x0], $0xffff  }
0x69: {  	v3 =	vand.u32 $0xFF, v3  }
0x6a: {  	v4 =	vmul.f32 $2.550000000e+02, v5  }
0x6b: {  	v6 =	vmul.f32 $2.550000000e+02, v6;
	v5 =	vld [tilespmem:s24+$0x540]  }
0x6c: {  	v7 =	vld [tilespmem:s25+$0x130];
	[tilespmem:s24+$0x8510] =	vst v2;
	v2 =	vadd.f32 $8.388608000e+06, v4  }
0x6d: {  	v0 =	vld.idx.msk [tilespmem:v0+s5+$0x0], $0xffff;
	[tilespmem:s25+$0x8100] =	vst v1;
	v1 =	vadd.f32 $8.388608000e+06, v6  }
0x6e: {  	v2 =	vand.u32 $0xFF, v2;
	v3 =	vld.idx.msk [tilespmem:v3+s5+$0x0], $0xffff  }
0x6f: {  	v1 =	vand.u32 $0xFF, v1  }
0x70: {  	v4 =	vmul.f32 $2.550000000e+02, v5  }
0x71: {  	v7 =	vmul.f32 $2.550000000e+02, v7;
	v5 =	vld [tilespmem:s24+$0x550]  }
0x72: {  	v6 =	vld [tilespmem:s25+$0x140];
	[tilespmem:s24+$0x8520] =	vst v0;
	v0 =	vadd.f32 $8.388608000e+06, v4  }
0x73: {  	v2 =	vld.idx.msk [tilespmem:v2+s5+$0x0], $0xffff;
	[tilespmem:s25+$0x8110] =	vst v3;
	v3 =	vadd.f32 $8.388608000e+06, v7  }
0x74: {  	v0 =	vand.u32 $0xFF, v0;
	v1 =	vld.idx.msk [tilespmem:v1+s5+$0x0], $0xffff  }
0x75: {  	v3 =	vand.u32 $0xFF, v3  }
0x76: {  	v4 =	vmul.f32 $2.550000000e+02, v5  }
0x77: {  	v5 =	vld [tilespmem:s24+$0x560];
	v6 =	vmul.f32 $2.550000000e+02, v6  }
0x78: {  	v7 =	vld [tilespmem:s25+$0x150];
	[tilespmem:s24+$0x8530] =	vst v2;
	v2 =	vadd.f32 $8.388608000e+06, v4  }
0x79: {  	v0 =	vld.idx.msk [tilespmem:v0+s5+$0x0], $0xffff;
	[tilespmem:s25+$0x8120] =	vst v1;
	v1 =	vadd.f32 $8.388608000e+06, v6  }
0x7a: {  	v2 =	vand.u32 $0xFF, v2;
	v3 =	vld.idx.msk [tilespmem:v3+s5+$0x0], $0xffff  }
0x7b: {  	v1 =	vand.u32 $0xFF, v1  }
0x7c: {  	v4 =	vmul.f32 $2.550000000e+02, v5  }
0x7d: {  	v5 =	vld [tilespmem:s24+$0x570];
	v7 =	vmul.f32 $2.550000000e+02, v7  }
0x7e: {  	v6 =	vld [tilespmem:s25+$0x160];
	[tilespmem:s24+$0x8540] =	vst v0;
	v0 =	vadd.f32 $8.388608000e+06, v4  }
0x7f: {  	v2 =	vld.idx.msk [tilespmem:v2+s5+$0x0], $0xffff;
	[tilespmem:s25+$0x8130] =	vst v3;
	v3 =	vadd.f32 $8.388608000e+06, v7  }
0x80: {  	v0 =	vand.u32 $0xFF, v0;
	v1 =	vld.idx.msk [tilespmem:v1+s5+$0x0], $0xffff  }
0x81: {  	v3 =	vand.u32 $0xFF, v3  }
0x82: {  	v4 =	vmul.f32 $2.550000000e+02, v5  }
0x83: {  	v5 =	vld [tilespmem:s24+$0x900];
	v6 =	vmul.f32 $2.550000000e+02, v6  }
0x84: {  	v7 =	vld [tilespmem:s25+$0x170];
	[tilespmem:s24+$0x8550] =	vst v2;
	v2 =	vadd.f32 $8.388608000e+06, v4  }
0x85: {  	v0 =	vld.idx.msk [tilespmem:v0+s5+$0x0], $0xffff;
	[tilespmem:s25+$0x8140] =	vst v1;
	v1 =	vadd.f32 $8.388608000e+06, v6  }
0x86: {  	v2 =	vand.u32 $0xFF, v2;
	v3 =	vld.idx.msk [tilespmem:v3+s5+$0x0], $0xffff  }
0x87: {  	v1 =	vand.u32 $0xFF, v1  }
0x88: {  	v4 =	vmul.f32 $2.550000000e+02, v5  }
0x89: {  	v5 =	vld [tilespmem:s24+$0x910];
	v7 =	vmul.f32 $2.550000000e+02, v7  }
0x8a: {  	v6 =	vld [tilespmem:s25+$0x500];
	[tilespmem:s24+$0x8560] =	vst v0;
	v0 =	vadd.f32 $8.388608000e+06, v4  }
0x8b: {  	v2 =	vld.idx.msk [tilespmem:v2+s5+$0x0], $0xffff;
	[tilespmem:s25+$0x8150] =	vst v3;
	v3 =	vadd.f32 $8.388608000e+06, v7  }
0x8c: {  	v0 =	vand.u32 $0xFF, v0;
	v1 =	vld.idx.msk [tilespmem:v1+s5+$0x0], $0xffff  }
0x8d: {  	s26 =	simm.s32 $0x100;
	s2 =	simm.s32 $0x400;
	v3 =	vand.u32 $0xFF, v3  }
0x8e: {  	s0 =	sand.u32 $0x3000, s2;
	s2 =	sand.u32 $0x380, s26;
	v4 =	vmul.f32 $2.550000000e+02, v5;
	v5 =	vld [tilespmem:s24+$0x920]  }
0x8f: {  	s26 =	sor.u32 s2, s0;
	v6 =	vmul.f32 $2.550000000e+02, v6;
	v7 =	vld [tilespmem:s25+$0x510]  }
0x90: {  	[tilespmem:s24+$0x8570] =	vst v2;
	v2 =	vadd.f32 $8.388608000e+06, v4;
	v4 =	vld [tilespmem:s26+$0x100]  }
0x91: {  	v0 =	vld.idx.msk [tilespmem:v0+s5+$0x0], $0xffff;
	[tilespmem:s25+$0x8160] =	vst v1;
	v1 =	vadd.f32 $8.388608000e+06, v6  }
0x92: {  	v2 =	vand.u32 $0xFF, v2;
	v3 =	vld.idx.msk [tilespmem:v3+s5+$0x0], $0xffff  }
0x93: {  	v1 =	vand.u32 $0xFF, v1  }
0x94: {  	v8 =	vld [tilespmem:s25+$0x520];
	v5 =	vmul.f32 $2.550000000e+02, v5  }
0x95: {  	v7 =	vmul.f32 $2.550000000e+02, v7;
	v6 =	vld [tilespmem:s24+$0x930]  }
0x96: {  	[tilespmem:s24+$0x8900] =	vst v0;
	v0 =	vmul.f32 $2.550000000e+02, v4;
	v4 =	vadd.f32 $8.388608000e+06, v5;
	v5 =	vld [tilespmem:s26+$0x110]  }
0x97: {  	v2 =	vld.idx.msk [tilespmem:v2+s5+$0x0], $0xffff;
	[tilespmem:s25+$0x8170] =	vst v3;
	v3 =	vadd.f32 $8.388608000e+06, v7  }
0x98: {  	v0 =	vadd.f32 $8.388608000e+06, v0;
	v4 =	vand.u32 $0xFF, v4;
	v1 =	vld.idx.msk [tilespmem:v1+s5+$0x0], $0xffff  }
0x99: {  	v3 =	vand.u32 $0xFF, v3  }
0x9a: {  	v9 =	vld [tilespmem:s25+$0x530];
	v6 =	vmul.f32 $2.550000000e+02, v6;
	v0 =	vand.u32 $0xFF, v0  }
0x9b: {  	v8 =	vmul.f32 $2.550000000e+02, v8;
	v7 =	vld [tilespmem:s24+$0x940]  }
0x9c: {  	v10 =	vld [tilespmem:s26+$0x120];
	[tilespmem:s24+$0x8910] =	vst v2;
	v2 =	vmul.f32 $2.550000000e+02, v5;
	v5 =	vadd.f32 $8.388608000e+06, v6  }
0x9d: {  	[tilespmem:s25+$0x8500] =	vst v1;
	v1 =	vld.idx.msk [tilespmem:v4+s5+$0x0], $0xffff;
	v4 =	vadd.f32 $8.388608000e+06, v8  }
0x9e: {  	v2 =	vadd.f32 $8.388608000e+06, v2;
	v5 =	vand.u32 $0xFF, v5;
	v3 =	vld.idx.msk [tilespmem:v3+s5+$0x0], $0xffff  }
0x9f: {  	v0 =	vld.idx.msk [tilespmem:v0+s5+$0x0], $0xffff;
	v4 =	vand.u32 $0xFF, v4  }
0xa0: {  	v11 =	vld [tilespmem:s26+$0x130];
	v7 =	vmul.f32 $2.550000000e+02, v7;
	v2 =	vand.u32 $0xFF, v2  }
0xa1: {  	v9 =	vmul.f32 $2.550000000e+02, v9;
	v6 =	vld [tilespmem:s24+$0x950]  }
0xa2: {  	v8 =	vld [tilespmem:s25+$0x540];
	v7 =	vadd.f32 $8.388608000e+06, v7;
	[tilespmem:s24+$0x8920] =	vst v1;
	v1 =	vmul.f32 $2.550000000e+02, v10  }
0xa3: {  	[tilespmem:s25+$0x8510] =	vst v3;
	v3 =	vld.idx.msk [tilespmem:v5+s5+$0x0], $0xffff;
	v5 =	vadd.f32 $8.388608000e+06, v9  }
0xa4: {  	[tilespmem:s26+$0x8100] =	vst v0;
	v0 =	vld.idx.msk [tilespmem:v4+s5+$0x0], $0xffff;
	v1 =	vadd.f32 $8.388608000e+06, v1;
	v4 =	vand.u32 $0xFF, v7  }
0xa5: {  	v2 =	vld.idx.msk [tilespmem:v2+s5+$0x0], $0xffff;
	v5 =	vand.u32 $0xFF, v5  }
0xa6: {  	v6 =	vmul.f32 $2.550000000e+02, v6;
	v10 =	vld [tilespmem:s26+$0x140];
	v1 =	vand.u32 $0xFF, v1  }
0xa7: {  	v8 =	vmul.f32 $2.550000000e+02, v8;
	v7 =	vld [tilespmem:s24+$0x960]  }
0xa8: {  	v6 =	vadd.f32 $8.388608000e+06, v6;
	v9 =	vld [tilespmem:s25+$0x550];
	[tilespmem:s24+$0x8930] =	vst v3;
	v3 =	vmul.f32 $2.550000000e+02, v11  }
0xa9: {  	[tilespmem:s25+$0x8520] =	vst v0;
	v0 =	vld.idx.msk [tilespmem:v4+s5+$0x0], $0xffff;
	v4 =	vadd.f32 $8.388608000e+06, v8  }
0xaa: {  	[tilespmem:s26+$0x8110] =	vst v2;
	v2 =	vld.idx.msk [tilespmem:v5+s5+$0x0], $0xffff;
	v3 =	vadd.f32 $8.388608000e+06, v3;
	v5 =	vand.u32 $0xFF, v6  }
0xab: {  	v1 =	vld.idx.msk [tilespmem:v1+s5+$0x0], $0xffff;
	v4 =	vand.u32 $0xFF, v4  }
0xac: {  	v11 =	vld [tilespmem:s26+$0x150];
	v7 =	vmul.f32 $2.550000000e+02, v7;
	v3 =	vand.u32 $0xFF, v3  }
0xad: {  	v9 =	vmul.f32 $2.550000000e+02, v9;
	v8 =	vld [tilespmem:s25+$0x560]  }
0xae: {  	v6 =	vld [tilespmem:s24+$0x970];
	v7 =	vadd.f32 $8.388608000e+06, v7;
	[tilespmem:s24+$0x8940] =	vst v0;
	v0 =	vmul.f32 $2.550000000e+02, v10  }
0xaf: {  	[tilespmem:s25+$0x8530] =	vst v2;
	v2 =	vld.idx.msk [tilespmem:v5+s5+$0x0], $0xffff;
	v5 =	vadd.f32 $8.388608000e+06, v9  }
0xb0: {  	[tilespmem:s26+$0x8120] =	vst v1;
	v1 =	vld.idx.msk [tilespmem:v4+s5+$0x0], $0xffff;
	v0 =	vadd.f32 $8.388608000e+06, v0;
	v4 =	vand.u32 $0xFF, v7  }
0xb1: {  	v3 =	vld.idx.msk [tilespmem:v3+s5+$0x0], $0xffff;
	v5 =	vand.u32 $0xFF, v5  }
0xb2: {  	v12 =	vld [tilespmem:s26+$0x170];
	v0 =	vand.u32 $0xFF, v0  }
0xb3: {  	v9 =	vld [tilespmem:s25+$0x570];
	v6 =	vmul.f32 $2.550000000e+02, v6  }
0xb4: {  	v8 =	vmul.f32 $2.550000000e+02, v8;
	v7 =	vld [tilespmem:s24+$0xD00];
	[tilespmem:s24+$0x8950] =	vst v2  }
0xb5: {  	[tilespmem:s25+$0x8540] =	vst v1;
	v1 =	vld.idx.msk [tilespmem:v4+s5+$0x0], $0xffff;
	v4 =	vadd.f32 $8.388608000e+06, v6  }
0xb6: {  	v2 =	vmul.f32 $2.550000000e+02, v11;
	[tilespmem:s26+$0x8130] =	vst v3;
	v3 =	vld.idx.msk [tilespmem:v5+s5+$0x0], $0xffff;
	v5 =	vadd.f32 $8.388608000e+06, v8  }
0xb7: {  	v6 =	vld.idx.msk [tilespmem:v0+s5+$0x0], $0xffff;
	v4 =	vand.u32 $0xFF, v4  }
0xb8: {  	v10 =	vld [tilespmem:s26+$0x160];
	v2 =	vadd.f32 $8.388608000e+06, v2;
	v5 =	vand.u32 $0xFF, v5  }
0xb9: {  	v13 =	vld [tilespmem:s26+$0x500]  }
0xba: {  	v11 =	vld [tilespmem:s25+$0x900];
	v9 =	vmul.f32 $2.550000000e+02, v9;
	v2 =	vand.u32 $0xFF, v2;
	[tilespmem:s24+$0x8960] =	vst v1  }
0xbb: {  	v7 =	vmul.f32 $2.550000000e+02, v7;
	v8 =	vld [tilespmem:s24+$0xD10];
	[tilespmem:s25+$0x8550] =	vst v3  }
0xbc: {  	v3 =	vld.idx.msk [tilespmem:v4+s5+$0x0], $0xffff;
	[tilespmem:s26+$0x8140] =	vst v6;
	v6 =	vadd.f32 $8.388608000e+06, v9  }
0xbd: {  	v1 =	vmul.f32 $2.550000000e+02, v10;
	v4 =	vadd.f32 $8.388608000e+06, v7;
	v5 =	vld.idx.msk [tilespmem:v5+s5+$0x0], $0xffff  }
0xbe: {  	v0 =	vld [tilespmem:s24+$0xD70];
	v6 =	vand.u32 $0xFF, v6  }
0xbf: {  	v7 =	vadd.f32 $8.388608000e+06, v1;
	v2 =	vld.idx.msk [tilespmem:v2+s5+$0x0], $0xffff;
	v4 =	vand.u32 $0xFF, v4  }
0xc0: {  	v9 =	vld [tilespmem:s24+$0xD20]  }
0xc1: {  	v10 =	vld [tilespmem:s25+$0x910];
	v8 =	vmul.f32 $2.550000000e+02, v8;
	v7 =	vand.u32 $0xFF, v7  }
0xc2: {  	v11 =	vmul.f32 $2.550000000e+02, v11;
	v1 =	vld [tilespmem:s24+$0xD60];
	[tilespmem:s25+$0x8560] =	vst v5  }
0xc3: {  	[tilespmem:s24+$0x8970] =	vst v3;
	v3 =	vadd.f32 $8.388608000e+06, v8;
	v5 =	vld.idx.msk [tilespmem:v6+s5+$0x0], $0xffff;
	v6 =	vmul.f32 $2.550000000e+02, v12  }
0xc4: {  	[tilespmem:s26+$0x8150] =	vst v2;
	v2 =	vadd.f32 $8.388608000e+06, v11;
	v4 =	vld.idx.msk [tilespmem:v4+s5+$0x0], $0xffff  }
0xc5: {  	v14 =	vmul.f32 $2.550000000e+02, v9;
	v9 =	vld [tilespmem:s26+$0x510];
	v8 =	vand.u32 $0xFF, v3;
	v11 =	vadd.f32 $8.388608000e+06, v6  }
0xc6: {  	v7 =	vld.idx.msk [tilespmem:v7+s5+$0x0], $0xffff;
	v63 =	vand.u32 $0xFF, v2  }
0xc7: {  	v15 =	vmul.f32 $2.550000000e+02, v10;
	v3 =	vld [tilespmem:s24+$0xD30];
	v10 =	vand.u32 $0xFF, v11  }
0xc8: {  	v2 =	vld [tilespmem:s24+$0xD50]  }
0xc9: {  	v6 =	vld [tilespmem:s25+$0x920];
	[tilespmem:s24+$0x8D00] =	vst v4  }
0xca: {  	s28 =	sshll.u32 s23, $0xF;
	s29 =	simm.s32 $0x180;
	s2 =	simm.s32 $0x600;
	v11 =	vmul.f32 $2.550000000e+02, v13;
	[tilespmem:s25+$0x8570] =	vst v5;
	v5 =	vadd.f32 $8.388608000e+06, v14;
	v4 =	vld.idx.msk [tilespmem:v8+s5+$0x0], $0xffff  }
0xcb: {  	s30 =	simm.s32 $0x800;
	s31 =	sand.u32 $0x380, s29;
	s2 =	sand.u32 $0x3000, s2;
	[tilespmem:s26+$0x8160] =	vst v7;
	v7 =	vld.idx.msk [tilespmem:v63+s5+$0x0], $0xffff;
	v8 =	vadd.f32 $8.388608000e+06, v15  }
.LBB2_3:
0xcc: {  	p1 =	sne.s32 s30, $0x3E00;
	s31 =	sor.u32 s31, s2;
	v10 =	vld.idx.msk [tilespmem:v10+s5+$0x0], $0xffff;
	v11 =	vadd.f32 $8.388608000e+06, v11;
	v5 =	vand.u32 $0xFF, v5  }
0xcd: {  	v12 =	vld [tilespmem:s31+$0x100];
	v8 =	vand.u32 $0xFF, v8  }
0xce: {  	v11 =	vand.u32 $0xFF, v11;
	v13 =	vld [tilespmem:s24+$0xD40]  }
0xcf: {  	v3 =	vmul.f32 $2.550000000e+02, v3;
	v14 =	vld [tilespmem:s25+$0x930]  }
0xd0: {  	v6 =	vmul.f32 $2.550000000e+02, v6;
	v15 =	vld [tilespmem:s26+$0x520];
	[tilespmem:s24+$0x8D10] =	vst v4  }
0xd1: {  	v3 =	vadd.f32 $8.388608000e+06, v3;
	v4 =	vmul.f32 $2.550000000e+02, v9;
	[tilespmem:s25+$0x8900] =	vst v7;
	v5 =	vld.idx.msk [tilespmem:v5+s5+$0x0], $0xffff  }
0xd2: {  	v6 =	vadd.f32 $8.388608000e+06, v6;
	v7 =	vmul.f32 $2.550000000e+02, v12;
	[tilespmem:s26+$0x8170] =	vst v10;
	v8 =	vld.idx.msk [tilespmem:v8+s5+$0x0], $0xffff  }
0xd3: {  	v3 =	vand.u32 $0xFF, v3;
	v4 =	vadd.f32 $8.388608000e+06, v4;
	v9 =	vld.idx.msk [tilespmem:v11+s5+$0x0], $0xffff  }
0xd4: {  	v6 =	vand.u32 $0xFF, v6;
	v7 =	vadd.f32 $8.388608000e+06, v7;
	v10 =	vld [tilespmem:s31+$0x110]  }
0xd5: {  	v4 =	vand.u32 $0xFF, v4;
	v11 =	vld [tilespmem:s25+$0x940]  }
0xd6: {  	v13 =	vmul.f32 $2.550000000e+02, v13;
	v7 =	vand.u32 $0xFF, v7;
	v12 =	vld [tilespmem:s26+$0x530]  }
0xd7: {  	v14 =	vmul.f32 $2.550000000e+02, v14;
	v16 =	vld [tilespmem:s31+$0x120];
	[tilespmem:s24+$0x8D20] =	vst v5  }
0xd8: {  	v5 =	vmul.f32 $2.550000000e+02, v15;
	[tilespmem:s25+$0x8910] =	vst v8;
	v3 =	vld.idx.msk [tilespmem:v3+s5+$0x0], $0xffff;
	v8 =	vadd.f32 $8.388608000e+06, v13  }
0xd9: {  	v10 =	vmul.f32 $2.550000000e+02, v10;
	[tilespmem:s26+$0x8500] =	vst v9;
	v6 =	vld.idx.msk [tilespmem:v6+s5+$0x0], $0xffff;
	v9 =	vadd.f32 $8.388608000e+06, v14  }
0xda: {  	v5 =	vadd.f32 $8.388608000e+06, v5;
	v4 =	vld.idx.msk [tilespmem:v4+s5+$0x0], $0xffff;
	v8 =	vand.u32 $0xFF, v8  }
0xdb: {  	v7 =	vld.idx.msk [tilespmem:v7+s5+$0x0], $0xffff;
	v10 =	vadd.f32 $8.388608000e+06, v10;
	v9 =	vand.u32 $0xFF, v9  }
0xdc: {  	v5 =	vand.u32 $0xFF, v5;
	v13 =	vld [tilespmem:s25+$0x950]  }
0xdd: {  	v2 =	vmul.f32 $2.550000000e+02, v2;
	v10 =	vand.u32 $0xFF, v10;
	v14 =	vld [tilespmem:s26+$0x540]  }
0xde: {  	v11 =	vmul.f32 $2.550000000e+02, v11;
	v15 =	vld [tilespmem:s31+$0x130];
	[tilespmem:s24+$0x8D30] =	vst v3  }
0xdf: {  	v2 =	vadd.f32 $8.388608000e+06, v2;
	v3 =	vmul.f32 $2.550000000e+02, v12;
	[tilespmem:s25+$0x8920] =	vst v6;
	v6 =	vld.idx.msk [tilespmem:v8+s5+$0x0], $0xffff  }
0xe0: {  	v8 =	vmul.f32 $2.550000000e+02, v16;
	[tilespmem:s26+$0x8510] =	vst v4;
	v4 =	vld.idx.msk [tilespmem:v9+s5+$0x0], $0xffff;
	v9 =	vadd.f32 $8.388608000e+06, v11  }
0xe1: {  	v2 =	vand.u32 $0xFF, v2;
	v3 =	vadd.f32 $8.388608000e+06, v3;
	[tilespmem:s31+$0x8100] =	vst v7;
	v5 =	vld.idx.msk [tilespmem:v5+s5+$0x0], $0xffff  }
0xe2: {  	v8 =	vadd.f32 $8.388608000e+06, v8;
	v7 =	vld.idx.msk [tilespmem:v10+s5+$0x0], $0xffff;
	v9 =	vand.u32 $0xFF, v9  }
0xe3: {  	v3 =	vand.u32 $0xFF, v3;
	v10 =	vld [tilespmem:s25+$0x960]  }
0xe4: {  	v1 =	vmul.f32 $2.550000000e+02, v1;
	v8 =	vand.u32 $0xFF, v8;
	v11 =	vld [tilespmem:s26+$0x550]  }
0xe5: {  	v13 =	vmul.f32 $2.550000000e+02, v13;
	v12 =	vld [tilespmem:s31+$0x140];
	[tilespmem:s24+$0x8D40] =	vst v6  }
0xe6: {  	v1 =	vadd.f32 $8.388608000e+06, v1;
	v6 =	vmul.f32 $2.550000000e+02, v14;
	[tilespmem:s25+$0x8930] =	vst v4;
	v2 =	vld.idx.msk [tilespmem:v2+s5+$0x0], $0xffff  }
0xe7: {  	v4 =	vmul.f32 $2.550000000e+02, v15;
	[tilespmem:s26+$0x8520] =	vst v5;
	v5 =	vld.idx.msk [tilespmem:v9+s5+$0x0], $0xffff;
	v9 =	vadd.f32 $8.388608000e+06, v13  }
0xe8: {  	v1 =	vand.u32 $0xFF, v1;
	v6 =	vadd.f32 $8.388608000e+06, v6;
	[tilespmem:s31+$0x8110] =	vst v7;
	v3 =	vld.idx.msk [tilespmem:v3+s5+$0x0], $0xffff  }
0xe9: {  	v4 =	vadd.f32 $8.388608000e+06, v4;
	v7 =	vld.idx.msk [tilespmem:v8+s5+$0x0], $0xffff;
	v8 =	vand.u32 $0xFF, v9  }
0xea: {  	v6 =	vand.u32 $0xFF, v6;
	v9 =	vld [tilespmem:s25+$0x970]  }
0xeb: {  	v0 =	vmul.f32 $2.550000000e+02, v0;
	v4 =	vand.u32 $0xFF, v4;
	v13 =	vld [tilespmem:s26+$0x560]  }
0xec: {  	v10 =	vmul.f32 $2.550000000e+02, v10;
	v14 =	vld [tilespmem:s31+$0x150];
	[tilespmem:s24+$0x8D50] =	vst v2  }
0xed: {  	v0 =	vadd.f32 $8.388608000e+06, v0;
	v2 =	vmul.f32 $2.550000000e+02, v11;
	[tilespmem:s25+$0x8940] =	vst v5;
	v1 =	vld.idx.msk [tilespmem:v1+s5+$0x0], $0xffff  }
0xee: {  	v5 =	vmul.f32 $2.550000000e+02, v12;
	[tilespmem:s26+$0x8530] =	vst v3;
	v3 =	vld.idx.msk [tilespmem:v8+s5+$0x0], $0xffff;
	v8 =	vadd.f32 $8.388608000e+06, v10  }
0xef: {  	v0 =	vand.u32 $0xFF, v0;
	v2 =	vadd.f32 $8.388608000e+06, v2;
	[tilespmem:s31+$0x8120] =	vst v7;
	v6 =	vld.idx.msk [tilespmem:v6+s5+$0x0], $0xffff  }
0xf0: {  	v5 =	vadd.f32 $8.388608000e+06, v5;
	v4 =	vld.idx.msk [tilespmem:v4+s5+$0x0], $0xffff;
	v7 =	vand.u32 $0xFF, v8  }
0xf1: {  	v2 =	vand.u32 $0xFF, v2;
	v8 =	vld [tilespmem:s25+$0xD00]  }
0xf2: {  	v5 =	vand.u32 $0xFF, v5;
	v10 =	vld [tilespmem:s26+$0x570]  }
0xf3: {  	v9 =	vmul.f32 $2.550000000e+02, v9;
	v11 =	vld [tilespmem:s31+$0x160];
	[tilespmem:s24+$0x8D60] =	vst v1  }
0xf4: {  	v1 =	vmul.f32 $2.550000000e+02, v13;
	[tilespmem:s25+$0x8950] =	vst v3;
	v3 =	vld.idx.msk [tilespmem:v0+s5+$0x0], $0xffff  }
0xf5: {  	v0 =	vmul.f32 $2.550000000e+02, v14;
	[tilespmem:s26+$0x8540] =	vst v6;
	v6 =	vld.idx.msk [tilespmem:v7+s5+$0x0], $0xffff;
	v7 =	vadd.f32 $8.388608000e+06, v9  }
0xf6: {  	v1 =	vadd.f32 $8.388608000e+06, v1;
	[tilespmem:s31+$0x8130] =	vst v4;
	v2 =	vld.idx.msk [tilespmem:v2+s5+$0x0], $0xffff  }
0xf7: {  	v4 =	vld.idx.msk [tilespmem:v5+s5+$0x0], $0xffff;
	v5 =	vadd.f32 $8.388608000e+06, v0;
	v7 =	vand.u32 $0xFF, v7  }
0xf8: {  	v1 =	vand.u32 $0xFF, v1;
	v0 =	vld [tilespmem:s25+$0xD70]  }
0xf9: {  	v5 =	vand.u32 $0xFF, v5;
	v9 =	vld [tilespmem:s25+$0xD10]  }
0xfa: {  	v8 =	vmul.f32 $2.550000000e+02, v8;
	v12 =	vld [tilespmem:s26+$0x900];
	[tilespmem:s24+$0x8D70] =	vst v3;
	s24 =	smov.u32 s25;
	s25 =	smov.u32 s26;
	s26 =	smov.u32 s31  }
0xfb: {  	v10 =	vmul.f32 $2.550000000e+02, v10;
	v3 =	vld [tilespmem:s26+$0x170];
	[tilespmem:s24+$0x8960] =	vst v6  }
0xfc: {  	v6 =	vmul.f32 $2.550000000e+02, v11;
	[tilespmem:s25+$0x8550] =	vst v2;
	v2 =	vld.idx.msk [tilespmem:v7+s5+$0x0], $0xffff;
	v7 =	vadd.f32 $8.388608000e+06, v8  }
0xfd: {  	[tilespmem:s26+$0x8140] =	vst v4;
	v4 =	vld.idx.msk [tilespmem:v1+s5+$0x0], $0xffff;
	v1 =	vadd.f32 $8.388608000e+06, v10  }
0xfe: {  	v6 =	vadd.f32 $8.388608000e+06, v6;
	v5 =	vld.idx.msk [tilespmem:v5+s5+$0x0], $0xffff;
	v7 =	vand.u32 $0xFF, v7  }
0xff: {  	v8 =	vand.u32 $0xFF, v1;
	v1 =	vld [tilespmem:s24+$0xD60]  }
0x100: {  	v6 =	vand.u32 $0xFF, v6;
	v11 =	vld [tilespmem:s24+$0xD20]  }
0x101: {  	v9 =	vmul.f32 $2.550000000e+02, v9;
	v13 =	vld [tilespmem:s25+$0x910]  }
0x102: {  	v10 =	vmul.f32 $2.550000000e+02, v12;
	v14 =	vld [tilespmem:s26+$0x500];
	[tilespmem:s24+$0x8970] =	vst v2  }
0x103: {  	v2 =	vmul.f32 $2.550000000e+02, v3;
	v3 =	vadd.f32 $8.388608000e+06, v9;
	[tilespmem:s25+$0x8560] =	vst v4;
	v4 =	vld.idx.msk [tilespmem:v7+s5+$0x0], $0xffff  }
0x104: {  	v7 =	vadd.f32 $8.388608000e+06, v10;
	[tilespmem:s26+$0x8150] =	vst v5;
	v5 =	vld.idx.msk [tilespmem:v8+s5+$0x0], $0xffff  }
0x105: {  	v12 =	vand.u32 $0xFF, v3;
	v8 =	vld.idx.msk [tilespmem:v6+s5+$0x0], $0xffff;
	v6 =	vadd.f32 $8.388608000e+06, v2  }
0x106: {  	v7 =	vand.u32 $0xFF, v7;
	v2 =	vld [tilespmem:s24+$0xD50]  }
.Ltmp2:
0x107: {  	v10 =	vand.u32 $0xFF, v6;
	v3 =	vld [tilespmem:s24+$0xD30];
	(pc) =	sbr.rel @p1 .LBB2_3-.Ltmp2, $4  }
0x108: {  	v15 =	vmul.f32 $2.550000000e+02, v11;
	v6 =	vld [tilespmem:s25+$0x920]  }
0x109: {  	v13 =	vmul.f32 $2.550000000e+02, v13;
	v9 =	vld [tilespmem:s26+$0x510];
	[tilespmem:s24+$0x8D00] =	vst v4  }
0x10a: {  	s29 =	sadd.s32 $0x80, s29;
	v11 =	vmul.f32 $2.550000000e+02, v14;
	[tilespmem:s25+$0x8570] =	vst v5;
	v4 =	vld.idx.msk [tilespmem:v12+s5+$0x0], $0xffff;
	v5 =	vadd.f32 $8.388608000e+06, v15  }
0x10b: {  	s2 =	sand.u32 $0x3000, s30;
	s30 =	sadd.s32 $0x200, s30;
	s31 =	sand.u32 $0x380, s29;
	[tilespmem:s26+$0x8160] =	vst v8;
	v7 =	vld.idx.msk [tilespmem:v7+s5+$0x0], $0xffff;
	v8 =	vadd.f32 $8.388608000e+06, v13  }
0x10c: {  	s29 =	sor.u32 s31, s2  }
0x10d: {  	v12 =	vld [tilespmem:s29+$0x100];
	_ =	sdelay $0x4  }
0x10e: {  	v12 =	vmul.f32 $2.550000000e+02, v12  }
0x10f: {  	v13 =	vld [tilespmem:s29+$0x110]  }
0x110: {  	v12 =	vadd.f32 $8.388608000e+06, v12;
	_ =	sdelay $0x1  }
0x111: {  	v12 =	vand.u32 $0xFF, v12;
	_ =	sdelay $0x1  }
0x112: {  	v13 =	vmul.f32 $2.550000000e+02, v13  }
0x113: {  	v14 =	vld [tilespmem:s29+$0x120]  }
0x114: {  	v13 =	vadd.f32 $8.388608000e+06, v13  }
0x115: {  	v12 =	vld.idx.msk [tilespmem:v12+s5+$0x0], $0xffff  }
0x116: {  	v13 =	vand.u32 $0xFF, v13;
	_ =	sdelay $0x1  }
0x117: {  	v14 =	vmul.f32 $2.550000000e+02, v14  }
0x118: {  	v15 =	vld [tilespmem:s29+$0x130]  }
0x119: {  	v52 =	vadd.f32 $8.388608000e+06, v14;
	[tilespmem:s29+$0x8100] =	vst v12  }
0x11a: {  	v13 =	vld.idx.msk [tilespmem:v13+s5+$0x0], $0xffff  }
0x11b: {  	v12 =	vand.u32 $0xFF, v52;
	_ =	sdelay $0x1  }
0x11c: {  	v53 =	vmul.f32 $2.550000000e+02, v15  }
0x11d: {  	v54 =	vld [tilespmem:s29+$0x140]  }
0x11e: {  	v55 =	vadd.f32 $8.388608000e+06, v53;
	[tilespmem:s29+$0x8110] =	vst v13  }
0x11f: {  	v12 =	vld.idx.msk [tilespmem:v12+s5+$0x0], $0xffff  }
0x120: {  	v13 =	vand.u32 $0xFF, v55;
	_ =	sdelay $0x1  }
0x121: {  	v56 =	vmul.f32 $2.550000000e+02, v54  }
0x122: {  	v57 =	vld [tilespmem:s29+$0x150]  }
0x123: {  	v58 =	vadd.f32 $8.388608000e+06, v56;
	[tilespmem:s29+$0x8120] =	vst v12  }
0x124: {  	v13 =	vld.idx.msk [tilespmem:v13+s5+$0x0], $0xffff  }
0x125: {  	v12 =	vand.u32 $0xFF, v58;
	_ =	sdelay $0x1  }
0x126: {  	v59 =	vmul.f32 $2.550000000e+02, v57  }
0x127: {  	v60 =	vld [tilespmem:s29+$0x160]  }
0x128: {  	v61 =	vadd.f32 $8.388608000e+06, v59;
	[tilespmem:s29+$0x8130] =	vst v13  }
0x129: {  	v12 =	vld.idx.msk [tilespmem:v12+s5+$0x0], $0xffff  }
0x12a: {  	v13 =	vand.u32 $0xFF, v61;
	_ =	sdelay $0x1  }
0x12b: {  	v62 =	vmul.f32 $2.550000000e+02, v60  }
0x12c: {  	v63 =	vld [tilespmem:s29+$0x170]  }
0x12d: {  	v17 =	vadd.f32 $8.388608000e+06, v62;
	[tilespmem:s29+$0x8140] =	vst v12  }
0x12e: {  	v13 =	vld.idx.msk [tilespmem:v13+s5+$0x0], $0xffff  }
0x12f: {  	v12 =	vand.u32 $0xFF, v17;
	_ =	sdelay $0x1  }
0x130: {  	v18 =	vmul.f32 $2.550000000e+02, v63  }
0x131: {  	v19 =	vld [tilespmem:s29+$0x500]  }
0x132: {  	v20 =	vadd.f32 $8.388608000e+06, v18;
	[tilespmem:s29+$0x8150] =	vst v13  }
0x133: {  	v12 =	vld.idx.msk [tilespmem:v12+s5+$0x0], $0xffff  }
0x134: {  	v13 =	vand.u32 $0xFF, v20;
	_ =	sdelay $0x1  }
0x135: {  	v21 =	vmul.f32 $2.550000000e+02, v19  }
0x136: {  	v11 =	vadd.f32 $8.388608000e+06, v11;
	v22 =	vld [tilespmem:s29+$0x510]  }
0x137: {  	v10 =	vld.idx.msk [tilespmem:v10+s5+$0x0], $0xffff;
	v23 =	vadd.f32 $8.388608000e+06, v21;
	[tilespmem:s29+$0x8160] =	vst v12  }
0x138: {  	v11 =	vand.u32 $0xFF, v11;
	v13 =	vld.idx.msk [tilespmem:v13+s5+$0x0], $0xffff  }
0x139: {  	v12 =	vand.u32 $0xFF, v23  }
0x13a: {  	v9 =	vmul.f32 $2.550000000e+02, v9  }
0x13b: {  	v24 =	vld [tilespmem:s26+$0x520];
	v15 =	vmul.f32 $2.550000000e+02, v22  }
0x13c: {  	v9 =	vadd.f32 $8.388608000e+06, v9;
	[tilespmem:s26+$0x8170] =	vst v10;
	v10 =	vld [tilespmem:s29+$0x520]  }
0x13d: {  	v11 =	vld.idx.msk [tilespmem:v11+s5+$0x0], $0xffff;
	v25 =	vadd.f32 $8.388608000e+06, v15;
	[tilespmem:s29+$0x8170] =	vst v13  }
0x13e: {  	v9 =	vand.u32 $0xFF, v9;
	v12 =	vld.idx.msk [tilespmem:v12+s5+$0x0], $0xffff  }
0x13f: {  	v13 =	vand.u32 $0xFF, v25  }
0x140: {  	v14 =	vmul.f32 $2.550000000e+02, v24  }
0x141: {  	v26 =	vld [tilespmem:s26+$0x530];
	v10 =	vmul.f32 $2.550000000e+02, v10  }
0x142: {  	v27 =	vld [tilespmem:s29+$0x530];
	[tilespmem:s26+$0x8500] =	vst v11;
	v11 =	vadd.f32 $8.388608000e+06, v14  }
0x143: {  	v10 =	vadd.f32 $8.388608000e+06, v10;
	v9 =	vld.idx.msk [tilespmem:v9+s5+$0x0], $0xffff;
	[tilespmem:s29+$0x8500] =	vst v12  }
0x144: {  	v11 =	vand.u32 $0xFF, v11;
	v12 =	vld.idx.msk [tilespmem:v13+s5+$0x0], $0xffff  }
0x145: {  	v10 =	vand.u32 $0xFF, v10  }
0x146: {  	v28 =	vmul.f32 $2.550000000e+02, v26  }
0x147: {  	v29 =	vld [tilespmem:s26+$0x540];
	v14 =	vmul.f32 $2.550000000e+02, v27  }
0x148: {  	v30 =	vld [tilespmem:s29+$0x540];
	[tilespmem:s26+$0x8510] =	vst v9;
	v9 =	vadd.f32 $8.388608000e+06, v28  }
0x149: {  	v31 =	vadd.f32 $8.388608000e+06, v14;
	v11 =	vld.idx.msk [tilespmem:v11+s5+$0x0], $0xffff;
	[tilespmem:s29+$0x8510] =	vst v12  }
0x14a: {  	v9 =	vand.u32 $0xFF, v9;
	v10 =	vld.idx.msk [tilespmem:v10+s5+$0x0], $0xffff  }
0x14b: {  	v12 =	vand.u32 $0xFF, v31  }
0x14c: {  	v32 =	vmul.f32 $2.550000000e+02, v29  }
0x14d: {  	v33 =	vld [tilespmem:s26+$0x550];
	v13 =	vmul.f32 $2.550000000e+02, v30  }
0x14e: {  	v34 =	vld [tilespmem:s29+$0x550];
	[tilespmem:s26+$0x8520] =	vst v11;
	v11 =	vadd.f32 $8.388608000e+06, v32  }
0x14f: {  	v9 =	vld.idx.msk [tilespmem:v9+s5+$0x0], $0xffff;
	[tilespmem:s29+$0x8520] =	vst v10;
	v10 =	vadd.f32 $8.388608000e+06, v13  }
0x150: {  	v11 =	vand.u32 $0xFF, v11;
	v12 =	vld.idx.msk [tilespmem:v12+s5+$0x0], $0xffff  }
0x151: {  	v10 =	vand.u32 $0xFF, v10  }
0x152: {  	v35 =	vld [tilespmem:s25+$0x930];
	v8 =	vand.u32 $0xFF, v8;
	v15 =	vmul.f32 $2.550000000e+02, v33  }
0x153: {  	v16 =	vld [tilespmem:s26+$0x560];
	v14 =	vmul.f32 $2.550000000e+02, v34  }
0x154: {  	v6 =	vmul.f32 $2.550000000e+02, v6;
	v36 =	vld [tilespmem:s29+$0x560];
	[tilespmem:s26+$0x8530] =	vst v9;
	v9 =	vadd.f32 $8.388608000e+06, v15  }
0x155: {  	v37 =	vadd.f32 $8.388608000e+06, v14;
	v11 =	vld.idx.msk [tilespmem:v11+s5+$0x0], $0xffff;
	[tilespmem:s29+$0x8530] =	vst v12  }
0x156: {  	v6 =	vadd.f32 $8.388608000e+06, v6;
	[tilespmem:s25+$0x8900] =	vst v7;
	v7 =	vand.u32 $0xFF, v9;
	v9 =	vld.idx.msk [tilespmem:v10+s5+$0x0], $0xffff  }
0x157: {  	v8 =	vld.idx.msk [tilespmem:v8+s5+$0x0], $0xffff;
	v10 =	vand.u32 $0xFF, v37  }
0x158: {  	v38 =	vld [tilespmem:s25+$0x940];
	v6 =	vand.u32 $0xFF, v6;
	v39 =	vmul.f32 $2.550000000e+02, v16  }
0x159: {  	v40 =	vld [tilespmem:s26+$0x570];
	v15 =	vmul.f32 $2.550000000e+02, v36  }
0x15a: {  	v41 =	vld [tilespmem:s29+$0x570];
	[tilespmem:s26+$0x8540] =	vst v11;
	v11 =	vadd.f32 $8.388608000e+06, v39;
	v13 =	vmul.f32 $2.550000000e+02, v35  }
0x15b: {  	v7 =	vld.idx.msk [tilespmem:v7+s5+$0x0], $0xffff;
	[tilespmem:s29+$0x8540] =	vst v9;
	v9 =	vadd.f32 $8.388608000e+06, v15  }
0x15c: {  	[tilespmem:s25+$0x8910] =	vst v8;
	v11 =	vand.u32 $0xFF, v11;
	v8 =	vadd.f32 $8.388608000e+06, v13;
	v10 =	vld.idx.msk [tilespmem:v10+s5+$0x0], $0xffff  }
0x15d: {  	v6 =	vld.idx.msk [tilespmem:v6+s5+$0x0], $0xffff;
	v9 =	vand.u32 $0xFF, v9  }
0x15e: {  	v42 =	vld [tilespmem:s25+$0x950];
	v43 =	vmul.f32 $2.550000000e+02, v40;
	v8 =	vand.u32 $0xFF, v8  }
0x15f: {  	v44 =	vld [tilespmem:s26+$0x900];
	v14 =	vmul.f32 $2.550000000e+02, v41  }
0x160: {  	v45 =	vld [tilespmem:s29+$0x900];
	[tilespmem:s26+$0x8550] =	vst v7;
	v7 =	vadd.f32 $8.388608000e+06, v43;
	v12 =	vmul.f32 $2.550000000e+02, v38  }
0x161: {  	v11 =	vld.idx.msk [tilespmem:v11+s5+$0x0], $0xffff;
	[tilespmem:s29+$0x8550] =	vst v10;
	v10 =	vadd.f32 $8.388608000e+06, v14  }
0x162: {  	[tilespmem:s25+$0x8920] =	vst v6;
	v7 =	vand.u32 $0xFF, v7;
	v6 =	vadd.f32 $8.388608000e+06, v12;
	v9 =	vld.idx.msk [tilespmem:v9+s5+$0x0], $0xffff  }
0x163: {  	v8 =	vld.idx.msk [tilespmem:v8+s5+$0x0], $0xffff;
	v10 =	vand.u32 $0xFF, v10  }
0x164: {  	v46 =	vld [tilespmem:s25+$0x960];
	v47 =	vmul.f32 $2.550000000e+02, v44;
	v6 =	vand.u32 $0xFF, v6  }
0x165: {  	v48 =	vld [tilespmem:s26+$0x910];
	v15 =	vmul.f32 $2.550000000e+02, v45  }
0x166: {  	v49 =	vld [tilespmem:s29+$0x910];
	[tilespmem:s26+$0x8560] =	vst v11;
	v11 =	vadd.f32 $8.388608000e+06, v47  }
0x167: {  	v7 =	vld.idx.msk [tilespmem:v7+s5+$0x0], $0xffff;
	v13 =	vmul.f32 $2.550000000e+02, v42;
	[tilespmem:s29+$0x8560] =	vst v9;
	v9 =	vadd.f32 $8.388608000e+06, v15  }
0x168: {  	v11 =	vand.u32 $0xFF, v11;
	[tilespmem:s25+$0x8930] =	vst v8;
	v10 =	vld.idx.msk [tilespmem:v10+s5+$0x0], $0xffff  }
0x169: {  	v8 =	vadd.f32 $8.388608000e+06, v13;
	v6 =	vld.idx.msk [tilespmem:v6+s5+$0x0], $0xffff;
	v9 =	vand.u32 $0xFF, v9  }
0x16a: {  	v51 =	vmul.f32 $2.550000000e+02, v48  }
0x16b: {  	v52 =	vld [tilespmem:s26+$0x920];
	v8 =	vand.u32 $0xFF, v8;
	v14 =	vmul.f32 $2.550000000e+02, v49  }
0x16c: {  	v53 =	vld [tilespmem:s29+$0x920];
	[tilespmem:s26+$0x8570] =	vst v7;
	v7 =	vadd.f32 $8.388608000e+06, v51  }
0x16d: {  	v11 =	vld.idx.msk [tilespmem:v11+s5+$0x0], $0xffff;
	v12 =	vmul.f32 $2.550000000e+02, v46;
	[tilespmem:s29+$0x8570] =	vst v10;
	v10 =	vadd.f32 $8.388608000e+06, v14  }
0x16e: {  	[tilespmem:s25+$0x8940] =	vst v6;
	v6 =	vand.u32 $0xFF, v7;
	v7 =	vld.idx.msk [tilespmem:v9+s5+$0x0], $0xffff  }
0x16f: {  	v9 =	vadd.f32 $8.388608000e+06, v12;
	v10 =	vand.u32 $0xFF, v10  }
0x170: {  	v55 =	vmul.f32 $2.550000000e+02, v52;
	v8 =	vld.idx.msk [tilespmem:v8+s5+$0x0], $0xffff  }
0x171: {  	v56 =	vld [tilespmem:s26+$0x930];
	v15 =	vmul.f32 $2.550000000e+02, v53;
	v9 =	vand.u32 $0xFF, v9  }
0x172: {  	v57 =	vld [tilespmem:s29+$0x930];
	[tilespmem:s26+$0x8900] =	vst v11;
	v11 =	vadd.f32 $8.388608000e+06, v55  }
0x173: {  	v6 =	vld.idx.msk [tilespmem:v6+s5+$0x0], $0xffff;
	[tilespmem:s29+$0x8900] =	vst v7;
	v7 =	vadd.f32 $8.388608000e+06, v15  }
0x174: {  	v11 =	vand.u32 $0xFF, v11;
	v10 =	vld.idx.msk [tilespmem:v10+s5+$0x0], $0xffff  }
0x175: {  	v50 =	vld [tilespmem:s25+$0x970];
	[tilespmem:s25+$0x8950] =	vst v8;
	v7 =	vand.u32 $0xFF, v7  }
0x176: {  	v8 =	vld.idx.msk [tilespmem:v9+s5+$0x0], $0xffff;
	v9 =	vmul.f32 $2.550000000e+02, v56  }
0x177: {  	v58 =	vld [tilespmem:s26+$0x940];
	v14 =	vmul.f32 $2.550000000e+02, v57  }
0x178: {  	[tilespmem:s26+$0x8910] =	vst v6;
	v6 =	vadd.f32 $8.388608000e+06, v9;
	v9 =	vld [tilespmem:s29+$0x940]  }
0x179: {  	v11 =	vld.idx.msk [tilespmem:v11+s5+$0x0], $0xffff;
	[tilespmem:s29+$0x8910] =	vst v10;
	v10 =	vadd.f32 $8.388608000e+06, v14  }
0x17a: {  	v59 =	vand.u32 $0xFF, v6;
	v7 =	vld.idx.msk [tilespmem:v7+s5+$0x0], $0xffff  }
0x17b: {  	v13 =	vmul.f32 $2.550000000e+02, v50;
	v10 =	vand.u32 $0xFF, v10  }
0x17c: {  	v15 =	vmul.f32 $2.550000000e+02, v58  }
0x17d: {  	v17 =	vld [tilespmem:s26+$0x950];
	v13 =	vadd.f32 $8.388608000e+06, v13;
	v9 =	vmul.f32 $2.550000000e+02, v9  }
0x17e: {  	v61 =	vld [tilespmem:s29+$0x950];
	[tilespmem:s26+$0x8920] =	vst v11;
	v11 =	vadd.f32 $8.388608000e+06, v15  }
0x17f: {  	v13 =	vand.u32 $0xFF, v13;
	v14 =	vld.idx.msk [tilespmem:v59+s5+$0x0], $0xffff;
	[tilespmem:s29+$0x8920] =	vst v7;
	v7 =	vadd.f32 $8.388608000e+06, v9  }
0x180: {  	v9 =	vand.u32 $0xFF, v11;
	v10 =	vld.idx.msk [tilespmem:v10+s5+$0x0], $0xffff  }
0x181: {  	v54 =	vld [tilespmem:s25+$0xD00];
	v7 =	vand.u32 $0xFF, v7  }
0x182: {  	v63 =	vld [tilespmem:s26+$0x960];
	v62 =	vmul.f32 $2.550000000e+02, v17  }
0x183: {  	v5 =	vand.u32 $0xFF, v5;
	v21 =	vld [tilespmem:s29+$0x960];
	v15 =	vmul.f32 $2.550000000e+02, v61;
	[tilespmem:s25+$0x8960] =	vst v8  }
0x184: {  	v8 =	vld.idx.msk [tilespmem:v13+s5+$0x0], $0xffff;
	v13 =	vadd.f32 $8.388608000e+06, v62;
	[tilespmem:s26+$0x8930] =	vst v14  }
0x185: {  	v9 =	vld.idx.msk [tilespmem:v9+s5+$0x0], $0xffff;
	[tilespmem:s29+$0x8930] =	vst v10;
	v10 =	vadd.f32 $8.388608000e+06, v15  }
0x186: {  	v13 =	vand.u32 $0xFF, v13;
	v22 =	vld.idx.msk [tilespmem:v7+s5+$0x0], $0xffff  }
0x187: {  	[tilespmem:s24+$0x8D10] =	vst v4;
	v40 =	vld [tilespmem:s25+$0xD40];
	v12 =	vmul.f32 $2.550000000e+02, v54;
	v10 =	vand.u32 $0xFF, v10  }
0x188: {  	v5 =	vld.idx.msk [tilespmem:v5+s5+$0x0], $0xffff;
	v17 =	vmul.f32 $2.550000000e+02, v63  }
0x189: {  	v19 =	vld [tilespmem:s26+$0x970];
	v12 =	vadd.f32 $8.388608000e+06, v12;
	v14 =	vmul.f32 $2.550000000e+02, v21  }
0x18a: {  	v23 =	vld [tilespmem:s29+$0x970];
	[tilespmem:s26+$0x8940] =	vst v9;
	v9 =	vadd.f32 $8.388608000e+06, v17  }
0x18b: {  	v3 =	vmul.f32 $2.550000000e+02, v3;
	v12 =	vand.u32 $0xFF, v12;
	v14 =	vadd.f32 $8.388608000e+06, v14;
	v13 =	vld.idx.msk [tilespmem:v13+s5+$0x0], $0xffff;
	[tilespmem:s29+$0x8940] =	vst v22  }
0x18c: {  	[tilespmem:s25+$0x8970] =	vst v8;
	v8 =	vand.u32 $0xFF, v9;
	v9 =	vld.idx.msk [tilespmem:v10+s5+$0x0], $0xffff  }
0x18d: {  	v3 =	vadd.f32 $8.388608000e+06, v3;
	v60 =	vld [tilespmem:s25+$0xD10];
	v24 =	vand.u32 $0xFF, v14  }
0x18e: {  	v26 =	vmul.f32 $2.550000000e+02, v19;
	v27 =	vld [tilespmem:s26+$0xD00]  }
0x18f: {  	v3 =	vand.u32 $0xFF, v3;
	v29 =	vld [tilespmem:s29+$0xD00];
	v17 =	vmul.f32 $2.550000000e+02, v23  }
0x190: {  	v28 =	vadd.f32 $8.388608000e+06, v26;
	v10 =	vld.idx.msk [tilespmem:v12+s5+$0x0], $0xffff;
	[tilespmem:s26+$0x8950] =	vst v13  }
0x191: {  	v20 =	vld.idx.msk [tilespmem:v8+s5+$0x0], $0xffff;
	v8 =	vadd.f32 $8.388608000e+06, v17;
	[tilespmem:s29+$0x8950] =	vst v9  }
0x192: {  	v13 =	vand.u32 $0xFF, v28;
	v12 =	vld.idx.msk [tilespmem:v24+s5+$0x0], $0xffff  }
0x193: {  	v18 =	vld [tilespmem:s25+$0xD20];
	[tilespmem:s24+$0x8D20] =	vst v5;
	v17 =	vand.u32 $0xFF, v8  }
0x194: {  	v3 =	vld.idx.msk [tilespmem:v3+s5+$0x0], $0xffff;
	v19 =	vmul.f32 $2.550000000e+02, v27  }
0x195: {  	v21 =	vld [tilespmem:s26+$0xD10];
	v15 =	vmul.f32 $2.550000000e+02, v29  }
0x196: {  	v19 =	vadd.f32 $8.388608000e+06, v19;
	v31 =	vld [tilespmem:s29+$0xD10];
	[tilespmem:s26+$0x8960] =	vst v20  }
0x197: {  	v16 =	vmul.f32 $2.550000000e+02, v60;
	v32 =	vadd.f32 $8.388608000e+06, v15;
	v13 =	vld.idx.msk [tilespmem:v13+s5+$0x0], $0xffff;
	[tilespmem:s29+$0x8960] =	vst v12  }
0x198: {  	[tilespmem:s25+$0x8D00] =	vst v10;
	v10 =	vand.u32 $0xFF, v19;
	v33 =	vld.idx.msk [tilespmem:v17+s5+$0x0], $0xffff  }
0x199: {  	v34 =	vld [tilespmem:s26+$0xD60];
	v9 =	vadd.f32 $8.388608000e+06, v16;
	v12 =	vand.u32 $0xFF, v32  }
0x19a: {  	v36 =	vld [tilespmem:s26+$0xD20];
	v35 =	vmul.f32 $2.550000000e+02, v21  }
0x19b: {  	v41 =	vld [tilespmem:s29+$0xD30];
	v9 =	vand.u32 $0xFF, v9;
	v20 =	vmul.f32 $2.550000000e+02, v31  }
0x19c: {  	v38 =	vld [tilespmem:s29+$0xD20];
	v37 =	vadd.f32 $8.388608000e+06, v35;
	[tilespmem:s26+$0x8970] =	vst v13  }
0x19d: {  	v39 =	vadd.f32 $8.388608000e+06, v20;
	v10 =	vld.idx.msk [tilespmem:v10+s5+$0x0], $0xffff;
	[tilespmem:s29+$0x8970] =	vst v33  }
0x19e: {  	v18 =	vmul.f32 $2.550000000e+02, v18;
	v13 =	vand.u32 $0xFF, v37;
	v12 =	vld.idx.msk [tilespmem:v12+s5+$0x0], $0xffff  }
0x19f: {  	v30 =	vld [tilespmem:s25+$0xD30];
	v15 =	vand.u32 $0xFF, v39  }
0x1a0: {  	v18 =	vadd.f32 $8.388608000e+06, v18;
	v21 =	vmul.f32 $2.550000000e+02, v36;
	v9 =	vld.idx.msk [tilespmem:v9+s5+$0x0], $0xffff  }
0x1a1: {  	v23 =	vld [tilespmem:s26+$0xD30];
	v19 =	vmul.f32 $2.550000000e+02, v38  }
0x1a2: {  	v18 =	vand.u32 $0xFF, v18;
	v11 =	vld [tilespmem:s24+$0xD40];
	[tilespmem:s26+$0x8D00] =	vst v10;
	v10 =	vadd.f32 $8.388608000e+06, v21  }
0x1a3: {  	v43 =	vadd.f32 $8.388608000e+06, v19;
	v42 =	vld.idx.msk [tilespmem:v13+s5+$0x0], $0xffff;
	[tilespmem:s29+$0x8D00] =	vst v12  }
0x1a4: {  	v4 =	vmul.f32 $2.550000000e+02, v30;
	v10 =	vand.u32 $0xFF, v10;
	v15 =	vld.idx.msk [tilespmem:v15+s5+$0x0], $0xffff  }
0x1a5: {  	v25 =	vld [tilespmem:s25+$0xD50];
	[tilespmem:s25+$0x8D10] =	vst v9;
	v9 =	vand.u32 $0xFF, v43  }
0x1a6: {  	v4 =	vadd.f32 $8.388608000e+06, v4;
	v46 =	vld [tilespmem:s26+$0xD40];
	v45 =	vmul.f32 $2.550000000e+02, v23  }
0x1a7: {  	v47 =	vmul.f32 $2.550000000e+02, v41;
	v44 =	vld.idx.msk [tilespmem:v18+s5+$0x0], $0xffff  }
0x1a8: {  	v4 =	vand.u32 $0xFF, v4;
	v49 =	vld [tilespmem:s29+$0xD40];
	v48 =	vadd.f32 $8.388608000e+06, v45;
	[tilespmem:s26+$0x8D10] =	vst v42  }
0x1a9: {  	v50 =	vadd.f32 $8.388608000e+06, v47;
	v11 =	vmul.f32 $2.550000000e+02, v11;
	v10 =	vld.idx.msk [tilespmem:v10+s5+$0x0], $0xffff;
	[tilespmem:s29+$0x8D10] =	vst v15  }
0x1aa: {  	v51 =	vmul.f32 $2.550000000e+02, v40;
	v12 =	vand.u32 $0xFF, v48;
	v9 =	vld.idx.msk [tilespmem:v9+s5+$0x0], $0xffff  }
0x1ab: {  	v54 =	vld [tilespmem:s29+$0xD50];
	v5 =	vadd.f32 $8.388608000e+06, v11;
	v11 =	vand.u32 $0xFF, v50  }
0x1ac: {  	v52 =	vadd.f32 $8.388608000e+06, v51;
	v53 =	vmul.f32 $2.550000000e+02, v46;
	v22 =	vld [tilespmem:s26+$0xD50];
	[tilespmem:s25+$0x8D20] =	vst v44  }
0x1ad: {  	v5 =	vand.u32 $0xFF, v5;
	v16 =	vmul.f32 $2.550000000e+02, v49;
	v4 =	vld.idx.msk [tilespmem:v4+s5+$0x0], $0xffff  }
0x1ae: {  	v58 =	vld [tilespmem:s29+$0xD60];
	v13 =	vand.u32 $0xFF, v52;
	[tilespmem:s26+$0x8D20] =	vst v10;
	v10 =	vadd.f32 $8.388608000e+06, v53  }
0x1af: {  	v2 =	vmul.f32 $2.550000000e+02, v2;
	v55 =	vadd.f32 $8.388608000e+06, v16;
	[tilespmem:s29+$0x8D20] =	vst v9;
	v9 =	vld.idx.msk [tilespmem:v12+s5+$0x0], $0xffff  }
0x1b0: {  	v14 =	vmul.f32 $2.550000000e+02, v25;
	v10 =	vand.u32 $0xFF, v10;
	v11 =	vld.idx.msk [tilespmem:v11+s5+$0x0], $0xffff  }
0x1b1: {  	v2 =	vadd.f32 $8.388608000e+06, v2;
	[tilespmem:s24+$0x8D30] =	vst v3;
	v7 =	vld [tilespmem:s25+$0xD60];
	v3 =	vand.u32 $0xFF, v55  }
0x1b2: {  	v5 =	vld.idx.msk [tilespmem:v5+s5+$0x0], $0xffff;
	v56 =	vmul.f32 $2.550000000e+02, v22;
	[tilespmem:s25+$0x8D30] =	vst v4;
	v4 =	vadd.f32 $8.388608000e+06, v14  }
0x1b3: {  	v2 =	vand.u32 $0xFF, v2;
	v57 =	vmul.f32 $2.550000000e+02, v54;
	v13 =	vld.idx.msk [tilespmem:v13+s5+$0x0], $0xffff  }
0x1b4: {  	v6 =	vld [tilespmem:s25+$0xD70];
	v4 =	vand.u32 $0xFF, v4;
	[tilespmem:s26+$0x8D30] =	vst v9;
	v9 =	vadd.f32 $8.388608000e+06, v56  }
0x1b5: {  	v10 =	vld.idx.msk [tilespmem:v10+s5+$0x0], $0xffff;
	[tilespmem:s29+$0x8D30] =	vst v11;
	v11 =	vadd.f32 $8.388608000e+06, v57  }
0x1b6: {  	v1 =	vmul.f32 $2.550000000e+02, v1;
	v9 =	vand.u32 $0xFF, v9;
	v3 =	vld.idx.msk [tilespmem:v3+s5+$0x0], $0xffff  }
0x1b7: {  	v8 =	vld [tilespmem:s26+$0xD70];
	[tilespmem:s24+$0x8D40] =	vst v5;
	v5 =	vmul.f32 $2.550000000e+02, v7;
	v7 =	vand.u32 $0xFF, v11  }
0x1b8: {  	v1 =	vadd.f32 $8.388608000e+06, v1;
	v2 =	vld.idx.msk [tilespmem:v2+s5+$0x0], $0xffff;
	[tilespmem:s25+$0x8D40] =	vst v13;
	v11 =	vmul.f32 $2.550000000e+02, v34  }
0x1b9: {  	v5 =	vadd.f32 $8.388608000e+06, v5;
	v12 =	vmul.f32 $2.550000000e+02, v58;
	v4 =	vld.idx.msk [tilespmem:v4+s5+$0x0], $0xffff  }
0x1ba: {  	v1 =	vand.u32 $0xFF, v1;
	[tilespmem:s26+$0x8D40] =	vst v10;
	v10 =	vadd.f32 $8.388608000e+06, v11;
	v11 =	vld [tilespmem:s29+$0xD70]  }
0x1bb: {  	v5 =	vand.u32 $0xFF, v5;
	v9 =	vld.idx.msk [tilespmem:v9+s5+$0x0], $0xffff;
	[tilespmem:s29+$0x8D40] =	vst v3;
	v3 =	vadd.f32 $8.388608000e+06, v12  }
0x1bc: {  	v0 =	vmul.f32 $2.550000000e+02, v0;
	v10 =	vand.u32 $0xFF, v10;
	v7 =	vld.idx.msk [tilespmem:v7+s5+$0x0], $0xffff  }
0x1bd: {  	v6 =	vmul.f32 $2.550000000e+02, v6;
	v3 =	vand.u32 $0xFF, v3  }
0x1be: {  	v0 =	vadd.f32 $8.388608000e+06, v0;
	[tilespmem:s24+$0x8D50] =	vst v2;
	v2 =	vmul.f32 $2.550000000e+02, v8  }
0x1bf: {  	v1 =	vld.idx.msk [tilespmem:v1+s5+$0x0], $0xffff;
	[tilespmem:s25+$0x8D50] =	vst v4;
	v4 =	vadd.f32 $8.388608000e+06, v6;
	v6 =	vmul.f32 $2.550000000e+02, v11  }
0x1c0: {  	v0 =	vand.u32 $0xFF, v0;
	v2 =	vadd.f32 $8.388608000e+06, v2;
	v5 =	vld.idx.msk [tilespmem:v5+s5+$0x0], $0xffff;
	[tilespmem:s26+$0x8D50] =	vst v9  }
0x1c1: {  	v4 =	vand.u32 $0xFF, v4;
	v8 =	vld.idx.msk [tilespmem:v10+s5+$0x0], $0xffff;
	[tilespmem:s29+$0x8D50] =	vst v7;
	v6 =	vadd.f32 $8.388608000e+06, v6  }
0x1c2: {  	v2 =	vand.u32 $0xFF, v2;
	v3 =	vld.idx.msk [tilespmem:v3+s5+$0x0], $0xffff  }
0x1c3: {  	v6 =	vand.u32 $0xFF, v6  }
0x1c4: {  	[tilespmem:s24+$0x8D60] =	vst v1  }
0x1c5: {  	v0 =	vld.idx.msk [tilespmem:v0+s5+$0x0], $0xffff;
	[tilespmem:s25+$0x8D60] =	vst v5  }
0x1c6: {  	v1 =	vld.idx.msk [tilespmem:v4+s5+$0x0], $0xffff;
	[tilespmem:s26+$0x8D60] =	vst v8  }
0x1c7: {  	v2 =	vld.idx.msk [tilespmem:v2+s5+$0x0], $0xffff;
	[tilespmem:s29+$0x8D60] =	vst v3  }
0x1c8: {  	v3 =	vld.idx.msk [tilespmem:v6+s5+$0x0], $0xffff;
	_ =	sdelay $0x1  }
0x1c9: {  	[tilespmem:s24+$0x8D70] =	vst v0  }
0x1ca: {  	s0 =	sadd.s32 s6, s28;
	[tilespmem:s25+$0x8D70] =	vst v1  }
0x1cb: {  	s0 =	sshrl.u32 s0, $0x3;
	[tilespmem:s26+$0x8D70] =	vst v2  }
0x1cc: {  	p1 =	seq.s32 s23, $0xB;
	s0 =	sadd.s32 s4, s0;
	[tilespmem:s29+$0x8D70] =	vst v3  }
0x1cd: {  	[hbm4b:s0+s5] =	stream.linear.scatter [tilespmem:s17], [sflag:$0x3], $0x4000, $0x38;
	[tilespmem:$0x10100] =	vst v63  }
0x1ce: {  	s0 =	sadd.s32 @!p1 s28, s10  }
0x1cf: {  	s0 =	sshrl.u32 @!p1 s0, $0x3  }
0x1d0: {  	s2 =	simm.s32 @!p1 $0x0;
	s24 =	simm.s32 @!p1 $0x100;
	s0 =	sadd.s32 @!p1 s1, s0  }
0x1d1: {  	[tilespmem:s24], [sflag:$0x1] =	stream.linear.gather @!p1 [hbm4b:s0+s2], $0x4000, $0x38;
	[tilespmem:$0x10100] =	vst v63  }
0x1d2: {  	_ =	swait.ge [sflag:s18], $0x4000  }
0x1d3: {  	[sflag:s18] =	ssyncset.done $0x0  }
0x1d4: {  	s0 =	simm.s32 @!p0 $0x4;
	[sflag:s18] =	ssyncadd.s32 $0xFFFFC000  }
0x1d5: {  	s25 =	simm.s32 $0x0;
	_ =	swait.ge @!p0 [sflag:s0], $0x4000  }
0x1d6: {  	s26 =	sand.u32 $0x3000, s25;
	s2 =	sand.u32 $0x380, s25;
	[sflag:s0] =	ssyncset.done @!p0 $0x0  }
0x1d7: {  	s24 =	sor.u32 s2, s26;
	[sflag:s0] =	ssyncadd.s32 @!p0 $0xFFFFC000  }
0x1d8: {  	v0 =	vld [tilespmem:s24+$0x4100];
	_ =	sdelay $0x4  }
0x1d9: {  	v0 =	vmul.f32 $2.550000000e+02, v0  }
0x1da: {  	v1 =	vld [tilespmem:s24+$0x4110]  }
0x1db: {  	v0 =	vadd.f32 $8.388608000e+06, v0;
	_ =	sdelay $0x1  }
0x1dc: {  	v0 =	vand.u32 $0xFF, v0;
	_ =	sdelay $0x1  }
0x1dd: {  	v1 =	vmul.f32 $2.550000000e+02, v1  }
0x1de: {  	v2 =	vld [tilespmem:s24+$0x4120]  }
0x1df: {  	v1 =	vadd.f32 $8.388608000e+06, v1  }
0x1e0: {  	v0 =	vld.idx.msk [tilespmem:v0+s5+$0x0], $0xffff  }
0x1e1: {  	v1 =	vand.u32 $0xFF, v1;
	_ =	sdelay $0x1  }
0x1e2: {  	v2 =	vmul.f32 $2.550000000e+02, v2  }
0x1e3: {  	v3 =	vld [tilespmem:s24+$0x4130]  }
0x1e4: {  	[tilespmem:s24+$0xC100] =	vst v0;
	v0 =	vadd.f32 $8.388608000e+06, v2  }
0x1e5: {  	v1 =	vld.idx.msk [tilespmem:v1+s5+$0x0], $0xffff  }
0x1e6: {  	v0 =	vand.u32 $0xFF, v0;
	_ =	sdelay $0x1  }
0x1e7: {  	v2 =	vmul.f32 $2.550000000e+02, v3  }
0x1e8: {  	v3 =	vld [tilespmem:s24+$0x4140]  }
0x1e9: {  	[tilespmem:s24+$0xC110] =	vst v1;
	v1 =	vadd.f32 $8.388608000e+06, v2  }
0x1ea: {  	v0 =	vld.idx.msk [tilespmem:v0+s5+$0x0], $0xffff  }
0x1eb: {  	v1 =	vand.u32 $0xFF, v1;
	_ =	sdelay $0x1  }
0x1ec: {  	v2 =	vmul.f32 $2.550000000e+02, v3  }
0x1ed: {  	v3 =	vld [tilespmem:s24+$0x4150]  }
0x1ee: {  	[tilespmem:s24+$0xC120] =	vst v0;
	v0 =	vadd.f32 $8.388608000e+06, v2  }
0x1ef: {  	v1 =	vld.idx.msk [tilespmem:v1+s5+$0x0], $0xffff  }
0x1f0: {  	v0 =	vand.u32 $0xFF, v0;
	_ =	sdelay $0x1  }
0x1f1: {  	v2 =	vmul.f32 $2.550000000e+02, v3  }
0x1f2: {  	v3 =	vld [tilespmem:s24+$0x4160]  }
0x1f3: {  	[tilespmem:s24+$0xC130] =	vst v1;
	v1 =	vadd.f32 $8.388608000e+06, v2  }
0x1f4: {  	v0 =	vld.idx.msk [tilespmem:v0+s5+$0x0], $0xffff  }
0x1f5: {  	v1 =	vand.u32 $0xFF, v1;
	_ =	sdelay $0x1  }
0x1f6: {  	v2 =	vmul.f32 $2.550000000e+02, v3  }
0x1f7: {  	v3 =	vld [tilespmem:s24+$0x4170]  }
0x1f8: {  	[tilespmem:s24+$0xC140] =	vst v0;
	v0 =	vadd.f32 $8.388608000e+06, v2  }
0x1f9: {  	v1 =	vld.idx.msk [tilespmem:v1+s5+$0x0], $0xffff  }
0x1fa: {  	v0 =	vand.u32 $0xFF, v0;
	_ =	sdelay $0x1  }
0x1fb: {  	v2 =	vmul.f32 $2.550000000e+02, v3  }
0x1fc: {  	v3 =	vld [tilespmem:s24+$0x4500]  }
0x1fd: {  	[tilespmem:s24+$0xC150] =	vst v1;
	v1 =	vadd.f32 $8.388608000e+06, v2  }
0x1fe: {  	v0 =	vld.idx.msk [tilespmem:v0+s5+$0x0], $0xffff  }
0x1ff: {  	v1 =	vand.u32 $0xFF, v1  }
0x200: {  	s25 =	simm.s32 $0x200;
	s26 =	simm.s32 $0x80  }
0x201: {  	s2 =	sand.u32 $0x380, s26;
	s0 =	sand.u32 $0x3000, s25;
	v2 =	vmul.f32 $2.550000000e+02, v3  }
0x202: {  	s25 =	sor.u32 s2, s0;
	v3 =	vld [tilespmem:s24+$0x4510]  }
0x203: {  	[tilespmem:s24+$0xC160] =	vst v0;
	v0 =	vadd.f32 $8.388608000e+06, v2;
	v2 =	vld [tilespmem:s25+$0x4100]  }
0x204: {  	v1 =	vld.idx.msk [tilespmem:v1+s5+$0x0], $0xffff;
	_ =	sdelay $0x1  }
0x205: {  	v0 =	vand.u32 $0xFF, v0;
	_ =	sdelay $0x1  }
0x206: {  	v3 =	vmul.f32 $2.550000000e+02, v3  }
0x207: {  	v4 =	vld [tilespmem:s24+$0x4520];
	[tilespmem:s24+$0xC170] =	vst v1;
	v1 =	vmul.f32 $2.550000000e+02, v2  }
0x208: {  	v2 =	vadd.f32 $8.388608000e+06, v3;
	v3 =	vld [tilespmem:s25+$0x4110]  }
0x209: {  	v0 =	vld.idx.msk [tilespmem:v0+s5+$0x0], $0xffff;
	v1 =	vadd.f32 $8.388608000e+06, v1  }
0x20a: {  	v2 =	vand.u32 $0xFF, v2  }
0x20b: {  	v1 =	vand.u32 $0xFF, v1  }
0x20c: {  	v4 =	vmul.f32 $2.550000000e+02, v4  }
0x20d: {  	v5 =	vld [tilespmem:s24+$0x4530];
	v3 =	vmul.f32 $2.550000000e+02, v3  }
0x20e: {  	v6 =	vld [tilespmem:s25+$0x4120];
	[tilespmem:s24+$0xC500] =	vst v0;
	v0 =	vadd.f32 $8.388608000e+06, v4  }
0x20f: {  	v2 =	vld.idx.msk [tilespmem:v2+s5+$0x0], $0xffff;
	v3 =	vadd.f32 $8.388608000e+06, v3  }
0x210: {  	v0 =	vand.u32 $0xFF, v0;
	v1 =	vld.idx.msk [tilespmem:v1+s5+$0x0], $0xffff  }
0x211: {  	v3 =	vand.u32 $0xFF, v3  }
0x212: {  	v4 =	vmul.f32 $2.550000000e+02, v5  }
0x213: {  	v6 =	vmul.f32 $2.550000000e+02, v6;
	v5 =	vld [tilespmem:s24+$0x4540]  }
0x214: {  	v7 =	vld [tilespmem:s25+$0x4130];
	[tilespmem:s24+$0xC510] =	vst v2;
	v2 =	vadd.f32 $8.388608000e+06, v4  }
0x215: {  	v0 =	vld.idx.msk [tilespmem:v0+s5+$0x0], $0xffff;
	[tilespmem:s25+$0xC100] =	vst v1;
	v1 =	vadd.f32 $8.388608000e+06, v6  }
0x216: {  	v2 =	vand.u32 $0xFF, v2;
	v3 =	vld.idx.msk [tilespmem:v3+s5+$0x0], $0xffff  }
0x217: {  	v1 =	vand.u32 $0xFF, v1  }
0x218: {  	v4 =	vmul.f32 $2.550000000e+02, v5  }
0x219: {  	v7 =	vmul.f32 $2.550000000e+02, v7;
	v5 =	vld [tilespmem:s24+$0x4550]  }
0x21a: {  	v6 =	vld [tilespmem:s25+$0x4140];
	[tilespmem:s24+$0xC520] =	vst v0;
	v0 =	vadd.f32 $8.388608000e+06, v4  }
0x21b: {  	v2 =	vld.idx.msk [tilespmem:v2+s5+$0x0], $0xffff;
	[tilespmem:s25+$0xC110] =	vst v3;
	v3 =	vadd.f32 $8.388608000e+06, v7  }
0x21c: {  	v0 =	vand.u32 $0xFF, v0;
	v1 =	vld.idx.msk [tilespmem:v1+s5+$0x0], $0xffff  }
0x21d: {  	v3 =	vand.u32 $0xFF, v3  }
0x21e: {  	v4 =	vmul.f32 $2.550000000e+02, v5  }
0x21f: {  	v5 =	vld [tilespmem:s24+$0x4560];
	v6 =	vmul.f32 $2.550000000e+02, v6  }
0x220: {  	v7 =	vld [tilespmem:s25+$0x4150];
	[tilespmem:s24+$0xC530] =	vst v2;
	v2 =	vadd.f32 $8.388608000e+06, v4  }
0x221: {  	v0 =	vld.idx.msk [tilespmem:v0+s5+$0x0], $0xffff;
	[tilespmem:s25+$0xC120] =	vst v1;
	v1 =	vadd.f32 $8.388608000e+06, v6  }
0x222: {  	v2 =	vand.u32 $0xFF, v2;
	v3 =	vld.idx.msk [tilespmem:v3+s5+$0x0], $0xffff  }
0x223: {  	v1 =	vand.u32 $0xFF, v1  }
0x224: {  	v4 =	vmul.f32 $2.550000000e+02, v5  }
0x225: {  	v5 =	vld [tilespmem:s24+$0x4570];
	v7 =	vmul.f32 $2.550000000e+02, v7  }
0x226: {  	v6 =	vld [tilespmem:s25+$0x4160];
	[tilespmem:s24+$0xC540] =	vst v0;
	v0 =	vadd.f32 $8.388608000e+06, v4  }
0x227: {  	v2 =	vld.idx.msk [tilespmem:v2+s5+$0x0], $0xffff;
	[tilespmem:s25+$0xC130] =	vst v3;
	v3 =	vadd.f32 $8.388608000e+06, v7  }
0x228: {  	v0 =	vand.u32 $0xFF, v0;
	v1 =	vld.idx.msk [tilespmem:v1+s5+$0x0], $0xffff  }
0x229: {  	v3 =	vand.u32 $0xFF, v3  }
0x22a: {  	v4 =	vmul.f32 $2.550000000e+02, v5  }
0x22b: {  	v5 =	vld [tilespmem:s24+$0x4900];
	v6 =	vmul.f32 $2.550000000e+02, v6  }
0x22c: {  	v7 =	vld [tilespmem:s25+$0x4170];
	[tilespmem:s24+$0xC550] =	vst v2;
	v2 =	vadd.f32 $8.388608000e+06, v4  }
0x22d: {  	v0 =	vld.idx.msk [tilespmem:v0+s5+$0x0], $0xffff;
	[tilespmem:s25+$0xC140] =	vst v1;
	v1 =	vadd.f32 $8.388608000e+06, v6  }
0x22e: {  	v2 =	vand.u32 $0xFF, v2;
	v3 =	vld.idx.msk [tilespmem:v3+s5+$0x0], $0xffff  }
0x22f: {  	v1 =	vand.u32 $0xFF, v1  }
0x230: {  	v4 =	vmul.f32 $2.550000000e+02, v5  }
0x231: {  	v5 =	vld [tilespmem:s24+$0x4910];
	v7 =	vmul.f32 $2.550000000e+02, v7  }
0x232: {  	v6 =	vld [tilespmem:s25+$0x4500];
	[tilespmem:s24+$0xC560] =	vst v0;
	v0 =	vadd.f32 $8.388608000e+06, v4  }
0x233: {  	v2 =	vld.idx.msk [tilespmem:v2+s5+$0x0], $0xffff;
	[tilespmem:s25+$0xC150] =	vst v3;
	v3 =	vadd.f32 $8.388608000e+06, v7  }
0x234: {  	v0 =	vand.u32 $0xFF, v0;
	v1 =	vld.idx.msk [tilespmem:v1+s5+$0x0], $0xffff  }
0x235: {  	s26 =	simm.s32 $0x100;
	s2 =	simm.s32 $0x400;
	v3 =	vand.u32 $0xFF, v3  }
0x236: {  	s0 =	sand.u32 $0x3000, s2;
	s2 =	sand.u32 $0x380, s26;
	v4 =	vmul.f32 $2.550000000e+02, v5;
	v5 =	vld [tilespmem:s24+$0x4920]  }
0x237: {  	s26 =	sor.u32 s2, s0;
	v6 =	vmul.f32 $2.550000000e+02, v6;
	v7 =	vld [tilespmem:s25+$0x4510]  }
0x238: {  	[tilespmem:s24+$0xC570] =	vst v2;
	v2 =	vadd.f32 $8.388608000e+06, v4;
	v4 =	vld [tilespmem:s26+$0x4100]  }
0x239: {  	v0 =	vld.idx.msk [tilespmem:v0+s5+$0x0], $0xffff;
	[tilespmem:s25+$0xC160] =	vst v1;
	v1 =	vadd.f32 $8.388608000e+06, v6  }
0x23a: {  	v2 =	vand.u32 $0xFF, v2;
	v3 =	vld.idx.msk [tilespmem:v3+s5+$0x0], $0xffff  }
0x23b: {  	v1 =	vand.u32 $0xFF, v1  }
0x23c: {  	v8 =	vld [tilespmem:s25+$0x4520];
	v5 =	vmul.f32 $2.550000000e+02, v5  }
0x23d: {  	v7 =	vmul.f32 $2.550000000e+02, v7;
	v6 =	vld [tilespmem:s24+$0x4930]  }
0x23e: {  	[tilespmem:s24+$0xC900] =	vst v0;
	v0 =	vmul.f32 $2.550000000e+02, v4;
	v4 =	vadd.f32 $8.388608000e+06, v5;
	v5 =	vld [tilespmem:s26+$0x4110]  }
0x23f: {  	v2 =	vld.idx.msk [tilespmem:v2+s5+$0x0], $0xffff;
	[tilespmem:s25+$0xC170] =	vst v3;
	v3 =	vadd.f32 $8.388608000e+06, v7  }
0x240: {  	v0 =	vadd.f32 $8.388608000e+06, v0;
	v4 =	vand.u32 $0xFF, v4;
	v1 =	vld.idx.msk [tilespmem:v1+s5+$0x0], $0xffff  }
0x241: {  	v3 =	vand.u32 $0xFF, v3  }
0x242: {  	v9 =	vld [tilespmem:s25+$0x4530];
	v6 =	vmul.f32 $2.550000000e+02, v6;
	v0 =	vand.u32 $0xFF, v0  }
0x243: {  	v8 =	vmul.f32 $2.550000000e+02, v8;
	v7 =	vld [tilespmem:s24+$0x4940]  }
0x244: {  	v10 =	vld [tilespmem:s26+$0x4120];
	[tilespmem:s24+$0xC910] =	vst v2;
	v2 =	vmul.f32 $2.550000000e+02, v5;
	v5 =	vadd.f32 $8.388608000e+06, v6  }
0x245: {  	[tilespmem:s25+$0xC500] =	vst v1;
	v1 =	vld.idx.msk [tilespmem:v4+s5+$0x0], $0xffff;
	v4 =	vadd.f32 $8.388608000e+06, v8  }
0x246: {  	v2 =	vadd.f32 $8.388608000e+06, v2;
	v5 =	vand.u32 $0xFF, v5;
	v3 =	vld.idx.msk [tilespmem:v3+s5+$0x0], $0xffff  }
0x247: {  	v0 =	vld.idx.msk [tilespmem:v0+s5+$0x0], $0xffff;
	v4 =	vand.u32 $0xFF, v4  }
0x248: {  	v11 =	vld [tilespmem:s26+$0x4130];
	v7 =	vmul.f32 $2.550000000e+02, v7;
	v2 =	vand.u32 $0xFF, v2  }
0x249: {  	v9 =	vmul.f32 $2.550000000e+02, v9;
	v6 =	vld [tilespmem:s24+$0x4950]  }
0x24a: {  	v8 =	vld [tilespmem:s25+$0x4540];
	v7 =	vadd.f32 $8.388608000e+06, v7;
	[tilespmem:s24+$0xC920] =	vst v1;
	v1 =	vmul.f32 $2.550000000e+02, v10  }
0x24b: {  	[tilespmem:s25+$0xC510] =	vst v3;
	v3 =	vld.idx.msk [tilespmem:v5+s5+$0x0], $0xffff;
	v5 =	vadd.f32 $8.388608000e+06, v9  }
0x24c: {  	[tilespmem:s26+$0xC100] =	vst v0;
	v0 =	vld.idx.msk [tilespmem:v4+s5+$0x0], $0xffff;
	v1 =	vadd.f32 $8.388608000e+06, v1;
	v4 =	vand.u32 $0xFF, v7  }
0x24d: {  	v2 =	vld.idx.msk [tilespmem:v2+s5+$0x0], $0xffff;
	v5 =	vand.u32 $0xFF, v5  }
0x24e: {  	v6 =	vmul.f32 $2.550000000e+02, v6;
	v10 =	vld [tilespmem:s26+$0x4140];
	v1 =	vand.u32 $0xFF, v1  }
0x24f: {  	v8 =	vmul.f32 $2.550000000e+02, v8;
	v7 =	vld [tilespmem:s24+$0x4960]  }
0x250: {  	v6 =	vadd.f32 $8.388608000e+06, v6;
	v9 =	vld [tilespmem:s25+$0x4550];
	[tilespmem:s24+$0xC930] =	vst v3;
	v3 =	vmul.f32 $2.550000000e+02, v11  }
0x251: {  	[tilespmem:s25+$0xC520] =	vst v0;
	v0 =	vld.idx.msk [tilespmem:v4+s5+$0x0], $0xffff;
	v4 =	vadd.f32 $8.388608000e+06, v8  }
0x252: {  	[tilespmem:s26+$0xC110] =	vst v2;
	v2 =	vld.idx.msk [tilespmem:v5+s5+$0x0], $0xffff;
	v3 =	vadd.f32 $8.388608000e+06, v3;
	v5 =	vand.u32 $0xFF, v6  }
0x253: {  	v1 =	vld.idx.msk [tilespmem:v1+s5+$0x0], $0xffff;
	v4 =	vand.u32 $0xFF, v4  }
0x254: {  	v11 =	vld [tilespmem:s26+$0x4150];
	v7 =	vmul.f32 $2.550000000e+02, v7;
	v3 =	vand.u32 $0xFF, v3  }
0x255: {  	v9 =	vmul.f32 $2.550000000e+02, v9;
	v8 =	vld [tilespmem:s25+$0x4560]  }
0x256: {  	v6 =	vld [tilespmem:s24+$0x4970];
	v7 =	vadd.f32 $8.388608000e+06, v7;
	[tilespmem:s24+$0xC940] =	vst v0;
	v0 =	vmul.f32 $2.550000000e+02, v10  }
0x257: {  	[tilespmem:s25+$0xC530] =	vst v2;
	v2 =	vld.idx.msk [tilespmem:v5+s5+$0x0], $0xffff;
	v5 =	vadd.f32 $8.388608000e+06, v9  }
0x258: {  	[tilespmem:s26+$0xC120] =	vst v1;
	v1 =	vld.idx.msk [tilespmem:v4+s5+$0x0], $0xffff;
	v0 =	vadd.f32 $8.388608000e+06, v0;
	v4 =	vand.u32 $0xFF, v7  }
0x259: {  	v3 =	vld.idx.msk [tilespmem:v3+s5+$0x0], $0xffff;
	v5 =	vand.u32 $0xFF, v5  }
0x25a: {  	v59 =	vld [tilespmem:s26+$0x4170];
	v0 =	vand.u32 $0xFF, v0  }
0x25b: {  	v9 =	vld [tilespmem:s25+$0x4570];
	v6 =	vmul.f32 $2.550000000e+02, v6  }
0x25c: {  	v8 =	vmul.f32 $2.550000000e+02, v8;
	v7 =	vld [tilespmem:s24+$0x4D00];
	[tilespmem:s24+$0xC950] =	vst v2  }
0x25d: {  	[tilespmem:s25+$0xC540] =	vst v1;
	v1 =	vld.idx.msk [tilespmem:v4+s5+$0x0], $0xffff;
	v4 =	vadd.f32 $8.388608000e+06, v6  }
0x25e: {  	v2 =	vmul.f32 $2.550000000e+02, v11;
	[tilespmem:s26+$0xC130] =	vst v3;
	v3 =	vld.idx.msk [tilespmem:v5+s5+$0x0], $0xffff;
	v5 =	vadd.f32 $8.388608000e+06, v8  }
0x25f: {  	v6 =	vld.idx.msk [tilespmem:v0+s5+$0x0], $0xffff;
	v4 =	vand.u32 $0xFF, v4  }
0x260: {  	v10 =	vld [tilespmem:s26+$0x4160];
	v2 =	vadd.f32 $8.388608000e+06, v2;
	v5 =	vand.u32 $0xFF, v5  }
0x261: {  	v60 =	vld [tilespmem:s26+$0x4500]  }
0x262: {  	v11 =	vld [tilespmem:s25+$0x4900];
	v9 =	vmul.f32 $2.550000000e+02, v9;
	v2 =	vand.u32 $0xFF, v2;
	[tilespmem:s24+$0xC960] =	vst v1  }
0x263: {  	v7 =	vmul.f32 $2.550000000e+02, v7;
	v8 =	vld [tilespmem:s24+$0x4D10];
	[tilespmem:s25+$0xC550] =	vst v3  }
0x264: {  	v3 =	vld.idx.msk [tilespmem:v4+s5+$0x0], $0xffff;
	[tilespmem:s26+$0xC140] =	vst v6;
	v6 =	vadd.f32 $8.388608000e+06, v9  }
0x265: {  	v1 =	vmul.f32 $2.550000000e+02, v10;
	v4 =	vadd.f32 $8.388608000e+06, v7;
	v5 =	vld.idx.msk [tilespmem:v5+s5+$0x0], $0xffff  }
0x266: {  	v0 =	vld [tilespmem:s24+$0x4D70];
	v6 =	vand.u32 $0xFF, v6  }
0x267: {  	v7 =	vadd.f32 $8.388608000e+06, v1;
	v2 =	vld.idx.msk [tilespmem:v2+s5+$0x0], $0xffff;
	v4 =	vand.u32 $0xFF, v4  }
0x268: {  	v9 =	vld [tilespmem:s24+$0x4D20]  }
0x269: {  	v10 =	vld [tilespmem:s25+$0x4910];
	v8 =	vmul.f32 $2.550000000e+02, v8;
	v7 =	vand.u32 $0xFF, v7  }
0x26a: {  	v11 =	vmul.f32 $2.550000000e+02, v11;
	v1 =	vld [tilespmem:s24+$0x4D60];
	[tilespmem:s25+$0xC560] =	vst v5  }
0x26b: {  	[tilespmem:s24+$0xC970] =	vst v3;
	v3 =	vadd.f32 $8.388608000e+06, v8;
	v5 =	vld.idx.msk [tilespmem:v6+s5+$0x0], $0xffff;
	v6 =	vmul.f32 $2.550000000e+02, v59  }
0x26c: {  	[tilespmem:s26+$0xC150] =	vst v2;
	v2 =	vadd.f32 $8.388608000e+06, v11;
	v4 =	vld.idx.msk [tilespmem:v4+s5+$0x0], $0xffff  }
0x26d: {  	v62 =	vmul.f32 $2.550000000e+02, v9;
	v9 =	vld [tilespmem:s26+$0x4510];
	v8 =	vand.u32 $0xFF, v3;
	v11 =	vadd.f32 $8.388608000e+06, v6  }
0x26e: {  	v7 =	vld.idx.msk [tilespmem:v7+s5+$0x0], $0xffff;
	v61 =	vand.u32 $0xFF, v2  }
0x26f: {  	v63 =	vmul.f32 $2.550000000e+02, v10;
	v3 =	vld [tilespmem:s24+$0x4D30];
	v10 =	vand.u32 $0xFF, v11  }
0x270: {  	v2 =	vld [tilespmem:s24+$0x4D50]  }
0x271: {  	s30 =	simm.s32 $0x180;
	v6 =	vld [tilespmem:s25+$0x4920];
	[tilespmem:s24+$0xCD00] =	vst v4  }
0x272: {  	s31 =	simm.s32 $0x800;
	s28 =	sshll.u32 s23, $0x6;
	s2 =	simm.s32 $0x600;
	v11 =	vmul.f32 $2.550000000e+02, v60;
	[tilespmem:s25+$0xC570] =	vst v5;
	v5 =	vadd.f32 $8.388608000e+06, v62;
	v4 =	vld.idx.msk [tilespmem:v8+s5+$0x0], $0xffff  }
0x273: {  	s29 =	sadd.s32 s28, s11;
	s0 =	sand.u32 $0x380, s30;
	s2 =	sand.u32 $0x3000, s2;
	[tilespmem:s26+$0xC160] =	vst v7;
	v7 =	vld.idx.msk [tilespmem:v61+s5+$0x0], $0xffff;
	v8 =	vadd.f32 $8.388608000e+06, v63  }
.LBB2_5:
0x274: {  	p0 =	sne.s32 s31, $0x3E00;
	s2 =	sor.u32 s0, s2;
	v10 =	vld.idx.msk [tilespmem:v10+s5+$0x0], $0xffff;
	v11 =	vadd.f32 $8.388608000e+06, v11;
	v5 =	vand.u32 $0xFF, v5  }
0x275: {  	v12 =	vld [tilespmem:s2+$0x4100];
	v8 =	vand.u32 $0xFF, v8  }
0x276: {  	v11 =	vand.u32 $0xFF, v11;
	v13 =	vld [tilespmem:s24+$0x4D40]  }
0x277: {  	v3 =	vmul.f32 $2.550000000e+02, v3;
	v14 =	vld [tilespmem:s25+$0x4930]  }
0x278: {  	v6 =	vmul.f32 $2.550000000e+02, v6;
	v15 =	vld [tilespmem:s26+$0x4520];
	[tilespmem:s24+$0xCD10] =	vst v4  }
0x279: {  	v3 =	vadd.f32 $8.388608000e+06, v3;
	v4 =	vmul.f32 $2.550000000e+02, v9;
	[tilespmem:s25+$0xC900] =	vst v7;
	v5 =	vld.idx.msk [tilespmem:v5+s5+$0x0], $0xffff  }
0x27a: {  	v6 =	vadd.f32 $8.388608000e+06, v6;
	v7 =	vmul.f32 $2.550000000e+02, v12;
	[tilespmem:s26+$0xC170] =	vst v10;
	v8 =	vld.idx.msk [tilespmem:v8+s5+$0x0], $0xffff  }
0x27b: {  	v3 =	vand.u32 $0xFF, v3;
	v4 =	vadd.f32 $8.388608000e+06, v4;
	v9 =	vld.idx.msk [tilespmem:v11+s5+$0x0], $0xffff  }
0x27c: {  	v6 =	vand.u32 $0xFF, v6;
	v7 =	vadd.f32 $8.388608000e+06, v7;
	v10 =	vld [tilespmem:s2+$0x4110]  }
0x27d: {  	v4 =	vand.u32 $0xFF, v4;
	v11 =	vld [tilespmem:s25+$0x4940]  }
0x27e: {  	v13 =	vmul.f32 $2.550000000e+02, v13;
	v7 =	vand.u32 $0xFF, v7;
	v12 =	vld [tilespmem:s26+$0x4530]  }
0x27f: {  	v14 =	vmul.f32 $2.550000000e+02, v14;
	v16 =	vld [tilespmem:s2+$0x4120];
	[tilespmem:s24+$0xCD20] =	vst v5  }
0x280: {  	v5 =	vmul.f32 $2.550000000e+02, v15;
	[tilespmem:s25+$0xC910] =	vst v8;
	v3 =	vld.idx.msk [tilespmem:v3+s5+$0x0], $0xffff;
	v8 =	vadd.f32 $8.388608000e+06, v13  }
0x281: {  	v10 =	vmul.f32 $2.550000000e+02, v10;
	[tilespmem:s26+$0xC500] =	vst v9;
	v6 =	vld.idx.msk [tilespmem:v6+s5+$0x0], $0xffff;
	v9 =	vadd.f32 $8.388608000e+06, v14  }
0x282: {  	v5 =	vadd.f32 $8.388608000e+06, v5;
	v4 =	vld.idx.msk [tilespmem:v4+s5+$0x0], $0xffff;
	v8 =	vand.u32 $0xFF, v8  }
0x283: {  	v7 =	vld.idx.msk [tilespmem:v7+s5+$0x0], $0xffff;
	v10 =	vadd.f32 $8.388608000e+06, v10;
	v9 =	vand.u32 $0xFF, v9  }
0x284: {  	v5 =	vand.u32 $0xFF, v5;
	v13 =	vld [tilespmem:s25+$0x4950]  }
0x285: {  	v2 =	vmul.f32 $2.550000000e+02, v2;
	v10 =	vand.u32 $0xFF, v10;
	v14 =	vld [tilespmem:s26+$0x4540]  }
0x286: {  	v11 =	vmul.f32 $2.550000000e+02, v11;
	v15 =	vld [tilespmem:s2+$0x4130];
	[tilespmem:s24+$0xCD30] =	vst v3  }
0x287: {  	v2 =	vadd.f32 $8.388608000e+06, v2;
	v3 =	vmul.f32 $2.550000000e+02, v12;
	[tilespmem:s25+$0xC920] =	vst v6;
	v6 =	vld.idx.msk [tilespmem:v8+s5+$0x0], $0xffff  }
0x288: {  	v8 =	vmul.f32 $2.550000000e+02, v16;
	[tilespmem:s26+$0xC510] =	vst v4;
	v4 =	vld.idx.msk [tilespmem:v9+s5+$0x0], $0xffff;
	v9 =	vadd.f32 $8.388608000e+06, v11  }
0x289: {  	v2 =	vand.u32 $0xFF, v2;
	v3 =	vadd.f32 $8.388608000e+06, v3;
	[tilespmem:s2+$0xC100] =	vst v7;
	v5 =	vld.idx.msk [tilespmem:v5+s5+$0x0], $0xffff  }
0x28a: {  	v8 =	vadd.f32 $8.388608000e+06, v8;
	v7 =	vld.idx.msk [tilespmem:v10+s5+$0x0], $0xffff;
	v9 =	vand.u32 $0xFF, v9  }
0x28b: {  	v3 =	vand.u32 $0xFF, v3;
	v10 =	vld [tilespmem:s25+$0x4960]  }
0x28c: {  	v1 =	vmul.f32 $2.550000000e+02, v1;
	v8 =	vand.u32 $0xFF, v8;
	v11 =	vld [tilespmem:s26+$0x4550]  }
0x28d: {  	v13 =	vmul.f32 $2.550000000e+02, v13;
	v12 =	vld [tilespmem:s2+$0x4140];
	[tilespmem:s24+$0xCD40] =	vst v6  }
0x28e: {  	v1 =	vadd.f32 $8.388608000e+06, v1;
	v6 =	vmul.f32 $2.550000000e+02, v14;
	[tilespmem:s25+$0xC930] =	vst v4;
	v2 =	vld.idx.msk [tilespmem:v2+s5+$0x0], $0xffff  }
0x28f: {  	v4 =	vmul.f32 $2.550000000e+02, v15;
	[tilespmem:s26+$0xC520] =	vst v5;
	v5 =	vld.idx.msk [tilespmem:v9+s5+$0x0], $0xffff;
	v9 =	vadd.f32 $8.388608000e+06, v13  }
0x290: {  	v1 =	vand.u32 $0xFF, v1;
	v6 =	vadd.f32 $8.388608000e+06, v6;
	[tilespmem:s2+$0xC110] =	vst v7;
	v3 =	vld.idx.msk [tilespmem:v3+s5+$0x0], $0xffff  }
0x291: {  	v4 =	vadd.f32 $8.388608000e+06, v4;
	v7 =	vld.idx.msk [tilespmem:v8+s5+$0x0], $0xffff;
	v8 =	vand.u32 $0xFF, v9  }
0x292: {  	v6 =	vand.u32 $0xFF, v6;
	v9 =	vld [tilespmem:s25+$0x4970]  }
0x293: {  	v0 =	vmul.f32 $2.550000000e+02, v0;
	v4 =	vand.u32 $0xFF, v4;
	v13 =	vld [tilespmem:s26+$0x4560]  }
0x294: {  	v10 =	vmul.f32 $2.550000000e+02, v10;
	v14 =	vld [tilespmem:s2+$0x4150];
	[tilespmem:s24+$0xCD50] =	vst v2  }
0x295: {  	v0 =	vadd.f32 $8.388608000e+06, v0;
	v2 =	vmul.f32 $2.550000000e+02, v11;
	[tilespmem:s25+$0xC940] =	vst v5;
	v1 =	vld.idx.msk [tilespmem:v1+s5+$0x0], $0xffff  }
0x296: {  	v5 =	vmul.f32 $2.550000000e+02, v12;
	[tilespmem:s26+$0xC530] =	vst v3;
	v3 =	vld.idx.msk [tilespmem:v8+s5+$0x0], $0xffff;
	v8 =	vadd.f32 $8.388608000e+06, v10  }
0x297: {  	v0 =	vand.u32 $0xFF, v0;
	v2 =	vadd.f32 $8.388608000e+06, v2;
	[tilespmem:s2+$0xC120] =	vst v7;
	v6 =	vld.idx.msk [tilespmem:v6+s5+$0x0], $0xffff  }
0x298: {  	v5 =	vadd.f32 $8.388608000e+06, v5;
	v4 =	vld.idx.msk [tilespmem:v4+s5+$0x0], $0xffff;
	v7 =	vand.u32 $0xFF, v8  }
0x299: {  	v2 =	vand.u32 $0xFF, v2;
	v8 =	vld [tilespmem:s25+$0x4D00]  }
0x29a: {  	v5 =	vand.u32 $0xFF, v5;
	v10 =	vld [tilespmem:s26+$0x4570]  }
0x29b: {  	v9 =	vmul.f32 $2.550000000e+02, v9;
	v11 =	vld [tilespmem:s2+$0x4160];
	[tilespmem:s24+$0xCD60] =	vst v1  }
0x29c: {  	v1 =	vmul.f32 $2.550000000e+02, v13;
	[tilespmem:s25+$0xC950] =	vst v3;
	v3 =	vld.idx.msk [tilespmem:v0+s5+$0x0], $0xffff  }
0x29d: {  	v0 =	vmul.f32 $2.550000000e+02, v14;
	[tilespmem:s26+$0xC540] =	vst v6;
	v6 =	vld.idx.msk [tilespmem:v7+s5+$0x0], $0xffff;
	v7 =	vadd.f32 $8.388608000e+06, v9  }
0x29e: {  	v1 =	vadd.f32 $8.388608000e+06, v1;
	[tilespmem:s2+$0xC130] =	vst v4;
	v2 =	vld.idx.msk [tilespmem:v2+s5+$0x0], $0xffff  }
0x29f: {  	v4 =	vld.idx.msk [tilespmem:v5+s5+$0x0], $0xffff;
	v5 =	vadd.f32 $8.388608000e+06, v0;
	v7 =	vand.u32 $0xFF, v7  }
0x2a0: {  	v1 =	vand.u32 $0xFF, v1;
	v0 =	vld [tilespmem:s25+$0x4D70]  }
0x2a1: {  	v5 =	vand.u32 $0xFF, v5;
	v9 =	vld [tilespmem:s25+$0x4D10]  }
0x2a2: {  	v8 =	vmul.f32 $2.550000000e+02, v8;
	v12 =	vld [tilespmem:s26+$0x4900];
	[tilespmem:s24+$0xCD70] =	vst v3;
	s24 =	smov.u32 s25;
	s25 =	smov.u32 s26;
	s26 =	smov.u32 s2  }
0x2a3: {  	v10 =	vmul.f32 $2.550000000e+02, v10;
	v3 =	vld [tilespmem:s26+$0x4170];
	[tilespmem:s24+$0xC960] =	vst v6  }
0x2a4: {  	v6 =	vmul.f32 $2.550000000e+02, v11;
	[tilespmem:s25+$0xC550] =	vst v2;
	v2 =	vld.idx.msk [tilespmem:v7+s5+$0x0], $0xffff;
	v7 =	vadd.f32 $8.388608000e+06, v8  }
0x2a5: {  	[tilespmem:s26+$0xC140] =	vst v4;
	v4 =	vld.idx.msk [tilespmem:v1+s5+$0x0], $0xffff;
	v1 =	vadd.f32 $8.388608000e+06, v10  }
0x2a6: {  	v6 =	vadd.f32 $8.388608000e+06, v6;
	v5 =	vld.idx.msk [tilespmem:v5+s5+$0x0], $0xffff;
	v7 =	vand.u32 $0xFF, v7  }
0x2a7: {  	v8 =	vand.u32 $0xFF, v1;
	v1 =	vld [tilespmem:s24+$0x4D60]  }
0x2a8: {  	v6 =	vand.u32 $0xFF, v6;
	v11 =	vld [tilespmem:s24+$0x4D20]  }
0x2a9: {  	v9 =	vmul.f32 $2.550000000e+02, v9;
	v13 =	vld [tilespmem:s25+$0x4910]  }
0x2aa: {  	v10 =	vmul.f32 $2.550000000e+02, v12;
	v14 =	vld [tilespmem:s26+$0x4500];
	[tilespmem:s24+$0xC970] =	vst v2  }
0x2ab: {  	v2 =	vmul.f32 $2.550000000e+02, v3;
	v3 =	vadd.f32 $8.388608000e+06, v9;
	[tilespmem:s25+$0xC560] =	vst v4;
	v4 =	vld.idx.msk [tilespmem:v7+s5+$0x0], $0xffff  }
0x2ac: {  	v7 =	vadd.f32 $8.388608000e+06, v10;
	[tilespmem:s26+$0xC150] =	vst v5;
	v5 =	vld.idx.msk [tilespmem:v8+s5+$0x0], $0xffff  }
0x2ad: {  	v12 =	vand.u32 $0xFF, v3;
	v8 =	vld.idx.msk [tilespmem:v6+s5+$0x0], $0xffff;
	v6 =	vadd.f32 $8.388608000e+06, v2  }
0x2ae: {  	v7 =	vand.u32 $0xFF, v7;
	v2 =	vld [tilespmem:s24+$0x4D50]  }
.Ltmp3:
0x2af: {  	v10 =	vand.u32 $0xFF, v6;
	v3 =	vld [tilespmem:s24+$0x4D30];
	(pc) =	sbr.rel @p0 .LBB2_5-.Ltmp3, $4  }
0x2b0: {  	v15 =	vmul.f32 $2.550000000e+02, v11;
	v6 =	vld [tilespmem:s25+$0x4920]  }
0x2b1: {  	v13 =	vmul.f32 $2.550000000e+02, v13;
	v9 =	vld [tilespmem:s26+$0x4510];
	[tilespmem:s24+$0xCD00] =	vst v4  }
0x2b2: {  	s30 =	sadd.s32 $0x80, s30;
	v11 =	vmul.f32 $2.550000000e+02, v14;
	[tilespmem:s25+$0xC570] =	vst v5;
	v4 =	vld.idx.msk [tilespmem:v12+s5+$0x0], $0xffff;
	v5 =	vadd.f32 $8.388608000e+06, v15  }
0x2b3: {  	s0 =	sand.u32 $0x380, s30;
	s2 =	sand.u32 $0x3000, s31;
	s31 =	sadd.s32 $0x200, s31;
	[tilespmem:s26+$0xC160] =	vst v8;
	v7 =	vld.idx.msk [tilespmem:v7+s5+$0x0], $0xffff;
	v8 =	vadd.f32 $8.388608000e+06, v13  }
0x2b4: {  	s30 =	sor.u32 s0, s2  }
0x2b5: {  	v12 =	vld [tilespmem:s30+$0x4100];
	_ =	sdelay $0x4  }
0x2b6: {  	v12 =	vmul.f32 $2.550000000e+02, v12  }
0x2b7: {  	v13 =	vld [tilespmem:s30+$0x4110]  }
0x2b8: {  	v12 =	vadd.f32 $8.388608000e+06, v12;
	_ =	sdelay $0x1  }
0x2b9: {  	v12 =	vand.u32 $0xFF, v12;
	_ =	sdelay $0x1  }
0x2ba: {  	v13 =	vmul.f32 $2.550000000e+02, v13  }
0x2bb: {  	v14 =	vld [tilespmem:s30+$0x4120]  }
0x2bc: {  	v13 =	vadd.f32 $8.388608000e+06, v13  }
0x2bd: {  	v12 =	vld.idx.msk [tilespmem:v12+s5+$0x0], $0xffff  }
0x2be: {  	v13 =	vand.u32 $0xFF, v13;
	_ =	sdelay $0x1  }
0x2bf: {  	v14 =	vmul.f32 $2.550000000e+02, v14  }
0x2c0: {  	v15 =	vld [tilespmem:s30+$0x4130]  }
0x2c1: {  	v37 =	vadd.f32 $8.388608000e+06, v14;
	[tilespmem:s30+$0xC100] =	vst v12  }
0x2c2: {  	v13 =	vld.idx.msk [tilespmem:v13+s5+$0x0], $0xffff  }
0x2c3: {  	v12 =	vand.u32 $0xFF, v37;
	_ =	sdelay $0x1  }
0x2c4: {  	v38 =	vmul.f32 $2.550000000e+02, v15  }
0x2c5: {  	v39 =	vld [tilespmem:s30+$0x4140]  }
0x2c6: {  	v40 =	vadd.f32 $8.388608000e+06, v38;
	[tilespmem:s30+$0xC110] =	vst v13  }
0x2c7: {  	v12 =	vld.idx.msk [tilespmem:v12+s5+$0x0], $0xffff  }
0x2c8: {  	v13 =	vand.u32 $0xFF, v40;
	_ =	sdelay $0x1  }
0x2c9: {  	v41 =	vmul.f32 $2.550000000e+02, v39  }
0x2ca: {  	v42 =	vld [tilespmem:s30+$0x4150]  }
0x2cb: {  	v43 =	vadd.f32 $8.388608000e+06, v41;
	[tilespmem:s30+$0xC120] =	vst v12  }
0x2cc: {  	v13 =	vld.idx.msk [tilespmem:v13+s5+$0x0], $0xffff  }
0x2cd: {  	v12 =	vand.u32 $0xFF, v43;
	_ =	sdelay $0x1  }
0x2ce: {  	v44 =	vmul.f32 $2.550000000e+02, v42  }
0x2cf: {  	v45 =	vld [tilespmem:s30+$0x4160]  }
0x2d0: {  	v46 =	vadd.f32 $8.388608000e+06, v44;
	[tilespmem:s30+$0xC130] =	vst v13  }
0x2d1: {  	v12 =	vld.idx.msk [tilespmem:v12+s5+$0x0], $0xffff  }
0x2d2: {  	v13 =	vand.u32 $0xFF, v46;
	_ =	sdelay $0x1  }
0x2d3: {  	v47 =	vmul.f32 $2.550000000e+02, v45  }
0x2d4: {  	v48 =	vld [tilespmem:s30+$0x4170]  }
0x2d5: {  	v49 =	vadd.f32 $8.388608000e+06, v47;
	[tilespmem:s30+$0xC140] =	vst v12  }
0x2d6: {  	v13 =	vld.idx.msk [tilespmem:v13+s5+$0x0], $0xffff  }
0x2d7: {  	v12 =	vand.u32 $0xFF, v49;
	_ =	sdelay $0x1  }
0x2d8: {  	v50 =	vmul.f32 $2.550000000e+02, v48  }
0x2d9: {  	v51 =	vld [tilespmem:s30+$0x4500]  }
0x2da: {  	v52 =	vadd.f32 $8.388608000e+06, v50;
	[tilespmem:s30+$0xC150] =	vst v13  }
0x2db: {  	v12 =	vld.idx.msk [tilespmem:v12+s5+$0x0], $0xffff  }
0x2dc: {  	v13 =	vand.u32 $0xFF, v52;
	_ =	sdelay $0x1  }
0x2dd: {  	v11 =	vadd.f32 $8.388608000e+06, v11;
	v10 =	vld.idx.msk [tilespmem:v10+s5+$0x0], $0xffff;
	v53 =	vmul.f32 $2.550000000e+02, v51  }
0x2de: {  	v54 =	vld [tilespmem:s30+$0x4510]  }
0x2df: {  	v11 =	vand.u32 $0xFF, v11;
	v55 =	vadd.f32 $8.388608000e+06, v53;
	[tilespmem:s30+$0xC160] =	vst v12  }
0x2e0: {  	v13 =	vld.idx.msk [tilespmem:v13+s5+$0x0], $0xffff  }
0x2e1: {  	v9 =	vmul.f32 $2.550000000e+02, v9;
	v12 =	vand.u32 $0xFF, v55  }
0x2e2: {  	v56 =	vld [tilespmem:s26+$0x4520]  }
0x2e3: {  	v57 =	vld [tilespmem:s30+$0x4520];
	v9 =	vadd.f32 $8.388608000e+06, v9;
	[tilespmem:s26+$0xC170] =	vst v10;
	v15 =	vmul.f32 $2.550000000e+02, v54  }
0x2e4: {  	v11 =	vld.idx.msk [tilespmem:v11+s5+$0x0], $0xffff  }
0x2e5: {  	v9 =	vand.u32 $0xFF, v9;
	v58 =	vadd.f32 $8.388608000e+06, v15;
	[tilespmem:s30+$0xC170] =	vst v13  }
0x2e6: {  	v12 =	vld.idx.msk [tilespmem:v12+s5+$0x0], $0xffff  }
0x2e7: {  	v14 =	vmul.f32 $2.550000000e+02, v56;
	v13 =	vand.u32 $0xFF, v58  }
0x2e8: {  	v59 =	vld [tilespmem:s26+$0x4530]  }
0x2e9: {  	v61 =	vld [tilespmem:s30+$0x4530];
	v10 =	vmul.f32 $2.550000000e+02, v57;
	v60 =	vadd.f32 $8.388608000e+06, v14;
	[tilespmem:s26+$0xC500] =	vst v11  }
0x2ea: {  	v9 =	vld.idx.msk [tilespmem:v9+s5+$0x0], $0xffff  }
0x2eb: {  	v10 =	vadd.f32 $8.388608000e+06, v10;
	v11 =	vand.u32 $0xFF, v60;
	[tilespmem:s30+$0xC500] =	vst v12  }
0x2ec: {  	v12 =	vld.idx.msk [tilespmem:v13+s5+$0x0], $0xffff  }
0x2ed: {  	v62 =	vmul.f32 $2.550000000e+02, v59;
	v10 =	vand.u32 $0xFF, v10  }
0x2ee: {  	v63 =	vld [tilespmem:s26+$0x4540]  }
0x2ef: {  	v18 =	vld [tilespmem:s30+$0x4540];
	v17 =	vadd.f32 $8.388608000e+06, v62;
	v14 =	vmul.f32 $2.550000000e+02, v61;
	[tilespmem:s26+$0xC510] =	vst v9  }
0x2f0: {  	v11 =	vld.idx.msk [tilespmem:v11+s5+$0x0], $0xffff  }
0x2f1: {  	v19 =	vadd.f32 $8.388608000e+06, v14;
	v9 =	vand.u32 $0xFF, v17;
	[tilespmem:s30+$0xC510] =	vst v12  }
0x2f2: {  	v10 =	vld.idx.msk [tilespmem:v10+s5+$0x0], $0xffff  }
0x2f3: {  	v20 =	vmul.f32 $2.550000000e+02, v63;
	v12 =	vand.u32 $0xFF, v19  }
0x2f4: {  	v21 =	vld [tilespmem:s26+$0x4550]  }
0x2f5: {  	v23 =	vld [tilespmem:s30+$0x4550];
	v22 =	vadd.f32 $8.388608000e+06, v20;
	[tilespmem:s26+$0xC520] =	vst v11;
	v13 =	vmul.f32 $2.550000000e+02, v18  }
0x2f6: {  	v9 =	vld.idx.msk [tilespmem:v9+s5+$0x0], $0xffff  }
0x2f7: {  	v11 =	vand.u32 $0xFF, v22;
	v24 =	vadd.f32 $8.388608000e+06, v13;
	[tilespmem:s30+$0xC520] =	vst v10  }
0x2f8: {  	v12 =	vld.idx.msk [tilespmem:v12+s5+$0x0], $0xffff  }
0x2f9: {  	v15 =	vmul.f32 $2.550000000e+02, v21;
	v10 =	vand.u32 $0xFF, v24  }
0x2fa: {  	v16 =	vld [tilespmem:s26+$0x4560]  }
0x2fb: {  	v27 =	vld [tilespmem:s30+$0x4560];
	v26 =	vadd.f32 $8.388608000e+06, v15;
	v14 =	vmul.f32 $2.550000000e+02, v23;
	[tilespmem:s26+$0xC530] =	vst v9  }
0x2fc: {  	v11 =	vld.idx.msk [tilespmem:v11+s5+$0x0], $0xffff  }
0x2fd: {  	v29 =	vand.u32 $0xFF, v26;
	v28 =	vadd.f32 $8.388608000e+06, v14;
	[tilespmem:s30+$0xC530] =	vst v12  }
0x2fe: {  	v8 =	vand.u32 $0xFF, v8;
	v30 =	vld.idx.msk [tilespmem:v10+s5+$0x0], $0xffff  }
0x2ff: {  	v25 =	vld [tilespmem:s25+$0x4930];
	v33 =	vmul.f32 $2.550000000e+02, v16;
	v31 =	vand.u32 $0xFF, v28  }
0x300: {  	v34 =	vld [tilespmem:s26+$0x4570];
	v6 =	vmul.f32 $2.550000000e+02, v6  }
0x301: {  	v36 =	vld [tilespmem:s30+$0x4570];
	v35 =	vadd.f32 $8.388608000e+06, v33;
	v15 =	vmul.f32 $2.550000000e+02, v27;
	[tilespmem:s26+$0xC540] =	vst v11  }
0x302: {  	v6 =	vadd.f32 $8.388608000e+06, v6;
	[tilespmem:s25+$0xC900] =	vst v7;
	v7 =	vld.idx.msk [tilespmem:v29+s5+$0x0], $0xffff  }
0x303: {  	v8 =	vld.idx.msk [tilespmem:v8+s5+$0x0], $0xffff;
	v37 =	vadd.f32 $8.388608000e+06, v15;
	v11 =	vand.u32 $0xFF, v35;
	[tilespmem:s30+$0xC540] =	vst v30  }
0x304: {  	v6 =	vand.u32 $0xFF, v6;
	v10 =	vld.idx.msk [tilespmem:v31+s5+$0x0], $0xffff  }
0x305: {  	v32 =	vld [tilespmem:s25+$0x4940];
	v40 =	vmul.f32 $2.550000000e+02, v34;
	v9 =	vand.u32 $0xFF, v37  }
0x306: {  	v41 =	vld [tilespmem:s26+$0x4900];
	v13 =	vmul.f32 $2.550000000e+02, v25  }
0x307: {  	v14 =	vmul.f32 $2.550000000e+02, v36;
	v42 =	vadd.f32 $8.388608000e+06, v40;
	v43 =	vld [tilespmem:s30+$0x4900];
	[tilespmem:s26+$0xC550] =	vst v7  }
0x308: {  	[tilespmem:s25+$0xC910] =	vst v8;
	v11 =	vld.idx.msk [tilespmem:v11+s5+$0x0], $0xffff;
	v38 =	vadd.f32 $8.388608000e+06, v13  }
0x309: {  	v6 =	vld.idx.msk [tilespmem:v6+s5+$0x0], $0xffff;
	v44 =	vadd.f32 $8.388608000e+06, v14;
	v7 =	vand.u32 $0xFF, v42;
	[tilespmem:s30+$0xC550] =	vst v10  }
0x30a: {  	v8 =	vand.u32 $0xFF, v38;
	v9 =	vld.idx.msk [tilespmem:v9+s5+$0x0], $0xffff  }
0x30b: {  	v47 =	vmul.f32 $2.550000000e+02, v41;
	v10 =	vand.u32 $0xFF, v44  }
0x30c: {  	v48 =	vld [tilespmem:s26+$0x4910];
	v12 =	vmul.f32 $2.550000000e+02, v32  }
0x30d: {  	v50 =	vld [tilespmem:s30+$0x4910];
	v15 =	vmul.f32 $2.550000000e+02, v43;
	v49 =	vadd.f32 $8.388608000e+06, v47;
	[tilespmem:s26+$0xC560] =	vst v11  }
0x30e: {  	[tilespmem:s25+$0xC920] =	vst v6;
	v7 =	vld.idx.msk [tilespmem:v7+s5+$0x0], $0xffff;
	v45 =	vadd.f32 $8.388608000e+06, v12  }
0x30f: {  	v51 =	vadd.f32 $8.388608000e+06, v15;
	v11 =	vand.u32 $0xFF, v49;
	v8 =	vld.idx.msk [tilespmem:v8+s5+$0x0], $0xffff;
	[tilespmem:s30+$0xC560] =	vst v9  }
0x310: {  	v6 =	vand.u32 $0xFF, v45;
	v10 =	vld.idx.msk [tilespmem:v10+s5+$0x0], $0xffff  }
0x311: {  	v39 =	vld [tilespmem:s25+$0x4950];
	v9 =	vand.u32 $0xFF, v51  }
0x312: {  	v57 =	vld [tilespmem:s30+$0x4920];
	v54 =	vmul.f32 $2.550000000e+02, v48  }
0x313: {  	v14 =	vmul.f32 $2.550000000e+02, v50;
	[tilespmem:s26+$0xC570] =	vst v7;
	v55 =	vld [tilespmem:s26+$0x4920]  }
0x314: {  	v56 =	vadd.f32 $8.388608000e+06, v54;
	v11 =	vld.idx.msk [tilespmem:v11+s5+$0x0], $0xffff;
	[tilespmem:s25+$0xC930] =	vst v8  }
0x315: {  	v58 =	vadd.f32 $8.388608000e+06, v14;
	v6 =	vld.idx.msk [tilespmem:v6+s5+$0x0], $0xffff;
	[tilespmem:s30+$0xC570] =	vst v10  }
0x316: {  	v59 =	vand.u32 $0xFF, v56;
	v13 =	vmul.f32 $2.550000000e+02, v39;
	v60 =	vld.idx.msk [tilespmem:v9+s5+$0x0], $0xffff  }
0x317: {  	v46 =	vld [tilespmem:s25+$0x4960];
	v10 =	vand.u32 $0xFF, v58  }
0x318: {  	v63 =	vmul.f32 $2.550000000e+02, v55;
	v52 =	vadd.f32 $8.388608000e+06, v13  }
0x319: {  	v20 =	vld [tilespmem:s26+$0x4930];
	v15 =	vmul.f32 $2.550000000e+02, v57;
	[tilespmem:s26+$0xC900] =	vst v11  }
0x31a: {  	v22 =	vld [tilespmem:s30+$0x4930];
	v21 =	vadd.f32 $8.388608000e+06, v63;
	v8 =	vand.u32 $0xFF, v52;
	[tilespmem:s25+$0xC940] =	vst v6  }
0x31b: {  	v23 =	vadd.f32 $8.388608000e+06, v15;
	v6 =	vld.idx.msk [tilespmem:v59+s5+$0x0], $0xffff;
	[tilespmem:s30+$0xC900] =	vst v60  }
0x31c: {  	v11 =	vand.u32 $0xFF, v21;
	v12 =	vmul.f32 $2.550000000e+02, v46;
	v10 =	vld.idx.msk [tilespmem:v10+s5+$0x0], $0xffff  }
0x31d: {  	v53 =	vld [tilespmem:s25+$0x4970];
	v7 =	vand.u32 $0xFF, v23  }
0x31e: {  	v5 =	vand.u32 $0xFF, v5;
	v25 =	vld [tilespmem:s26+$0x4940];
	v24 =	vmul.f32 $2.550000000e+02, v20;
	v61 =	vadd.f32 $8.388608000e+06, v12  }
0x31f: {  	v14 =	vmul.f32 $2.550000000e+02, v22;
	v8 =	vld.idx.msk [tilespmem:v8+s5+$0x0], $0xffff  }
0x320: {  	v27 =	vld [tilespmem:s30+$0x4940];
	v26 =	vadd.f32 $8.388608000e+06, v24;
	[tilespmem:s26+$0xC910] =	vst v6;
	v9 =	vand.u32 $0xFF, v61  }
0x321: {  	v28 =	vadd.f32 $8.388608000e+06, v14;
	v11 =	vld.idx.msk [tilespmem:v11+s5+$0x0], $0xffff;
	[tilespmem:s30+$0xC910] =	vst v10  }
0x322: {  	[tilespmem:s24+$0xCD10] =	vst v4;
	v29 =	vand.u32 $0xFF, v26;
	v7 =	vld.idx.msk [tilespmem:v7+s5+$0x0], $0xffff  }
0x323: {  	v5 =	vld.idx.msk [tilespmem:v5+s5+$0x0], $0xffff;
	v13 =	vmul.f32 $2.550000000e+02, v53;
	v10 =	vand.u32 $0xFF, v28  }
0x324: {  	v17 =	vld [tilespmem:s26+$0x4950];
	v15 =	vmul.f32 $2.550000000e+02, v25;
	[tilespmem:s25+$0xC950] =	vst v8  }
0x325: {  	v13 =	vadd.f32 $8.388608000e+06, v13;
	v8 =	vld.idx.msk [tilespmem:v9+s5+$0x0], $0xffff;
	v9 =	vmul.f32 $2.550000000e+02, v27  }
0x326: {  	v32 =	vld [tilespmem:s30+$0x4950];
	v31 =	vadd.f32 $8.388608000e+06, v15;
	[tilespmem:s26+$0xC920] =	vst v11  }
0x327: {  	v3 =	vmul.f32 $2.550000000e+02, v3;
	v13 =	vand.u32 $0xFF, v13;
	v14 =	vld.idx.msk [tilespmem:v29+s5+$0x0], $0xffff;
	v33 =	vadd.f32 $8.388608000e+06, v9;
	[tilespmem:s30+$0xC920] =	vst v7  }
0x328: {  	v34 =	vand.u32 $0xFF, v31;
	v10 =	vld.idx.msk [tilespmem:v10+s5+$0x0], $0xffff  }
0x329: {  	v3 =	vadd.f32 $8.388608000e+06, v3;
	v62 =	vld [tilespmem:s25+$0x4D00];
	v7 =	vand.u32 $0xFF, v33  }
0x32a: {  	v36 =	vld [tilespmem:s26+$0x4960];
	v35 =	vmul.f32 $2.550000000e+02, v17  }
0x32b: {  	v3 =	vand.u32 $0xFF, v3;
	v37 =	vld [tilespmem:s30+$0x4960];
	v15 =	vmul.f32 $2.550000000e+02, v32;
	[tilespmem:s25+$0xC960] =	vst v8  }
0x32c: {  	[tilespmem:s26+$0xC930] =	vst v14;
	v8 =	vld.idx.msk [tilespmem:v13+s5+$0x0], $0xffff;
	v13 =	vadd.f32 $8.388608000e+06, v35  }
0x32d: {  	v38 =	vadd.f32 $8.388608000e+06, v15;
	v9 =	vld.idx.msk [tilespmem:v34+s5+$0x0], $0xffff;
	[tilespmem:s30+$0xC930] =	vst v10  }
0x32e: {  	v13 =	vand.u32 $0xFF, v13;
	v39 =	vld.idx.msk [tilespmem:v7+s5+$0x0], $0xffff  }
0x32f: {  	[tilespmem:s24+$0xCD20] =	vst v5;
	v12 =	vmul.f32 $2.550000000e+02, v62;
	v10 =	vand.u32 $0xFF, v38  }
0x330: {  	v3 =	vld.idx.msk [tilespmem:v3+s5+$0x0], $0xffff;
	v17 =	vmul.f32 $2.550000000e+02, v36  }
0x331: {  	v19 =	vld [tilespmem:s26+$0x4970];
	v12 =	vadd.f32 $8.388608000e+06, v12;
	v14 =	vmul.f32 $2.550000000e+02, v37  }
0x332: {  	v41 =	vld [tilespmem:s30+$0x4970];
	v40 =	vadd.f32 $8.388608000e+06, v17;
	[tilespmem:s26+$0xC940] =	vst v9  }
0x333: {  	v12 =	vand.u32 $0xFF, v12;
	v14 =	vadd.f32 $8.388608000e+06, v14;
	v13 =	vld.idx.msk [tilespmem:v13+s5+$0x0], $0xffff;
	[tilespmem:s30+$0xC940] =	vst v39  }
0x334: {  	v42 =	vand.u32 $0xFF, v40;
	v43 =	vld.idx.msk [tilespmem:v10+s5+$0x0], $0xffff  }
0x335: {  	v57 =	vld [tilespmem:s26+$0x4D60];
	v45 =	vand.u32 $0xFF, v14  }
0x336: {  	v47 =	vld [tilespmem:s26+$0x4D00];
	v46 =	vmul.f32 $2.550000000e+02, v19  }
0x337: {  	v17 =	vmul.f32 $2.550000000e+02, v41;
	v49 =	vld [tilespmem:s30+$0x4D00];
	[tilespmem:s25+$0xC970] =	vst v8  }
0x338: {  	v48 =	vadd.f32 $8.388608000e+06, v46;
	v44 =	vld.idx.msk [tilespmem:v12+s5+$0x0], $0xffff;
	[tilespmem:s26+$0xC950] =	vst v13  }
0x339: {  	v50 =	vadd.f32 $8.388608000e+06, v17;
	v20 =	vld.idx.msk [tilespmem:v42+s5+$0x0], $0xffff;
	[tilespmem:s30+$0xC950] =	vst v43  }
0x33a: {  	v13 =	vand.u32 $0xFF, v48;
	v12 =	vld.idx.msk [tilespmem:v45+s5+$0x0], $0xffff  }
0x33b: {  	v17 =	vand.u32 $0xFF, v50;
	v30 =	vld [tilespmem:s25+$0x4D10]  }
0x33c: {  	v23 =	vld [tilespmem:s26+$0x4D30];
	v19 =	vmul.f32 $2.550000000e+02, v47  }
0x33d: {  	v21 =	vld [tilespmem:s26+$0x4D10];
	v15 =	vmul.f32 $2.550000000e+02, v49  }
0x33e: {  	v53 =	vld [tilespmem:s30+$0x4D10];
	v19 =	vadd.f32 $8.388608000e+06, v19;
	[tilespmem:s26+$0xC960] =	vst v20  }
0x33f: {  	v54 =	vadd.f32 $8.388608000e+06, v15;
	v13 =	vld.idx.msk [tilespmem:v13+s5+$0x0], $0xffff;
	[tilespmem:s30+$0xC960] =	vst v12  }
0x340: {  	v55 =	vand.u32 $0xFF, v19;
	v16 =	vmul.f32 $2.550000000e+02, v30;
	v56 =	vld.idx.msk [tilespmem:v17+s5+$0x0], $0xffff  }
0x341: {  	v18 =	vld [tilespmem:s25+$0x4D20];
	v12 =	vand.u32 $0xFF, v54  }
0x342: {  	v22 =	vld [tilespmem:s26+$0x4D50];
	v51 =	vadd.f32 $8.388608000e+06, v16;
	v58 =	vmul.f32 $2.550000000e+02, v21  }
0x343: {  	v59 =	vld [tilespmem:s26+$0x4D20];
	v20 =	vmul.f32 $2.550000000e+02, v53  }
0x344: {  	v61 =	vld [tilespmem:s30+$0x4D20];
	v60 =	vadd.f32 $8.388608000e+06, v58;
	v9 =	vand.u32 $0xFF, v51;
	[tilespmem:s26+$0xC970] =	vst v13  }
0x345: {  	v62 =	vadd.f32 $8.388608000e+06, v20;
	v10 =	vld.idx.msk [tilespmem:v55+s5+$0x0], $0xffff;
	[tilespmem:s30+$0xC970] =	vst v56  }
0x346: {  	v18 =	vmul.f32 $2.550000000e+02, v18;
	v13 =	vand.u32 $0xFF, v60;
	v12 =	vld.idx.msk [tilespmem:v12+s5+$0x0], $0xffff  }
0x347: {  	v52 =	vld [tilespmem:s25+$0x4D30];
	v15 =	vand.u32 $0xFF, v62  }
0x348: {  	v18 =	vadd.f32 $8.388608000e+06, v18;
	v25 =	vld [tilespmem:s30+$0x4D30];
	v21 =	vmul.f32 $2.550000000e+02, v59;
	[tilespmem:s25+$0xCD00] =	vst v44  }
0x349: {  	v19 =	vmul.f32 $2.550000000e+02, v61;
	v9 =	vld.idx.msk [tilespmem:v9+s5+$0x0], $0xffff  }
0x34a: {  	v18 =	vand.u32 $0xFF, v18;
	v11 =	vld [tilespmem:s24+$0x4D40];
	v24 =	vadd.f32 $8.388608000e+06, v21;
	[tilespmem:s26+$0xCD00] =	vst v10  }
0x34b: {  	v27 =	vadd.f32 $8.388608000e+06, v19;
	v26 =	vld.idx.msk [tilespmem:v13+s5+$0x0], $0xffff;
	[tilespmem:s30+$0xCD00] =	vst v12  }
0x34c: {  	v28 =	vmul.f32 $2.550000000e+02, v52;
	v10 =	vand.u32 $0xFF, v24;
	v15 =	vld.idx.msk [tilespmem:v15+s5+$0x0], $0xffff  }
0x34d: {  	v63 =	vld [tilespmem:s25+$0x4D40];
	v29 =	vand.u32 $0xFF, v27  }
0x34e: {  	v32 =	vld [tilespmem:s26+$0x4D40];
	v31 =	vmul.f32 $2.550000000e+02, v23;
	v4 =	vadd.f32 $8.388608000e+06, v28;
	[tilespmem:s25+$0xCD10] =	vst v9  }
0x34f: {  	v33 =	vmul.f32 $2.550000000e+02, v25;
	v30 =	vld.idx.msk [tilespmem:v18+s5+$0x0], $0xffff  }
0x350: {  	v34 =	vadd.f32 $8.388608000e+06, v31;
	v35 =	vld [tilespmem:s30+$0x4D40];
	v4 =	vand.u32 $0xFF, v4;
	[tilespmem:s26+$0xCD10] =	vst v26  }
0x351: {  	v11 =	vmul.f32 $2.550000000e+02, v11;
	v36 =	vadd.f32 $8.388608000e+06, v33;
	v10 =	vld.idx.msk [tilespmem:v10+s5+$0x0], $0xffff;
	[tilespmem:s30+$0xCD10] =	vst v15  }
0x352: {  	v12 =	vand.u32 $0xFF, v34;
	v9 =	vld.idx.msk [tilespmem:v29+s5+$0x0], $0xffff  }
0x353: {  	v6 =	vld [tilespmem:s25+$0x4D70];
	v37 =	vmul.f32 $2.550000000e+02, v63;
	v38 =	vadd.f32 $8.388608000e+06, v11;
	v39 =	vand.u32 $0xFF, v36  }
0x354: {  	v41 =	vmul.f32 $2.550000000e+02, v32;
	v14 =	vld [tilespmem:s25+$0x4D50];
	[tilespmem:s25+$0xCD20] =	vst v30  }
0x355: {  	v40 =	vadd.f32 $8.388608000e+06, v37;
	v16 =	vmul.f32 $2.550000000e+02, v35;
	v5 =	vand.u32 $0xFF, v38;
	v4 =	vld.idx.msk [tilespmem:v4+s5+$0x0], $0xffff  }
0x356: {  	v42 =	vadd.f32 $8.388608000e+06, v41;
	v43 =	vld [tilespmem:s30+$0x4D50];
	[tilespmem:s26+$0xCD20] =	vst v10  }
0x357: {  	v2 =	vmul.f32 $2.550000000e+02, v2;
	v45 =	vadd.f32 $8.388608000e+06, v16;
	v13 =	vand.u32 $0xFF, v40;
	v44 =	vld.idx.msk [tilespmem:v12+s5+$0x0], $0xffff;
	[tilespmem:s30+$0xCD20] =	vst v9  }
0x358: {  	v10 =	vand.u32 $0xFF, v42;
	v11 =	vld.idx.msk [tilespmem:v39+s5+$0x0], $0xffff  }
0x359: {  	v2 =	vadd.f32 $8.388608000e+06, v2;
	[tilespmem:s24+$0xCD30] =	vst v3;
	v14 =	vmul.f32 $2.550000000e+02, v14;
	v7 =	vld [tilespmem:s25+$0x4D60];
	v46 =	vand.u32 $0xFF, v45  }
0x35a: {  	v48 =	vmul.f32 $2.550000000e+02, v22;
	v5 =	vld.idx.msk [tilespmem:v5+s5+$0x0], $0xffff  }
0x35b: {  	v2 =	vand.u32 $0xFF, v2;
	v51 =	vld [tilespmem:s30+$0x4D60];
	v47 =	vadd.f32 $8.388608000e+06, v14;
	[tilespmem:s25+$0xCD30] =	vst v4;
	v49 =	vmul.f32 $2.550000000e+02, v43  }
0x35c: {  	v50 =	vadd.f32 $8.388608000e+06, v48;
	v13 =	vld.idx.msk [tilespmem:v13+s5+$0x0], $0xffff;
	[tilespmem:s26+$0xCD30] =	vst v44  }
0x35d: {  	v4 =	vand.u32 $0xFF, v47;
	v52 =	vadd.f32 $8.388608000e+06, v49;
	v10 =	vld.idx.msk [tilespmem:v10+s5+$0x0], $0xffff;
	[tilespmem:s30+$0xCD30] =	vst v11  }
0x35e: {  	v1 =	vmul.f32 $2.550000000e+02, v1;
	v9 =	vand.u32 $0xFF, v50;
	v3 =	vld.idx.msk [tilespmem:v46+s5+$0x0], $0xffff  }
0x35f: {  	v8 =	vld [tilespmem:s26+$0x4D70];
	v53 =	vmul.f32 $2.550000000e+02, v7;
	[tilespmem:s24+$0xCD40] =	vst v5;
	v54 =	vand.u32 $0xFF, v52  }
0x360: {  	v1 =	vadd.f32 $8.388608000e+06, v1;
	v2 =	vld.idx.msk [tilespmem:v2+s5+$0x0], $0xffff;
	v55 =	vmul.f32 $2.550000000e+02, v57  }
0x361: {  	v5 =	vadd.f32 $8.388608000e+06, v53;
	v57 =	vld [tilespmem:s30+$0x4D70];
	[tilespmem:s25+$0xCD40] =	vst v13;
	v12 =	vmul.f32 $2.550000000e+02, v51  }
0x362: {  	v1 =	vand.u32 $0xFF, v1;
	v56 =	vadd.f32 $8.388608000e+06, v55;
	v4 =	vld.idx.msk [tilespmem:v4+s5+$0x0], $0xffff;
	[tilespmem:s26+$0xCD40] =	vst v10  }
0x363: {  	v5 =	vand.u32 $0xFF, v5;
	v58 =	vadd.f32 $8.388608000e+06, v12;
	v9 =	vld.idx.msk [tilespmem:v9+s5+$0x0], $0xffff;
	[tilespmem:s30+$0xCD40] =	vst v3  }
0x364: {  	v0 =	vmul.f32 $2.550000000e+02, v0;
	v10 =	vand.u32 $0xFF, v56;
	v7 =	vld.idx.msk [tilespmem:v54+s5+$0x0], $0xffff  }
0x365: {  	v6 =	vmul.f32 $2.550000000e+02, v6;
	v3 =	vand.u32 $0xFF, v58  }
0x366: {  	v0 =	vadd.f32 $8.388608000e+06, v0;
	v59 =	vmul.f32 $2.550000000e+02, v8;
	[tilespmem:s24+$0xCD50] =	vst v2  }
0x367: {  	v60 =	vadd.f32 $8.388608000e+06, v6;
	v61 =	vmul.f32 $2.550000000e+02, v57;
	v1 =	vld.idx.msk [tilespmem:v1+s5+$0x0], $0xffff;
	[tilespmem:s25+$0xCD50] =	vst v4  }
0x368: {  	v0 =	vand.u32 $0xFF, v0;
	v2 =	vadd.f32 $8.388608000e+06, v59;
	v5 =	vld.idx.msk [tilespmem:v5+s5+$0x0], $0xffff;
	[tilespmem:s26+$0xCD50] =	vst v9  }
0x369: {  	v6 =	vadd.f32 $8.388608000e+06, v61;
	v4 =	vand.u32 $0xFF, v60;
	v62 =	vld.idx.msk [tilespmem:v10+s5+$0x0], $0xffff;
	[tilespmem:s30+$0xCD50] =	vst v7  }
0x36a: {  	v2 =	vand.u32 $0xFF, v2;
	v3 =	vld.idx.msk [tilespmem:v3+s5+$0x0], $0xffff  }
0x36b: {  	v6 =	vand.u32 $0xFF, v6  }
0x36c: {  	[tilespmem:s24+$0xCD60] =	vst v1  }
0x36d: {  	v0 =	vld.idx.msk [tilespmem:v0+s5+$0x0], $0xffff;
	[tilespmem:s25+$0xCD60] =	vst v5  }
0x36e: {  	v63 =	vld.idx.msk [tilespmem:v4+s5+$0x0], $0xffff;
	[tilespmem:s26+$0xCD60] =	vst v62  }
0x36f: {  	v2 =	vld.idx.msk [tilespmem:v2+s5+$0x0], $0xffff;
	[tilespmem:s30+$0xCD60] =	vst v3  }
0x370: {  	v3 =	vld.idx.msk [tilespmem:v6+s5+$0x0], $0xffff;
	_ =	sdelay $0x1  }
.Ltmp4:
0x371: {  	[tilespmem:s24+$0xCD70] =	vst v0;
	(pc) =	sbr.rel @p1 .LBB2_8-.Ltmp4, $4  }
0x372: {  	[tilespmem:s25+$0xCD70] =	vst v63  }
0x373: {  	s31 =	sshll.u32 s29, $0x6;
	[tilespmem:s26+$0xCD70] =	vst v2  }
0x374: {  	s0 =	sadd.s32 s4, s31;
	[tilespmem:s30+$0xCD70] =	vst v3  }
0x375: {  	[hbm4b:s0+s5] =	stream.linear.scatter [tilespmem:s19], [sflag:$0x4], $0x4000, $0x38;
	[tilespmem:$0x10100] =	vst v63  }
.Ltmp5:
0x376: {  	(pc) =	sbr.rel .LBB2_2-.Ltmp5, $4  }
0x377: {  	s0 =	sadd.s32 s28, s12  }
0x378: {  	s0 =	sshll.u32 s0, $0x6  }
0x379: {  	s23 =	sadd.s32 $0x1, s23;
	s0 =	sadd.s32 s1, s0  }
0x37a: {  	[tilespmem:s15], [sflag:$0x2] =	stream.linear.gather [hbm4b:s0+s5], $0x4000, $0x38;
	[tilespmem:$0x10100] =	vst v63  }
.LBB2_9:
0x37b: {  	_ =	sfence.sel $0x180000  }
0x37c: {  	[bflag:$0x0] =	sbarrier.arrive $0xFFFF  }
0x37d: {  	_ =	strace $0x90000047  }
0x37e: {  	s0 =	stileid.u32;
	[bflag:$0x2] =	sbarrier.arrive $0xFFFF  }
0x37f: {  	p0 =	sne.s32 s0, $0x0;
	s0 =	rddreg [dreg:$0x3]  }
0x380: {  	s0 =	sadd.s32 @!p0 $0x100000, s0  }
0x381: {  	[sflag:s0] =	ssyncadd.tile.s32 @!p0 $0x1;
	_ =	shalt  }
.Lfunc_end2:
_tile_overlayer_lowered:
.L_overlay_start_2:
0x382: {  	(tag) =	ssettag $0x2  }
0x383: {  	s0 =	rddreg [dreg:$0x0];
	s2 =	stileid.u32  }
0x384: {  	s1 =	rddreg [dreg:$0x1];
	p0 =	sne.s32 s2, $0x0  }
0x385: {  	s3 =	rddreg [dreg:$0x2];
	[bflag:$0x3] =	sbarrier.arrive $0xFFFF;
	s2 =	simm.s32 @!p0 $0x1C05  }
0x386: {  	[timem:s3], [sflag:s2] =	dma.local @!p0 [hbm:s0], s1  }
0x387: {  	s0 =	simm.s32 @!p0 $0x5  }
0x388: {  	_ =	swait.ge @!p0 [sflag:s0], s1  }
0x389: {  	s1 =	ssub.s32 @!p0 $0x0, s1;
	[sflag:s0] =	ssyncset.done @!p0 $0x0  }
0x38a: {  	[sflag:s0] =	ssyncadd.s32 @!p0 s1  }
0x38b: {  	[bflag:$0x3] =	sbarrier.arrive $0xFFFF  }
0x38c: {  	_ =	shalt  }

</sc_bundles>
